<compile_context>
chip_gen: v7x
topology: tpu7x:2x2x1
jax: 0.10.2.dev20260603
libtpu: 0.0.44.dev20260713+nightly
codegen_flags: <defaults>
</compile_context>

<pallas_src>
import functools

import jax
import jax.numpy as jnp
from jax import lax
from jax.experimental import pallas as pl
from jax.experimental.pallas import tpu as pltpu
from jax.experimental.pallas import tpu_sc as plsc

N_NODES = 10000
N_EDGES = 320000
IN_CH = 128
OUT_CH = 10
S = 16
BOUND = 10
COMB = S * (BOUND + 1)
NL = 3

NC = 2
NS = 16
NW = NC * NS
NPC = (N_NODES * S) // NS
SH = N_NODES * S + 64


def _argmax_onehot_t(zt):
    m = jnp.max(zt, axis=0, keepdims=True)
    row = lax.broadcasted_iota(jnp.int32, zt.shape, 0)
    idx = jnp.min(jnp.where(zt >= m, row, S), axis=0)
    ht = (row == idx[None, :]).astype(jnp.float32)
    return ht, idx


def _in_body(x_ref, win_ref, bin_ref, wout_ref, bout_ref,
             h_ref, s_ref, loss_ref, m_ref):
    zt = lax.dot_general(win_ref[...], x_ref[...], (((0,), (1,)), ((), ())),
                         preferred_element_type=jnp.float32) + bin_ref[...]
    ht, idx = _argmax_onehot_t(zt)
    h_ref[...] = ht
    s_ref[...] = idx.reshape(1, 1, N_NODES)
    d = ht - zt
    loss_ref[0, 0] = jnp.sum(d * d) / (N_NODES * S)
    mm = wout_ref[...] + bout_ref[...]
    sh = mm - jnp.max(mm, axis=1, keepdims=True)
    m_ref[...] = sh - jnp.log(jnp.sum(jnp.exp(sh), axis=1, keepdims=True))


_in_call = pl.pallas_call(
    _in_body,
    out_specs=[
        pl.BlockSpec((S, N_NODES), lambda: (0, 0)),
        pl.BlockSpec((1, 1, N_NODES), lambda: (0, 0, 0)),
        pl.BlockSpec(memory_space=pltpu.SMEM),
        pl.BlockSpec((S, OUT_CH), lambda: (0, 0)),
    ],
    out_shape=[
        jax.ShapeDtypeStruct((S, N_NODES), jnp.float32),
        jax.ShapeDtypeStruct((1, 1, N_NODES), jnp.int32),
        jax.ShapeDtypeStruct((1, 1), jnp.float32),
        jax.ShapeDtypeStruct((S, OUT_CH), jnp.float32),
    ],
)


def _update_body(final, cnt_ref, h_ref, wlt_ref, bl_ref, m_ref,
                 ho_ref, so_ref, loss_ref, out_ref):
    cnt = cnt_ref[0] + cnt_ref[1]
    c = jnp.clip(cnt, 0.0, float(BOUND))
    rrow = lax.broadcasted_iota(jnp.int32, (S * BOUND, S), 0)
    rcol = lax.broadcasted_iota(jnp.int32, (S * BOUND, S), 1)
    rep = (rrow // BOUND == rcol).astype(jnp.float32)
    cexp = jnp.dot(rep, c, preferred_element_type=jnp.float32)
    y = (lax.broadcasted_iota(jnp.int32, (S * BOUND, N_NODES), 0) % BOUND
         ).astype(jnp.float32)
    t = cexp - y
    el = jnp.where(t > 0, t, jnp.exp(t) - 1.0)
    st = jax.nn.sigmoid(el - 0.5)
    zt = (jnp.dot(wlt_ref[:, :S * BOUND], st,
                  preferred_element_type=jnp.float32)
          + jnp.dot(wlt_ref[:, S * BOUND:], h_ref[...],
                    preferred_element_type=jnp.float32)
          + bl_ref[...])
    ht, idx = _argmax_onehot_t(zt)
    ho_ref[...] = ht
    so_ref[...] = idx.reshape(1, 1, N_NODES)
    if final:
        out_ref[...] = lax.dot_general(m_ref[...], ht, (((0,), (0,)), ((), ())),
                                       preferred_element_type=jnp.float32)
    d = ht - zt
    loss_ref[0, 0] = jnp.sum(d * d) / (N_NODES * S)


def _make_update(final):
    out_specs = [
        pl.BlockSpec((S, N_NODES), lambda: (0, 0)),
        pl.BlockSpec((1, 1, N_NODES), lambda: (0, 0, 0)),
        pl.BlockSpec(memory_space=pltpu.SMEM),
    ]
    out_shape = [
        jax.ShapeDtypeStruct((S, N_NODES), jnp.float32),
        jax.ShapeDtypeStruct((1, 1, N_NODES), jnp.int32),
        jax.ShapeDtypeStruct((1, 1), jnp.float32),
    ]
    if final:
        out_specs.append(pl.BlockSpec((OUT_CH, N_NODES), lambda: (0, 0)))
        out_shape.append(jax.ShapeDtypeStruct((OUT_CH, N_NODES), jnp.float32))
    else:
        out_specs.append(pl.BlockSpec((1, 1), lambda: (0, 0)))
        out_shape.append(jax.ShapeDtypeStruct((1, 1), jnp.float32))
    return pl.pallas_call(
        functools.partial(_update_body, final),
        out_specs=out_specs,
        out_shape=out_shape,
    )


_update_call = _make_update(False)
_update_final_call = _make_update(True)


EBASE = 9984
EPAD = N_EDGES - (NW - 1) * EBASE


HEP = EPAD // 2


def _count_body(s_hbm, ei_hbm, out_hbm,
                s_v, ed_v, idx_a, idx_b, ones_v, zbuf, cnt_sh,
                sem_s, sem_e, sem_z, sem_a, sem_b, sem_b2):
    cid = lax.axis_index("c")
    sid = lax.axis_index("s")
    wid = cid * NS + sid
    base = wid * EBASE
    ngreal = jnp.where(wid == NW - 1, EPAD // 16, EBASE // 16)

    cs = pltpu.async_copy(s_hbm.at[0, 0], s_v, sem_s)
    ce_a = pltpu.async_copy(ei_hbm.at[:, pl.ds(base, HEP)],
                            ed_v.at[:, pl.ds(0, HEP)], sem_e)
    ce_b = pltpu.async_copy(ei_hbm.at[:, pl.ds(base + HEP, HEP)],
                            ed_v.at[:, pl.ds(HEP, HEP)], sem_b2)

    def zb(i, _):
        zbuf[pl.ds(i * 16, 16)] = jnp.zeros((16,), jnp.float32)
        return 0
    lax.fori_loop(0, NPC // 16, zb, 0, unroll=8)
    cz = pltpu.async_copy(zbuf, cnt_sh.at[pl.ds(sid * NPC, NPC)], sem_z)

    def ob(i, _):
        ones_v[pl.ds(i * 16, 16)] = jnp.ones((16,), jnp.float32)
        return 0
    lax.fori_loop(0, HEP // 16, ob, 0, unroll=8)

    with jax.named_scope("ph_wait_in"):
        cs.wait()
        ce_a.wait()

    with jax.named_scope("ph_gather_a"):
        @plsc.parallel_loop(0, HEP // 16, unroll=8)
        def ga(i):
            sv = ed_v[0, pl.ds(i * 16, 16)]
            dv = ed_v[1, pl.ds(i * 16, 16)]
            j = plsc.load_gather(s_v, [sv])
            idx_a[pl.ds(i * 16, 16)] = j * N_NODES + dv

    with jax.named_scope("ph_zwait"):
        cz.wait()
        plsc.subcore_barrier()
    ca = pltpu.async_copy(ones_v, cnt_sh.at[idx_a], sem_a, add=True)

    with jax.named_scope("ph_wait_in2"):
        ce_b.wait()
    with jax.named_scope("ph_gather_b"):
        @plsc.parallel_loop(0, HEP // 16, unroll=8)
        def gb(i):
            sv = ed_v[0, pl.ds(HEP + i * 16, 16)]
            dv = ed_v[1, pl.ds(HEP + i * 16, 16)]
            j = plsc.load_gather(s_v, [sv])
            idx_b[pl.ds(i * 16, 16)] = j * N_NODES + dv

        def pb(i, _):
            idx_b[pl.ds(i * 16, 16)] = jnp.full((16,), N_NODES * S, jnp.int32)
            return 0
        lax.fori_loop(jnp.maximum(ngreal - HEP // 16, 0), HEP // 16, pb, 0)

    cb = pltpu.async_copy(ones_v, cnt_sh.at[idx_b], sem_b, add=True)
    with jax.named_scope("ph_scatter"):
        ca.wait()
        cb.wait()
    with jax.named_scope("ph_bar2"):
        plsc.subcore_barrier()
    with jax.named_scope("ph_out"):
        pltpu.sync_copy(cnt_sh.at[pl.ds(sid * NPC, NPC)], zbuf)
        pltpu.sync_copy(zbuf,
                        out_hbm.at[pl.ds(cid * N_NODES * S + sid * NPC, NPC)])


@functools.cache
def _get_count_call():
  return functools.partial(
    pl.kernel,
    out_type=jax.ShapeDtypeStruct((NC * N_NODES * S,), jnp.float32),
    mesh=plsc.VectorSubcoreMesh(core_axis_name="c", subcore_axis_name="s"),
    compiler_params=pltpu.CompilerParams(needs_layout_passes=False),
    scratch_types=[
        pltpu.VMEM((N_NODES,), jnp.int32),
        pltpu.VMEM((2, EPAD), jnp.int32),
        pltpu.VMEM((HEP,), jnp.int32),
        pltpu.VMEM((HEP,), jnp.int32),
        pltpu.VMEM((HEP,), jnp.float32),
        pltpu.VMEM((NPC,), jnp.float32),
        pltpu.VMEM_SHARED((SH,), jnp.float32),
        pltpu.SemaphoreType.DMA,
        pltpu.SemaphoreType.DMA,
        pltpu.SemaphoreType.DMA,
        pltpu.SemaphoreType.DMA,
        pltpu.SemaphoreType.DMA,
        pltpu.SemaphoreType.DMA,
    ],
  )(_count_body)


def kernel(x, edge_index, W_in, b_in, W_layers, b_layers, W_out, b_out):
    W_layers_t = jnp.swapaxes(W_layers, 1, 2)
    h, s3, loss0, m = _in_call(x.astype(jnp.float32), W_in,
                               b_in.reshape(S, 1), W_out,
                               b_out.reshape(1, OUT_CH))
    losses = [loss0[0, 0]]
    for l in range(NL):
        cnt2 = _get_count_call()(s3, edge_index)
        cnt2 = cnt2.reshape(NC, S, N_NODES)
        call = _update_final_call if l == NL - 1 else _update_call
        h, s3, ll, out = call(cnt2, h, W_layers_t[l],
                              b_layers[l].reshape(S, 1), m)
        losses.append(ll[0, 0])
    return (out.T, jnp.stack(losses))

# --- scband reference (transcript-rebuilt; emitter-appended) ---
"""Pipeline reference for scband-bronze-age-gnn-47665547051868 (READ-ONLY COPY).

The authoritative reference and input builder live on the scoring server;
editing this copy changes nothing except your own understanding.
"""

import jax, jax.numpy as jnp
import numpy as np

N_NODES = 10000
N_EDGES = 320000
IN_CHANNELS = 128
OUT_CHANNELS = 10
STATE_SIZE = 16
NUM_LAYERS = 3
BOUNDING = 10
A = 1.0  # self.a is undefined in the original torch code; fixed steepness constant
COMB = STATE_SIZE * (BOUNDING + 1)


def setup_inputs(seed: int = 0) -> dict:
    key = jax.random.key(seed)
    ks = jax.random.split(key, 8)
    x = jax.random.normal(ks[0], (N_NODES, IN_CHANNELS), dtype=jnp.float32)
    edge_index = jax.random.randint(ks[1], (2, N_EDGES), 0, N_NODES, dtype=jnp.int32)
    W_in = jax.random.normal(ks[2], (IN_CHANNELS, STATE_SIZE), dtype=jnp.float32) / np.sqrt(IN_CHANNELS)
    b_in = jnp.zeros((STATE_SIZE,), dtype=jnp.float32)
    W_layers = jax.random.normal(ks[3], (NUM_LAYERS, COMB, STATE_SIZE), dtype=jnp.float32) / np.sqrt(COMB)
    b_layers = jnp.zeros((NUM_LAYERS, STATE_SIZE), dtype=jnp.float32)
    W_out = jax.random.normal(ks[4], (STATE_SIZE, OUT_CHANNELS), dtype=jnp.float32) / np.sqrt(STATE_SIZE)
    b_out = jnp.zeros((OUT_CHANNELS,), dtype=jnp.float32)
    return {"x": x, "edge_index": edge_index, "W_in": W_in, "b_in": b_in,
            "W_layers": W_layers, "b_layers": b_layers, "W_out": W_out, "b_out": b_out}


def _diff_argmax(z):
    # eval-mode GumbelSoftmax == differentiable_argmax (straight-through hard one-hot)
    y_soft = jax.nn.softmax(z, axis=-1)
    idx = jnp.argmax(y_soft, axis=-1)
    y_hard = jax.nn.one_hot(idx, z.shape[-1], dtype=z.dtype)
    return jax.lax.stop_gradient(y_hard) + y_soft - jax.lax.stop_gradient(y_soft)


def _bronze_layer(z, W, b):
    x1 = z @ W + b
    x2 = _diff_argmax(x1)
    loss = jnp.mean((x2 - x1) ** 2)
    return x2, loss


def reference(x, edge_index, W_in, b_in, W_layers, b_layers, W_out, b_out):
    # InputLayer: Linear(in_channels -> state_size) + straight-through argmax + mse entropy
    h, loss_in = _bronze_layer(x.astype(jnp.float32), W_in, b_in)
    losses = [loss_in]
    src = edge_index[0]
    dst = edge_index[1]
    y_range = jnp.arange(BOUNDING, dtype=jnp.float32)
    for l in range(NUM_LAYERS):
        # message: x_j gathered from source nodes; aggregate: scatter-add at dst
        messages = jnp.take(h, src, axis=0)
        sums = jax.ops.segment_sum(messages, dst, num_segments=N_NODES)
        clamped = jnp.clip(sums, 0.0, float(BOUNDING))
        # BRONZE_AGE state expansion
        states = jax.nn.elu(clamped[..., None] - y_range) - 0.5
        states = jax.nn.sigmoid(A * states)
        states = states.reshape(states.shape[0], -1)
        # update: cat(aggregated_states, x) -> BronzeAgeLayer
        combined = jnp.concatenate([states, h], axis=1)
        h, l_loss = _bronze_layer(combined, W_layers[l], b_layers[l])
        losses.append(l_loss)
    # PoolingLayer with LogSoftmax non-linearity (entropy term discarded as in torch code)
    x1 = h @ W_out + b_out
    out = jax.nn.log_softmax(x1, axis=-1)
    return (out, jnp.stack(losses))

if __name__ == "__main__":
    import jax
    _d = setup_inputs()
    print(jax.jit(kernel)(*tuple(_d.values())))

</pallas_src>

<mosaic_0001>
#map = affine_map<(d0, d1) -> (0, 0, 0)>
#map1 = affine_map<(d0, d1) -> (0, 0)>
#map2 = affine_map<(d0, d1) -> (0)>
module attributes {stable_mosaic.version = 14 : i64} {
  func.func @_count_body(%arg0: i32, %arg1: i32, %arg2: memref<1x1x10000xi32, #tpu.memory_space<hbm>>, %arg3: memref<2x320000xi32, #tpu.memory_space<hbm>>, %arg4: memref<320000xf32, #tpu.memory_space<hbm>>, %arg5: memref<10000xi32, #tpu.memory_space<vmem>>, %arg6: memref<2x10496xi32, #tpu.memory_space<vmem>>, %arg7: memref<5248xi32, #tpu.memory_space<vmem>>, %arg8: memref<5248xi32, #tpu.memory_space<vmem>>, %arg9: memref<5248xf32, #tpu.memory_space<vmem>>, %arg10: memref<10000xf32, #tpu.memory_space<vmem>>, %arg11: memref<160064xf32, #tpu.memory_space<vmem_shared>>, %arg12: memref<!tpu.dma_semaphore, #tpu.memory_space<semaphore_mem>>, %arg13: memref<!tpu.dma_semaphore, #tpu.memory_space<semaphore_mem>>, %arg14: memref<!tpu.dma_semaphore, #tpu.memory_space<semaphore_mem>>, %arg15: memref<!tpu.dma_semaphore, #tpu.memory_space<semaphore_mem>>, %arg16: memref<!tpu.dma_semaphore, #tpu.memory_space<semaphore_mem>>, %arg17: memref<!tpu.dma_semaphore, #tpu.memory_space<semaphore_mem>>) attributes {dimension_semantics = [#tpu.dimension_semantics<core_parallel>, #tpu.dimension_semantics<subcore_parallel>], iteration_bounds = array<i64: 2, 16>, scalar_prefetch = 0 : i64, scratch_operands = 13 : i64, tpu.core_type = #tpu.core_type<sc_vector_subcore>, window_params = [{transform_indices = #map}, {transform_indices = #map1}, {transform_indices = #map2}]} {
    %mul3A = arith.constant 16 : i32
    %mul3A_0 = arith.muli %arg0, %mul3A : i32
    %add3A = arith.addi %mul3A_0, %arg1 : i32
    %mul3A_1 = arith.constant 9984 : i32
    %mul3A_2 = arith.muli %add3A, %mul3A_1 : i32
    %eq3A = arith.constant 31 : i32
    %eq3A_3 = arith.cmpi eq, %add3A, %eq3A : i32
    %jit3A = arith.constant 656 : i32
    %jit3A_4 = arith.constant 624 : i32
    %select_n3A = arith.select %eq3A_3, %jit3A, %jit3A_4 : i32
    %dma_start3A = arith.constant 0 : i32
    %dma_start3A_5 = arith.constant 0 : i32
    %dma_start3A_6 = arith.constant 0 : i32
    %dma_start3A_7 = tpu.memref_slice %arg2[%dma_start3A, %dma_start3A_5, %dma_start3A_6] : memref<1x1x10000xi32, #tpu.memory_space<hbm>> -> memref<1x1x10000xi32, #tpu.memory_space<hbm>>
    %dma_start3A_8 = tpu.memref_squeeze %dma_start3A_7 : memref<1x1x10000xi32, #tpu.memory_space<hbm>> -> memref<10000xi32, #tpu.memory_space<hbm>>
    %dma_start3A_9 = arith.constant 0 : i32
    %dma_start3A_10 = tpu.memref_slice %arg2[%dma_start3A, %dma_start3A_5, %dma_start3A_9] : memref<1x1x10000xi32, #tpu.memory_space<hbm>> -> memref<1x1x10000xi32, #tpu.memory_space<hbm>>
    %dma_start3A_11 = tpu.memref_squeeze %dma_start3A_10 : memref<1x1x10000xi32, #tpu.memory_space<hbm>> -> memref<10000xi32, #tpu.memory_space<hbm>>
    tpu.enqueue_dma source(%dma_start3A_11 : memref<10000xi32, #tpu.memory_space<hbm>>) target(%arg5 : memref<10000xi32, #tpu.memory_space<vmem>>) target_semaphore(%arg12 : memref<!tpu.dma_semaphore, #tpu.memory_space<semaphore_mem>>)
    %dma_start3A_12 = arith.constant 0 : i32
    %dma_start3A_13 = arith.constant 0 : i32
    %dma_start3A_14 = tpu.memref_slice %arg6[%dma_start3A_12, %dma_start3A_13] : memref<2x10496xi32, #tpu.memory_space<vmem>> -> memref<2x5248xi32, #tpu.memory_space<vmem>>
    %dma_start3A_15 = arith.constant 0 : i32
    %dma_start3A_16 = tpu.memref_slice %arg3[%dma_start3A_15, %mul3A_2] : memref<2x320000xi32, #tpu.memory_space<hbm>> -> memref<2x5248xi32, #tpu.memory_space<hbm>>
    %dma_start3A_17 = arith.constant 0 : i32
    %dma_start3A_18 = arith.constant 0 : i32
    %dma_start3A_19 = tpu.memref_slice %arg6[%dma_start3A_17, %dma_start3A_18] : memref<2x10496xi32, #tpu.memory_space<vmem>> -> memref<2x5248xi32, #tpu.memory_space<vmem>>
    %dma_start3A_20 = arith.constant 0 : i32
    %dma_start3A_21 = tpu.memref_slice %arg3[%dma_start3A_20, %mul3A_2] : memref<2x320000xi32, #tpu.memory_space<hbm>> -> memref<2x5248xi32, #tpu.memory_space<hbm>>
    tpu.enqueue_dma source(%dma_start3A_21 : memref<2x5248xi32, #tpu.memory_space<hbm>>) target(%dma_start3A_19 : memref<2x5248xi32, #tpu.memory_space<vmem>>) target_semaphore(%arg13 : memref<!tpu.dma_semaphore, #tpu.memory_space<semaphore_mem>>)
    %add3A_22 = arith.constant 5248 : i32
    %add3A_23 = arith.addi %mul3A_2, %add3A_22 : i32
    %dma_start3A_24 = arith.constant 0 : i32
    %dma_start3A_25 = arith.constant 5248 : i32
    %dma_start3A_26 = tpu.memref_slice %arg6[%dma_start3A_24, %dma_start3A_25] : memref<2x10496xi32, #tpu.memory_space<vmem>> -> memref<2x5248xi32, #tpu.memory_space<vmem>>
    %dma_start3A_27 = arith.constant 0 : i32
    %dma_start3A_28 = tpu.memref_slice %arg3[%dma_start3A_27, %add3A_23] : memref<2x320000xi32, #tpu.memory_space<hbm>> -> memref<2x5248xi32, #tpu.memory_space<hbm>>
    %dma_start3A_29 = arith.constant 0 : i32
    %dma_start3A_30 = arith.constant 5248 : i32
    %dma_start3A_31 = tpu.memref_slice %arg6[%dma_start3A_29, %dma_start3A_30] : memref<2x10496xi32, #tpu.memory_space<vmem>> -> memref<2x5248xi32, #tpu.memory_space<vmem>>
    %dma_start3A_32 = arith.constant 0 : i32
    %dma_start3A_33 = tpu.memref_slice %arg3[%dma_start3A_32, %add3A_23] : memref<2x320000xi32, #tpu.memory_space<hbm>> -> memref<2x5248xi32, #tpu.memory_space<hbm>>
    tpu.enqueue_dma source(%dma_start3A_33 : memref<2x5248xi32, #tpu.memory_space<hbm>>) target(%dma_start3A_31 : memref<2x5248xi32, #tpu.memory_space<vmem>>) target_semaphore(%arg17 : memref<!tpu.dma_semaphore, #tpu.memory_space<semaphore_mem>>)
    %scan3A = arith.constant 0 : i32
    %scan3A_34 = arith.constant 0 : i32
    %scan3A_35 = arith.constant 624 : i32
    %scan3A_36 = arith.addi %scan3A_34, %scan3A_35 : i32
    %scan3A_37 = arith.constant 8 : i32
    %scan3A_38 = scf.for %scan3A_123 = %scan3A_34 to %scan3A_36 step %scan3A_37 iter_args(%scan3A_124 = %scan3A) -> (i32)  : i32 {
      %broadcast_in_dim3A_125 = arith.constant 0.000000e+00 : f32
      %broadcast_in_dim3A_126 = vector.broadcast %broadcast_in_dim3A_125 : f32 to vector<16xf32>
      %mul3A_127 = arith.constant 16 : i32
      %mul3A_128 = arith.muli %scan3A_123, %mul3A_127 : i32
      %swap3A_129 = arith.index_cast %mul3A_128 : i32 to index
      %swap3A_130 = tpu.vector_load %arg10[%swap3A_129] {strides = array<i32>} : memref<10000xf32, #tpu.memory_space<vmem>>, vector<16xf32>,
      tpu.vector_store %arg10[%swap3A_129], %broadcast_in_dim3A_126 {strides = array<i32>} : memref<10000xf32, #tpu.memory_space<vmem>>, vector<16xf32>,
      %scan3A_131 = arith.constant 0 : i32
      %scan3A_132 = arith.constant 1 : i32
      %scan3A_133 = arith.addi %scan3A_123, %scan3A_132 : i32
      %broadcast_in_dim3A_134 = arith.constant 0.000000e+00 : f32
      %broadcast_in_dim3A_135 = vector.broadcast %broadcast_in_dim3A_134 : f32 to vector<16xf32>
      %mul3A_136 = arith.constant 16 : i32
      %mul3A_137 = arith.muli %scan3A_133, %mul3A_136 : i32
      %swap3A_138 = arith.index_cast %mul3A_137 : i32 to index
      %swap3A_139 = tpu.vector_load %arg10[%swap3A_138] {strides = array<i32>} : memref<10000xf32, #tpu.memory_space<vmem>>, vector<16xf32>,
      tpu.vector_store %arg10[%swap3A_138], %broadcast_in_dim3A_135 {strides = array<i32>} : memref<10000xf32, #tpu.memory_space<vmem>>, vector<16xf32>,
      %scan3A_140 = arith.constant 0 : i32
      %scan3A_141 = arith.constant 2 : i32
      %scan3A_142 = arith.addi %scan3A_123, %scan3A_141 : i32
      %broadcast_in_dim3A_143 = arith.constant 0.000000e+00 : f32
      %broadcast_in_dim3A_144 = vector.broadcast %broadcast_in_dim3A_143 : f32 to vector<16xf32>
      %mul3A_145 = arith.constant 16 : i32
      %mul3A_146 = arith.muli %scan3A_142, %mul3A_145 : i32
      %swap3A_147 = arith.index_cast %mul3A_146 : i32 to index
      %swap3A_148 = tpu.vector_load %arg10[%swap3A_147] {strides = array<i32>} : memref<10000xf32, #tpu.memory_space<vmem>>, vector<16xf32>,
      tpu.vector_store %arg10[%swap3A_147], %broadcast_in_dim3A_144 {strides = array<i32>} : memref<10000xf32, #tpu.memory_space<vmem>>, vector<16xf32>,
      %scan3A_149 = arith.constant 0 : i32
      %scan3A_150 = arith.constant 3 : i32
      %scan3A_151 = arith.addi %scan3A_123, %scan3A_150 : i32
      %broadcast_in_dim3A_152 = arith.constant 0.000000e+00 : f32
      %broadcast_in_dim3A_153 = vector.broadcast %broadcast_in_dim3A_152 : f32 to vector<16xf32>
      %mul3A_154 = arith.constant 16 : i32
      %mul3A_155 = arith.muli %scan3A_151, %mul3A_154 : i32
      %swap3A_156 = arith.index_cast %mul3A_155 : i32 to index
      %swap3A_157 = tpu.vector_load %arg10[%swap3A_156] {strides = array<i32>} : memref<10000xf32, #tpu.memory_space<vmem>>, vector<16xf32>,
      tpu.vector_store %arg10[%swap3A_156], %broadcast_in_dim3A_153 {strides = array<i32>} : memref<10000xf32, #tpu.memory_space<vmem>>, vector<16xf32>,
      %scan3A_158 = arith.constant 0 : i32
      %scan3A_159 = arith.constant 4 : i32
      %scan3A_160 = arith.addi %scan3A_123, %scan3A_159 : i32
      %broadcast_in_dim3A_161 = arith.constant 0.000000e+00 : f32
      %broadcast_in_dim3A_162 = vector.broadcast %broadcast_in_dim3A_161 : f32 to vector<16xf32>
      %mul3A_163 = arith.constant 16 : i32
      %mul3A_164 = arith.muli %scan3A_160, %mul3A_163 : i32
      %swap3A_165 = arith.index_cast %mul3A_164 : i32 to index
      %swap3A_166 = tpu.vector_load %arg10[%swap3A_165] {strides = array<i32>} : memref<10000xf32, #tpu.memory_space<vmem>>, vector<16xf32>,
      tpu.vector_store %arg10[%swap3A_165], %broadcast_in_dim3A_162 {strides = array<i32>} : memref<10000xf32, #tpu.memory_space<vmem>>, vector<16xf32>,
      %scan3A_167 = arith.constant 0 : i32
      %scan3A_168 = arith.constant 5 : i32
      %scan3A_169 = arith.addi %scan3A_123, %scan3A_168 : i32
      %broadcast_in_dim3A_170 = arith.constant 0.000000e+00 : f32
      %broadcast_in_dim3A_171 = vector.broadcast %broadcast_in_dim3A_170 : f32 to vector<16xf32>
      %mul3A_172 = arith.constant 16 : i32
      %mul3A_173 = arith.muli %scan3A_169, %mul3A_172 : i32
      %swap3A_174 = arith.index_cast %mul3A_173 : i32 to index
      %swap3A_175 = tpu.vector_load %arg10[%swap3A_174] {strides = array<i32>} : memref<10000xf32, #tpu.memory_space<vmem>>, vector<16xf32>,
      tpu.vector_store %arg10[%swap3A_174], %broadcast_in_dim3A_171 {strides = array<i32>} : memref<10000xf32, #tpu.memory_space<vmem>>, vector<16xf32>,
      %scan3A_176 = arith.constant 0 : i32
      %scan3A_177 = arith.constant 6 : i32
      %scan3A_178 = arith.addi %scan3A_123, %scan3A_177 : i32
      %broadcast_in_dim3A_179 = arith.constant 0.000000e+00 : f32
      %broadcast_in_dim3A_180 = vector.broadcast %broadcast_in_dim3A_179 : f32 to vector<16xf32>
      %mul3A_181 = arith.constant 16 : i32
      %mul3A_182 = arith.muli %scan3A_178, %mul3A_181 : i32
      %swap3A_183 = arith.index_cast %mul3A_182 : i32 to index
      %swap3A_184 = tpu.vector_load %arg10[%swap3A_183] {strides = array<i32>} : memref<10000xf32, #tpu.memory_space<vmem>>, vector<16xf32>,
      tpu.vector_store %arg10[%swap3A_183], %broadcast_in_dim3A_180 {strides = array<i32>} : memref<10000xf32, #tpu.memory_space<vmem>>, vector<16xf32>,
      %scan3A_185 = arith.constant 0 : i32
      %scan3A_186 = arith.constant 7 : i32
      %scan3A_187 = arith.addi %scan3A_123, %scan3A_186 : i32
      %broadcast_in_dim3A_188 = arith.constant 0.000000e+00 : f32
      %broadcast_in_dim3A_189 = vector.broadcast %broadcast_in_dim3A_188 : f32 to vector<16xf32>
      %mul3A_190 = arith.constant 16 : i32
      %mul3A_191 = arith.muli %scan3A_187, %mul3A_190 : i32
      %swap3A_192 = arith.index_cast %mul3A_191 : i32 to index
      %swap3A_193 = tpu.vector_load %arg10[%swap3A_192] {strides = array<i32>} : memref<10000xf32, #tpu.memory_space<vmem>>, vector<16xf32>,
      tpu.vector_store %arg10[%swap3A_192], %broadcast_in_dim3A_189 {strides = array<i32>} : memref<10000xf32, #tpu.memory_space<vmem>>, vector<16xf32>,
      %scan3A_194 = arith.constant 0 : i32
      scf.yield %scan3A_194 : i32
    }
    %scan3A_39 = arith.constant 624 : i32
    %scan3A_40 = arith.addi %scan3A_34, %scan3A_39 : i32
    %broadcast_in_dim3A = arith.constant 0.000000e+00 : f32
    %broadcast_in_dim3A_41 = vector.broadcast %broadcast_in_dim3A : f32 to vector<16xf32>
    %mul3A_42 = arith.constant 16 : i32
    %mul3A_43 = arith.muli %scan3A_40, %mul3A_42 : i32
    %swap3A = arith.index_cast %mul3A_43 : i32 to index
    %swap3A_44 = tpu.vector_load %arg10[%swap3A] {strides = array<i32>} : memref<10000xf32, #tpu.memory_space<vmem>>, vector<16xf32>,
    tpu.vector_store %arg10[%swap3A], %broadcast_in_dim3A_41 {strides = array<i32>} : memref<10000xf32, #tpu.memory_space<vmem>>, vector<16xf32>,
    %scan3A_45 = arith.constant 0 : i32
    %scan3A_46 = arith.constant 625 : i32
    %mul3A_47 = arith.constant 10000 : i32
    %mul3A_48 = arith.muli %arg1, %mul3A_47 : i32
    %dma_start3A_49 = tpu.memref_slice %arg11[%mul3A_48] : memref<160064xf32, #tpu.memory_space<vmem_shared>> -> memref<10000xf32, #tpu.memory_space<vmem_shared>>
    %dma_start3A_50 = tpu.memref_slice %arg11[%mul3A_48] : memref<160064xf32, #tpu.memory_space<vmem_shared>> -> memref<10000xf32, #tpu.memory_space<vmem_shared>>
    tpu.enqueue_dma source(%arg10 : memref<10000xf32, #tpu.memory_space<vmem>>) target(%dma_start3A_50 : memref<10000xf32, #tpu.memory_space<vmem_shared>>) target_semaphore(%arg14 : memref<!tpu.dma_semaphore, #tpu.memory_space<semaphore_mem>>)
    %scan3A_51 = arith.constant 0 : i32
    %scan3A_52 = arith.constant 0 : i32
    %scan3A_53 = arith.constant 328 : i32
    %scan3A_54 = arith.addi %scan3A_52, %scan3A_53 : i32
    %scan3A_55 = arith.constant 8 : i32
    %scan3A_56 = scf.for %scan3A_123 = %scan3A_52 to %scan3A_54 step %scan3A_55 iter_args(%scan3A_124 = %scan3A_51) -> (i32)  : i32 {
      %broadcast_in_dim3A_125 = arith.constant 1.000000e+00 : f32
      %broadcast_in_dim3A_126 = vector.broadcast %broadcast_in_dim3A_125 : f32 to vector<16xf32>
      %mul3A_127 = arith.constant 16 : i32
      %mul3A_128 = arith.muli %scan3A_123, %mul3A_127 : i32
      %swap3A_129 = arith.index_cast %mul3A_128 : i32 to index
      %swap3A_130 = tpu.vector_load %arg9[%swap3A_129] {strides = array<i32>} : memref<5248xf32, #tpu.memory_space<vmem>>, vector<16xf32>,
      tpu.vector_store %arg9[%swap3A_129], %broadcast_in_dim3A_126 {strides = array<i32>} : memref<5248xf32, #tpu.memory_space<vmem>>, vector<16xf32>,
      %scan3A_131 = arith.constant 0 : i32
      %scan3A_132 = arith.constant 1 : i32
      %scan3A_133 = arith.addi %scan3A_123, %scan3A_132 : i32
      %broadcast_in_dim3A_134 = arith.constant 1.000000e+00 : f32
      %broadcast_in_dim3A_135 = vector.broadcast %broadcast_in_dim3A_134 : f32 to vector<16xf32>
      %mul3A_136 = arith.constant 16 : i32
      %mul3A_137 = arith.muli %scan3A_133, %mul3A_136 : i32
      %swap3A_138 = arith.index_cast %mul3A_137 : i32 to index
      %swap3A_139 = tpu.vector_load %arg9[%swap3A_138] {strides = array<i32>} : memref<5248xf32, #tpu.memory_space<vmem>>, vector<16xf32>,
      tpu.vector_store %arg9[%swap3A_138], %broadcast_in_dim3A_135 {strides = array<i32>} : memref<5248xf32, #tpu.memory_space<vmem>>, vector<16xf32>,
      %scan3A_140 = arith.constant 0 : i32
      %scan3A_141 = arith.constant 2 : i32
      %scan3A_142 = arith.addi %scan3A_123, %scan3A_141 : i32
      %broadcast_in_dim3A_143 = arith.constant 1.000000e+00 : f32
      %broadcast_in_dim3A_144 = vector.broadcast %broadcast_in_dim3A_143 : f32 to vector<16xf32>
      %mul3A_145 = arith.constant 16 : i32
      %mul3A_146 = arith.muli %scan3A_142, %mul3A_145 : i32
      %swap3A_147 = arith.index_cast %mul3A_146 : i32 to index
      %swap3A_148 = tpu.vector_load %arg9[%swap3A_147] {strides = array<i32>} : memref<5248xf32, #tpu.memory_space<vmem>>, vector<16xf32>,
      tpu.vector_store %arg9[%swap3A_147], %broadcast_in_dim3A_144 {strides = array<i32>} : memref<5248xf32, #tpu.memory_space<vmem>>, vector<16xf32>,
      %scan3A_149 = arith.constant 0 : i32
      %scan3A_150 = arith.constant 3 : i32
      %scan3A_151 = arith.addi %scan3A_123, %scan3A_150 : i32
      %broadcast_in_dim3A_152 = arith.constant 1.000000e+00 : f32
      %broadcast_in_dim3A_153 = vector.broadcast %broadcast_in_dim3A_152 : f32 to vector<16xf32>
      %mul3A_154 = arith.constant 16 : i32
      %mul3A_155 = arith.muli %scan3A_151, %mul3A_154 : i32
      %swap3A_156 = arith.index_cast %mul3A_155 : i32 to index
      %swap3A_157 = tpu.vector_load %arg9[%swap3A_156] {strides = array<i32>} : memref<5248xf32, #tpu.memory_space<vmem>>, vector<16xf32>,
      tpu.vector_store %arg9[%swap3A_156], %broadcast_in_dim3A_153 {strides = array<i32>} : memref<5248xf32, #tpu.memory_space<vmem>>, vector<16xf32>,
      %scan3A_158 = arith.constant 0 : i32
      %scan3A_159 = arith.constant 4 : i32
      %scan3A_160 = arith.addi %scan3A_123, %scan3A_159 : i32
      %broadcast_in_dim3A_161 = arith.constant 1.000000e+00 : f32
      %broadcast_in_dim3A_162 = vector.broadcast %broadcast_in_dim3A_161 : f32 to vector<16xf32>
      %mul3A_163 = arith.constant 16 : i32
      %mul3A_164 = arith.muli %scan3A_160, %mul3A_163 : i32
      %swap3A_165 = arith.index_cast %mul3A_164 : i32 to index
      %swap3A_166 = tpu.vector_load %arg9[%swap3A_165] {strides = array<i32>} : memref<5248xf32, #tpu.memory_space<vmem>>, vector<16xf32>,
      tpu.vector_store %arg9[%swap3A_165], %broadcast_in_dim3A_162 {strides = array<i32>} : memref<5248xf32, #tpu.memory_space<vmem>>, vector<16xf32>,
      %scan3A_167 = arith.constant 0 : i32
      %scan3A_168 = arith.constant 5 : i32
      %scan3A_169 = arith.addi %scan3A_123, %scan3A_168 : i32
      %broadcast_in_dim3A_170 = arith.constant 1.000000e+00 : f32
      %broadcast_in_dim3A_171 = vector.broadcast %broadcast_in_dim3A_170 : f32 to vector<16xf32>
      %mul3A_172 = arith.constant 16 : i32
      %mul3A_173 = arith.muli %scan3A_169, %mul3A_172 : i32
      %swap3A_174 = arith.index_cast %mul3A_173 : i32 to index
      %swap3A_175 = tpu.vector_load %arg9[%swap3A_174] {strides = array<i32>} : memref<5248xf32, #tpu.memory_space<vmem>>, vector<16xf32>,
      tpu.vector_store %arg9[%swap3A_174], %broadcast_in_dim3A_171 {strides = array<i32>} : memref<5248xf32, #tpu.memory_space<vmem>>, vector<16xf32>,
      %scan3A_176 = arith.constant 0 : i32
      %scan3A_177 = arith.constant 6 : i32
      %scan3A_178 = arith.addi %scan3A_123, %scan3A_177 : i32
      %broadcast_in_dim3A_179 = arith.constant 1.000000e+00 : f32
      %broadcast_in_dim3A_180 = vector.broadcast %broadcast_in_dim3A_179 : f32 to vector<16xf32>
      %mul3A_181 = arith.constant 16 : i32
      %mul3A_182 = arith.muli %scan3A_178, %mul3A_181 : i32
      %swap3A_183 = arith.index_cast %mul3A_182 : i32 to index
      %swap3A_184 = tpu.vector_load %arg9[%swap3A_183] {strides = array<i32>} : memref<5248xf32, #tpu.memory_space<vmem>>, vector<16xf32>,
      tpu.vector_store %arg9[%swap3A_183], %broadcast_in_dim3A_180 {strides = array<i32>} : memref<5248xf32, #tpu.memory_space<vmem>>, vector<16xf32>,
      %scan3A_185 = arith.constant 0 : i32
      %scan3A_186 = arith.constant 7 : i32
      %scan3A_187 = arith.addi %scan3A_123, %scan3A_186 : i32
      %broadcast_in_dim3A_188 = arith.constant 1.000000e+00 : f32
      %broadcast_in_dim3A_189 = vector.broadcast %broadcast_in_dim3A_188 : f32 to vector<16xf32>
      %mul3A_190 = arith.constant 16 : i32
      %mul3A_191 = arith.muli %scan3A_187, %mul3A_190 : i32
      %swap3A_192 = arith.index_cast %mul3A_191 : i32 to index
      %swap3A_193 = tpu.vector_load %arg9[%swap3A_192] {strides = array<i32>} : memref<5248xf32, #tpu.memory_space<vmem>>, vector<16xf32>,
      tpu.vector_store %arg9[%swap3A_192], %broadcast_in_dim3A_189 {strides = array<i32>} : memref<5248xf32, #tpu.memory_space<vmem>>, vector<16xf32>,
      %scan3A_194 = arith.constant 0 : i32
      scf.yield %scan3A_194 : i32
    }
    %scan3A_57 = arith.constant 328 : i32
    %dma_wait3A = arith.constant 0 : i32
    %dma_wait3A_58 = arith.constant 0 : i32
    "tpu.trace_start"() <{level = 10 : i32, message = "ph_wait_in"}> : () -> ()
    %dma_wait3A_59 = arith.constant 0 : i32
    %dma_wait3A_60 = tpu.memref_slice %arg2[%dma_wait3A, %dma_wait3A_58, %dma_wait3A_59] : memref<1x1x10000xi32, #tpu.memory_space<hbm>> -> memref<1x1x10000xi32, #tpu.memory_space<hbm>>
    %dma_wait3A_61 = tpu.memref_squeeze %dma_wait3A_60 : memref<1x1x10000xi32, #tpu.memory_space<hbm>> -> memref<10000xi32, #tpu.memory_space<hbm>>
    %dma_wait3A_62 = arith.constant 0 : i32
    %dma_wait3A_63 = tpu.memref_slice %arg2[%dma_wait3A, %dma_wait3A_58, %dma_wait3A_62] : memref<1x1x10000xi32, #tpu.memory_space<hbm>> -> memref<1x1x10000xi32, #tpu.memory_space<hbm>>
    %dma_wait3A_64 = tpu.memref_squeeze %dma_wait3A_63 : memref<1x1x10000xi32, #tpu.memory_space<hbm>> -> memref<10000xi32, #tpu.memory_space<hbm>>
    tpu.wait_dma2 semaphore(%arg12 : memref<!tpu.dma_semaphore, #tpu.memory_space<semaphore_mem>>) src(%dma_wait3A_64 : memref<10000xi32, #tpu.memory_space<hbm>>) dst(%arg5 : memref<10000xi32, #tpu.memory_space<vmem>>)
    %dma_wait3A_65 = arith.constant 0 : i32
    %dma_wait3A_66 = arith.constant 0 : i32
    %dma_wait3A_67 = tpu.memref_slice %arg6[%dma_wait3A_65, %dma_wait3A_66] : memref<2x10496xi32, #tpu.memory_space<vmem>> -> memref<2x5248xi32, #tpu.memory_space<vmem>>
    %dma_wait3A_68 = arith.constant 0 : i32
    %dma_wait3A_69 = tpu.memref_slice %arg3[%dma_wait3A_68, %mul3A_2] : memref<2x320000xi32, #tpu.memory_space<hbm>> -> memref<2x5248xi32, #tpu.memory_space<hbm>>
    %dma_wait3A_70 = arith.constant 0 : i32
    %dma_wait3A_71 = arith.constant 0 : i32
    %dma_wait3A_72 = tpu.memref_slice %arg6[%dma_wait3A_70, %dma_wait3A_71] : memref<2x10496xi32, #tpu.memory_space<vmem>> -> memref<2x5248xi32, #tpu.memory_space<vmem>>
    %dma_wait3A_73 = arith.constant 0 : i32
    %dma_wait3A_74 = tpu.memref_slice %arg3[%dma_wait3A_73, %mul3A_2] : memref<2x320000xi32, #tpu.memory_space<hbm>> -> memref<2x5248xi32, #tpu.memory_space<hbm>>
    tpu.wait_dma2 semaphore(%arg13 : memref<!tpu.dma_semaphore, #tpu.memory_space<semaphore_mem>>) src(%dma_wait3A_74 : memref<2x5248xi32, #tpu.memory_space<hbm>>) dst(%dma_wait3A_72 : memref<2x5248xi32, #tpu.memory_space<vmem>>)
    %parallel_loop3A = arith.constant 0 : i32
    %parallel_loop3A_75 = arith.constant 328 : i32
    %parallel_loop3A_76 = arith.constant 1 : i32
    "tpu.trace_stop"() : () -> ()
    "tpu.trace_start"() <{level = 10 : i32, message = "ph_gather_a"}> : () -> ()
    scf.for %parallel_loop3A_123 = %parallel_loop3A to %parallel_loop3A_75 step %parallel_loop3A_76  : i32 {
      %parallel_loop3A_124 = arith.constant 16 : i32
      %parallel_loop3A_125 = arith.muli %parallel_loop3A_123, %parallel_loop3A_124 : i32
      %parallel_loop3A_126 = arith.constant 0 : i32
      %parallel_loop3A_127 = arith.index_cast %parallel_loop3A_126 : i32 to index
      %parallel_loop3A_128 = arith.index_cast %parallel_loop3A_125 : i32 to index
      %parallel_loop3A_129 = tpu.vector_load %arg6[%parallel_loop3A_127, %parallel_loop3A_128] {strides = array<i32>} : memref<2x10496xi32, #tpu.memory_space<vmem>>, vector<16xi32>,
      %parallel_loop3A_130 = arith.constant 16 : i32
      %parallel_loop3A_131 = arith.muli %parallel_loop3A_123, %parallel_loop3A_130 : i32
      %parallel_loop3A_132 = arith.constant 1 : i32
      %parallel_loop3A_133 = arith.index_cast %parallel_loop3A_132 : i32 to index
      %parallel_loop3A_134 = arith.index_cast %parallel_loop3A_131 : i32 to index
      %parallel_loop3A_135 = tpu.vector_load %arg6[%parallel_loop3A_133, %parallel_loop3A_134] {strides = array<i32>} : memref<2x10496xi32, #tpu.memory_space<vmem>>, vector<16xi32>,
      %parallel_loop3A_136 = tpu.vector_load_idx %arg5[%parallel_loop3A_129] : memref<10000xi32, #tpu.memory_space<vmem>>[vector<16xi32>], vector<16xi32>,
      %parallel_loop3A_137 = arith.constant 10000 : i32
      %parallel_loop3A_138 = vector.broadcast %parallel_loop3A_137 : i32 to vector<16xi32>
      %parallel_loop3A_139 = arith.muli %parallel_loop3A_136, %parallel_loop3A_138 : vector<16xi32>
      %parallel_loop3A_140 = arith.addi %parallel_loop3A_139, %parallel_loop3A_135 : vector<16xi32>
      %parallel_loop3A_141 = arith.constant 16 : i32
      %parallel_loop3A_142 = arith.muli %parallel_loop3A_123, %parallel_loop3A_141 : i32
      %parallel_loop3A_143 = arith.index_cast %parallel_loop3A_142 : i32 to index
      %parallel_loop3A_144 = tpu.vector_load %arg7[%parallel_loop3A_143] {strides = array<i32>} : memref<5248xi32, #tpu.memory_space<vmem>>, vector<16xi32>,
      tpu.vector_store %arg7[%parallel_loop3A_143], %parallel_loop3A_140 {strides = array<i32>} : memref<5248xi32, #tpu.memory_space<vmem>>, vector<16xi32>,
    } {sc.loop_unroll_factor = 8 : i64, sc.parallel_access}
    "tpu.trace_stop"() : () -> ()
    "tpu.trace_start"() <{level = 10 : i32, message = "ph_zwait"}> : () -> ()
    %dma_wait3A_77 = tpu.memref_slice %arg11[%mul3A_48] : memref<160064xf32, #tpu.memory_space<vmem_shared>> -> memref<10000xf32, #tpu.memory_space<vmem_shared>>
    %dma_wait3A_78 = tpu.memref_slice %arg11[%mul3A_48] : memref<160064xf32, #tpu.memory_space<vmem_shared>> -> memref<10000xf32, #tpu.memory_space<vmem_shared>>
    tpu.wait_dma2 semaphore(%arg14 : memref<!tpu.dma_semaphore, #tpu.memory_space<semaphore_mem>>) src(%arg10 : memref<10000xf32, #tpu.memory_space<vmem>>) dst(%dma_wait3A_78 : memref<10000xf32, #tpu.memory_space<vmem_shared>>)
    %barrier3A = arith.constant 0 : index
    tpu.barrier barrier_id(%barrier3A)
    "tpu.trace_stop"() : () -> ()
    %dma_start3A_79 = arith.constant 0 : i32
    %dma_start3A_80 = tpu.memref_slice %arg11[%dma_start3A_79] : memref<160064xf32, #tpu.memory_space<vmem_shared>> -> memref<160064xf32, #tpu.memory_space<vmem_shared>>
    tpu.enqueue_indirect_dma source(%arg9 : memref<5248xf32, #tpu.memory_space<vmem>>) target(%dma_start3A_80 : memref<160064xf32, #tpu.memory_space<vmem_shared>>) offsets(%arg7 : memref<5248xi32, #tpu.memory_space<vmem>>) semaphore(%arg15 : memref<!tpu.dma_semaphore, #tpu.memory_space<semaphore_mem>>) {add = true}
    "tpu.trace_start"() <{level = 10 : i32, message = "ph_wait_in2"}> : () -> ()
    %dma_wait3A_81 = arith.constant 0 : i32
    %dma_wait3A_82 = arith.constant 5248 : i32
    %dma_wait3A_83 = tpu.memref_slice %arg6[%dma_wait3A_81, %dma_wait3A_82] : memref<2x10496xi32, #tpu.memory_space<vmem>> -> memref<2x5248xi32, #tpu.memory_space<vmem>>
    %dma_wait3A_84 = arith.constant 0 : i32
    %dma_wait3A_85 = tpu.memref_slice %arg3[%dma_wait3A_84, %add3A_23] : memref<2x320000xi32, #tpu.memory_space<hbm>> -> memref<2x5248xi32, #tpu.memory_space<hbm>>
    %dma_wait3A_86 = arith.constant 0 : i32
    %dma_wait3A_87 = arith.constant 5248 : i32
    %dma_wait3A_88 = tpu.memref_slice %arg6[%dma_wait3A_86, %dma_wait3A_87] : memref<2x10496xi32, #tpu.memory_space<vmem>> -> memref<2x5248xi32, #tpu.memory_space<vmem>>
    %dma_wait3A_89 = arith.constant 0 : i32
    %dma_wait3A_90 = tpu.memref_slice %arg3[%dma_wait3A_89, %add3A_23] : memref<2x320000xi32, #tpu.memory_space<hbm>> -> memref<2x5248xi32, #tpu.memory_space<hbm>>
    tpu.wait_dma2 semaphore(%arg17 : memref<!tpu.dma_semaphore, #tpu.memory_space<semaphore_mem>>) src(%dma_wait3A_90 : memref<2x5248xi32, #tpu.memory_space<hbm>>) dst(%dma_wait3A_88 : memref<2x5248xi32, #tpu.memory_space<vmem>>)
    %parallel_loop3A_91 = arith.constant 0 : i32
    %parallel_loop3A_92 = arith.constant 328 : i32
    %parallel_loop3A_93 = arith.constant 1 : i32
    "tpu.trace_stop"() : () -> ()
    "tpu.trace_start"() <{level = 10 : i32, message = "ph_gather_b"}> : () -> ()
    scf.for %parallel_loop3A_123 = %parallel_loop3A_91 to %parallel_loop3A_92 step %parallel_loop3A_93  : i32 {
      %parallel_loop3A_124 = arith.constant 16 : i32
      %parallel_loop3A_125 = arith.muli %parallel_loop3A_123, %parallel_loop3A_124 : i32
      %parallel_loop3A_126 = arith.constant 5248 : i32
      %parallel_loop3A_127 = arith.addi %parallel_loop3A_126, %parallel_loop3A_125 : i32
      %parallel_loop3A_128 = arith.constant 0 : i32
      %parallel_loop3A_129 = arith.index_cast %parallel_loop3A_128 : i32 to index
      %parallel_loop3A_130 = arith.index_cast %parallel_loop3A_127 : i32 to index
      %parallel_loop3A_131 = tpu.vector_load %arg6[%parallel_loop3A_129, %parallel_loop3A_130] {strides = array<i32>} : memref<2x10496xi32, #tpu.memory_space<vmem>>, vector<16xi32>,
      %parallel_loop3A_132 = arith.constant 16 : i32
      %parallel_loop3A_133 = arith.muli %parallel_loop3A_123, %parallel_loop3A_132 : i32
      %parallel_loop3A_134 = arith.constant 5248 : i32
      %parallel_loop3A_135 = arith.addi %parallel_loop3A_134, %parallel_loop3A_133 : i32
      %parallel_loop3A_136 = arith.constant 1 : i32
      %parallel_loop3A_137 = arith.index_cast %parallel_loop3A_136 : i32 to index
      %parallel_loop3A_138 = arith.index_cast %parallel_loop3A_135 : i32 to index
      %parallel_loop3A_139 = tpu.vector_load %arg6[%parallel_loop3A_137, %parallel_loop3A_138] {strides = array<i32>} : memref<2x10496xi32, #tpu.memory_space<vmem>>, vector<16xi32>,
      %parallel_loop3A_140 = tpu.vector_load_idx %arg5[%parallel_loop3A_131] : memref<10000xi32, #tpu.memory_space<vmem>>[vector<16xi32>], vector<16xi32>,
      %parallel_loop3A_141 = arith.constant 10000 : i32
      %parallel_loop3A_142 = vector.broadcast %parallel_loop3A_141 : i32 to vector<16xi32>
      %parallel_loop3A_143 = arith.muli %parallel_loop3A_140, %parallel_loop3A_142 : vector<16xi32>
      %parallel_loop3A_144 = arith.addi %parallel_loop3A_143, %parallel_loop3A_139 : vector<16xi32>
      %parallel_loop3A_145 = arith.constant 16 : i32
      %parallel_loop3A_146 = arith.muli %parallel_loop3A_123, %parallel_loop3A_145 : i32
      %parallel_loop3A_147 = arith.index_cast %parallel_loop3A_146 : i32 to index
      %parallel_loop3A_148 = tpu.vector_load %arg8[%parallel_loop3A_147] {strides = array<i32>} : memref<5248xi32, #tpu.memory_space<vmem>>, vector<16xi32>,
      tpu.vector_store %arg8[%parallel_loop3A_147], %parallel_loop3A_144 {strides = array<i32>} : memref<5248xi32, #tpu.memory_space<vmem>>, vector<16xi32>,
    } {sc.loop_unroll_factor = 8 : i64, sc.parallel_access}
    %sub3A = arith.constant 328 : i32
    %sub3A_94 = arith.subi %select_n3A, %sub3A : i32
    %max3A = arith.constant 0 : i32
    %max3A_95 = arith.maxsi %sub3A_94, %max3A : i32
    %while3A = arith.constant 328 : i32
    %while3A_96 = arith.constant 0 : i32
    %while3A_97 = arith.subi %while3A, %max3A_95 : i32
    %while3A_98 = arith.addi %max3A_95, %while3A_97 : i32
    %while3A_99 = arith.constant 1 : i32
    %while3A_100 = arith.divsi %while3A_97, %while3A_99 : i32
    %while3A_101 = arith.muli %while3A_100, %while3A_99 : i32
    %while3A_102 = arith.addi %max3A_95, %while3A_101 : i32
    %while3A_103 = arith.constant 1 : i32
    %while3A_104 = scf.for %while3A_123 = %max3A_95 to %while3A_102 step %while3A_103 iter_args(%while3A_124 = %while3A_96) -> (i32)  : i32 {
      %broadcast_in_dim3A_125 = arith.constant 160000 : i32
      %broadcast_in_dim3A_126 = vector.broadcast %broadcast_in_dim3A_125 : i32 to vector<16xi32>
      %mul3A_127 = arith.constant 16 : i32
      %mul3A_128 = arith.muli %while3A_123, %mul3A_127 : i32
      %swap3A_129 = arith.index_cast %mul3A_128 : i32 to index
      %swap3A_130 = tpu.vector_load %arg8[%swap3A_129] {strides = array<i32>} : memref<5248xi32, #tpu.memory_space<vmem>>, vector<16xi32>,
      tpu.vector_store %arg8[%swap3A_129], %broadcast_in_dim3A_126 {strides = array<i32>} : memref<5248xi32, #tpu.memory_space<vmem>>, vector<16xi32>,
      %while3A_131 = arith.constant 0 : i32
      scf.yield %while3A_131 : i32
    }
    %while3A_105 = arith.constant 1 : i32
    %while3A_106 = scf.for %while3A_123 = %while3A_102 to %while3A_98 step %while3A_105 iter_args(%while3A_124 = %while3A_104) -> (i32)  : i32 {
      %broadcast_in_dim3A_125 = arith.constant 160000 : i32
      %broadcast_in_dim3A_126 = vector.broadcast %broadcast_in_dim3A_125 : i32 to vector<16xi32>
      %mul3A_127 = arith.constant 16 : i32
      %mul3A_128 = arith.muli %while3A_123, %mul3A_127 : i32
      %swap3A_129 = arith.index_cast %mul3A_128 : i32 to index
      %swap3A_130 = tpu.vector_load %arg8[%swap3A_129] {strides = array<i32>} : memref<5248xi32, #tpu.memory_space<vmem>>, vector<16xi32>,
      tpu.vector_store %arg8[%swap3A_129], %broadcast_in_dim3A_126 {strides = array<i32>} : memref<5248xi32, #tpu.memory_space<vmem>>, vector<16xi32>,
      %while3A_131 = arith.constant 0 : i32
      scf.yield %while3A_131 : i32
    }
    "tpu.trace_stop"() : () -> ()
    %dma_start3A_107 = arith.constant 0 : i32
    %dma_start3A_108 = tpu.memref_slice %arg11[%dma_start3A_107] : memref<160064xf32, #tpu.memory_space<vmem_shared>> -> memref<160064xf32, #tpu.memory_space<vmem_shared>>
    tpu.enqueue_indirect_dma source(%arg9 : memref<5248xf32, #tpu.memory_space<vmem>>) target(%dma_start3A_108 : memref<160064xf32, #tpu.memory_space<vmem_shared>>) offsets(%arg8 : memref<5248xi32, #tpu.memory_space<vmem>>) semaphore(%arg16 : memref<!tpu.dma_semaphore, #tpu.memory_space<semaphore_mem>>) {add = true}
    "tpu.trace_start"() <{level = 10 : i32, message = "ph_scatter"}> : () -> ()
    %dma_wait3A_109 = arith.constant 0 : i32
    %dma_wait3A_110 = tpu.memref_slice %arg11[%dma_wait3A_109] : memref<160064xf32, #tpu.memory_space<vmem_shared>> -> memref<160064xf32, #tpu.memory_space<vmem_shared>>
    tpu.wait_indirect_dma semaphore(%arg15 : memref<!tpu.dma_semaphore, #tpu.memory_space<semaphore_mem>>) src(%arg9 : memref<5248xf32, #tpu.memory_space<vmem>>) dst(%dma_wait3A_110 : memref<160064xf32, #tpu.memory_space<vmem_shared>>)
    %dma_wait3A_111 = arith.constant 0 : i32
    %dma_wait3A_112 = tpu.memref_slice %arg11[%dma_wait3A_111] : memref<160064xf32, #tpu.memory_space<vmem_shared>> -> memref<160064xf32, #tpu.memory_space<vmem_shared>>
    tpu.wait_indirect_dma semaphore(%arg16 : memref<!tpu.dma_semaphore, #tpu.memory_space<semaphore_mem>>) src(%arg9 : memref<5248xf32, #tpu.memory_space<vmem>>) dst(%dma_wait3A_112 : memref<160064xf32, #tpu.memory_space<vmem_shared>>)
    "tpu.trace_stop"() : () -> ()
    "tpu.trace_start"() <{level = 10 : i32, message = "ph_bar2"}> : () -> ()
    %barrier3A_113 = arith.constant 0 : index
    tpu.barrier barrier_id(%barrier3A_113)
    "tpu.trace_stop"() : () -> ()
    "tpu.trace_start"() <{level = 10 : i32, message = "ph_out"}> : () -> ()
    %mul3A_114 = arith.constant 10000 : i32
    %mul3A_115 = arith.muli %arg1, %mul3A_114 : i32
    "tpu.region"() ({
      %run_scoped3A = tpu.sem_alloc : memref<!tpu.dma_semaphore, #tpu.memory_space<semaphore_mem>>
      %dma_start3A_123 = tpu.memref_slice %arg11[%mul3A_115] : memref<160064xf32, #tpu.memory_space<vmem_shared>> -> memref<10000xf32, #tpu.memory_space<vmem_shared>>
      %dma_start3A_124 = tpu.memref_slice %arg11[%mul3A_115] : memref<160064xf32, #tpu.memory_space<vmem_shared>> -> memref<10000xf32, #tpu.memory_space<vmem_shared>>
      tpu.enqueue_dma source(%dma_start3A_124 : memref<10000xf32, #tpu.memory_space<vmem_shared>>) target(%arg10 : memref<10000xf32, #tpu.memory_space<vmem>>) target_semaphore(%run_scoped3A : memref<!tpu.dma_semaphore, #tpu.memory_space<semaphore_mem>>)
      %dma_wait3A_125 = tpu.memref_slice %arg11[%mul3A_115] : memref<160064xf32, #tpu.memory_space<vmem_shared>> -> memref<10000xf32, #tpu.memory_space<vmem_shared>>
      %dma_wait3A_126 = tpu.memref_slice %arg11[%mul3A_115] : memref<160064xf32, #tpu.memory_space<vmem_shared>> -> memref<10000xf32, #tpu.memory_space<vmem_shared>>
      tpu.wait_dma2 semaphore(%run_scoped3A : memref<!tpu.dma_semaphore, #tpu.memory_space<semaphore_mem>>) src(%dma_wait3A_126 : memref<10000xf32, #tpu.memory_space<vmem_shared>>) dst(%arg10 : memref<10000xf32, #tpu.memory_space<vmem>>)
      tpu.yield
    }) : () -> ()
    %mul3A_116 = arith.constant 10000 : i32
    %mul3A_117 = arith.muli %arg0, %mul3A_116 : i32
    %mul3A_118 = arith.constant 16 : i32
    %mul3A_119 = arith.muli %mul3A_117, %mul3A_118 : i32
    %mul3A_120 = arith.constant 10000 : i32
    %mul3A_121 = arith.muli %arg1, %mul3A_120 : i32
    %add3A_122 = arith.addi %mul3A_119, %mul3A_121 : i32
    "tpu.region"() ({
      %run_scoped3A = tpu.sem_alloc : memref<!tpu.dma_semaphore, #tpu.memory_space<semaphore_mem>>
      %dma_start3A_123 = tpu.memref_slice %arg4[%add3A_122] : memref<320000xf32, #tpu.memory_space<hbm>> -> memref<10000xf32, #tpu.memory_space<hbm>>
      %dma_start3A_124 = tpu.memref_slice %arg4[%add3A_122] : memref<320000xf32, #tpu.memory_space<hbm>> -> memref<10000xf32, #tpu.memory_space<hbm>>
      tpu.enqueue_dma source(%arg10 : memref<10000xf32, #tpu.memory_space<vmem>>) target(%dma_start3A_124 : memref<10000xf32, #tpu.memory_space<hbm>>) target_semaphore(%run_scoped3A : memref<!tpu.dma_semaphore, #tpu.memory_space<semaphore_mem>>)
      %dma_wait3A_125 = tpu.memref_slice %arg4[%add3A_122] : memref<320000xf32, #tpu.memory_space<hbm>> -> memref<10000xf32, #tpu.memory_space<hbm>>
      %dma_wait3A_126 = tpu.memref_slice %arg4[%add3A_122] : memref<320000xf32, #tpu.memory_space<hbm>> -> memref<10000xf32, #tpu.memory_space<hbm>>
      tpu.wait_dma2 semaphore(%run_scoped3A : memref<!tpu.dma_semaphore, #tpu.memory_space<semaphore_mem>>) src(%arg10 : memref<10000xf32, #tpu.memory_space<vmem>>) dst(%dma_wait3A_126 : memref<10000xf32, #tpu.memory_space<hbm>>)
      tpu.yield
    }) : () -> ()
    "tpu.trace_stop"() : () -> ()
    return
  }
}

#map = affine_map<(d0, d1) -> (0, 0, 0)>
#map1 = affine_map<(d0, d1) -> (0, 0)>
#map2 = affine_map<(d0, d1) -> (0)>
module attributes {stable_mosaic.version = 14 : i64} {
  func.func @_count_body(%arg0: i32, %arg1: i32, %arg2: memref<1x1x10000xi32, #tpu.memory_space<hbm>>, %arg3: memref<2x320000xi32, #tpu.memory_space<hbm>>, %arg4: memref<320000xf32, #tpu.memory_space<hbm>>, %arg5: memref<10000xi32, #tpu.memory_space<vmem>>, %arg6: memref<2x10496xi32, #tpu.memory_space<vmem>>, %arg7: memref<5248xi32, #tpu.memory_space<vmem>>, %arg8: memref<5248xi32, #tpu.memory_space<vmem>>, %arg9: memref<5248xf32, #tpu.memory_space<vmem>>, %arg10: memref<10000xf32, #tpu.memory_space<vmem>>, %arg11: memref<160064xf32, #tpu.memory_space<vmem_shared>>, %arg12: memref<!tpu.dma_semaphore, #tpu.memory_space<semaphore_mem>>, %arg13: memref<!tpu.dma_semaphore, #tpu.memory_space<semaphore_mem>>, %arg14: memref<!tpu.dma_semaphore, #tpu.memory_space<semaphore_mem>>, %arg15: memref<!tpu.dma_semaphore, #tpu.memory_space<semaphore_mem>>, %arg16: memref<!tpu.dma_semaphore, #tpu.memory_space<semaphore_mem>>, %arg17: memref<!tpu.dma_semaphore, #tpu.memory_space<semaphore_mem>>) attributes {dimension_semantics = [#tpu.dimension_semantics<core_parallel>, #tpu.dimension_semantics<subcore_parallel>], iteration_bounds = array<i64: 2, 16>, scalar_prefetch = 0 : i64, scratch_operands = 13 : i64, tpu.core_type = #tpu.core_type<sc_vector_subcore>, window_params = [{transform_indices = #map}, {transform_indices = #map1}, {transform_indices = #map2}]} {
    %mul3A = arith.constant 16 : i32
    %mul3A_0 = arith.muli %arg0, %mul3A : i32
    %add3A = arith.addi %mul3A_0, %arg1 : i32
    %mul3A_1 = arith.constant 9984 : i32
    %mul3A_2 = arith.muli %add3A, %mul3A_1 : i32
    %eq3A = arith.constant 31 : i32
    %eq3A_3 = arith.cmpi eq, %add3A, %eq3A : i32
    %jit3A = arith.constant 656 : i32
    %jit3A_4 = arith.constant 624 : i32
    %select_n3A = arith.select %eq3A_3, %jit3A, %jit3A_4 : i32
    %dma_start3A = arith.constant 0 : i32
    %dma_start3A_5 = arith.constant 0 : i32
    %dma_start3A_6 = arith.constant 0 : i32
    %dma_start3A_7 = tpu.memref_slice %arg2[%dma_start3A, %dma_start3A_5, %dma_start3A_6] : memref<1x1x10000xi32, #tpu.memory_space<hbm>> -> memref<1x1x10000xi32, #tpu.memory_space<hbm>>
    %dma_start3A_8 = tpu.memref_squeeze %dma_start3A_7 : memref<1x1x10000xi32, #tpu.memory_space<hbm>> -> memref<10000xi32, #tpu.memory_space<hbm>>
    %dma_start3A_9 = arith.constant 0 : i32
    %dma_start3A_10 = tpu.memref_slice %arg2[%dma_start3A, %dma_start3A_5, %dma_start3A_9] : memref<1x1x10000xi32, #tpu.memory_space<hbm>> -> memref<1x1x10000xi32, #tpu.memory_space<hbm>>
    %dma_start3A_11 = tpu.memref_squeeze %dma_start3A_10 : memref<1x1x10000xi32, #tpu.memory_space<hbm>> -> memref<10000xi32, #tpu.memory_space<hbm>>
    tpu.enqueue_dma source(%dma_start3A_11 : memref<10000xi32, #tpu.memory_space<hbm>>) target(%arg5 : memref<10000xi32, #tpu.memory_space<vmem>>) target_semaphore(%arg12 : memref<!tpu.dma_semaphore, #tpu.memory_space<semaphore_mem>>)
    %dma_start3A_12 = arith.constant 0 : i32
    %dma_start3A_13 = arith.constant 0 : i32
    %dma_start3A_14 = tpu.memref_slice %arg6[%dma_start3A_12, %dma_start3A_13] : memref<2x10496xi32, #tpu.memory_space<vmem>> -> memref<2x5248xi32, #tpu.memory_space<vmem>>
    %dma_start3A_15 = arith.constant 0 : i32
    %dma_start3A_16 = tpu.memref_slice %arg3[%dma_start3A_15, %mul3A_2] : memref<2x320000xi32, #tpu.memory_space<hbm>> -> memref<2x5248xi32, #tpu.memory_space<hbm>>
    %dma_start3A_17 = arith.constant 0 : i32
    %dma_start3A_18 = arith.constant 0 : i32
    %dma_start3A_19 = tpu.memref_slice %arg6[%dma_start3A_17, %dma_start3A_18] : memref<2x10496xi32, #tpu.memory_space<vmem>> -> memref<2x5248xi32, #tpu.memory_space<vmem>>
    %dma_start3A_20 = arith.constant 0 : i32
    %dma_start3A_21 = tpu.memref_slice %arg3[%dma_start3A_20, %mul3A_2] : memref<2x320000xi32, #tpu.memory_space<hbm>> -> memref<2x5248xi32, #tpu.memory_space<hbm>>
    tpu.enqueue_dma source(%dma_start3A_21 : memref<2x5248xi32, #tpu.memory_space<hbm>>) target(%dma_start3A_19 : memref<2x5248xi32, #tpu.memory_space<vmem>>) target_semaphore(%arg13 : memref<!tpu.dma_semaphore, #tpu.memory_space<semaphore_mem>>)
    %add3A_22 = arith.constant 5248 : i32
    %add3A_23 = arith.addi %mul3A_2, %add3A_22 : i32
    %dma_start3A_24 = arith.constant 0 : i32
    %dma_start3A_25 = arith.constant 5248 : i32
    %dma_start3A_26 = tpu.memref_slice %arg6[%dma_start3A_24, %dma_start3A_25] : memref<2x10496xi32, #tpu.memory_space<vmem>> -> memref<2x5248xi32, #tpu.memory_space<vmem>>
    %dma_start3A_27 = arith.constant 0 : i32
    %dma_start3A_28 = tpu.memref_slice %arg3[%dma_start3A_27, %add3A_23] : memref<2x320000xi32, #tpu.memory_space<hbm>> -> memref<2x5248xi32, #tpu.memory_space<hbm>>
    %dma_start3A_29 = arith.constant 0 : i32
    %dma_start3A_30 = arith.constant 5248 : i32
    %dma_start3A_31 = tpu.memref_slice %arg6[%dma_start3A_29, %dma_start3A_30] : memref<2x10496xi32, #tpu.memory_space<vmem>> -> memref<2x5248xi32, #tpu.memory_space<vmem>>
    %dma_start3A_32 = arith.constant 0 : i32
    %dma_start3A_33 = tpu.memref_slice %arg3[%dma_start3A_32, %add3A_23] : memref<2x320000xi32, #tpu.memory_space<hbm>> -> memref<2x5248xi32, #tpu.memory_space<hbm>>
    tpu.enqueue_dma source(%dma_start3A_33 : memref<2x5248xi32, #tpu.memory_space<hbm>>) target(%dma_start3A_31 : memref<2x5248xi32, #tpu.memory_space<vmem>>) target_semaphore(%arg17 : memref<!tpu.dma_semaphore, #tpu.memory_space<semaphore_mem>>)
    %scan3A = arith.constant 0 : i32
    %scan3A_34 = arith.constant 0 : i32
    %scan3A_35 = arith.constant 624 : i32
    %scan3A_36 = arith.addi %scan3A_34, %scan3A_35 : i32
    %scan3A_37 = arith.constant 8 : i32
    %scan3A_38 = scf.for %scan3A_123 = %scan3A_34 to %scan3A_36 step %scan3A_37 iter_args(%scan3A_124 = %scan3A) -> (i32)  : i32 {
      %broadcast_in_dim3A_125 = arith.constant 0.000000e+00 : f32
      %broadcast_in_dim3A_126 = vector.broadcast %broadcast_in_dim3A_125 : f32 to vector<16xf32>
      %mul3A_127 = arith.constant 16 : i32
      %mul3A_128 = arith.muli %scan3A_123, %mul3A_127 : i32
      %swap3A_129 = arith.index_cast %mul3A_128 : i32 to index
      %swap3A_130 = tpu.vector_load %arg10[%swap3A_129] {strides = array<i32>} : memref<10000xf32, #tpu.memory_space<vmem>>, vector<16xf32>,
      tpu.vector_store %arg10[%swap3A_129], %broadcast_in_dim3A_126 {strides = array<i32>} : memref<10000xf32, #tpu.memory_space<vmem>>, vector<16xf32>,
      %scan3A_131 = arith.constant 0 : i32
      %scan3A_132 = arith.constant 1 : i32
      %scan3A_133 = arith.addi %scan3A_123, %scan3A_132 : i32
      %broadcast_in_dim3A_134 = arith.constant 0.000000e+00 : f32
      %broadcast_in_dim3A_135 = vector.broadcast %broadcast_in_dim3A_134 : f32 to vector<16xf32>
      %mul3A_136 = arith.constant 16 : i32
      %mul3A_137 = arith.muli %scan3A_133, %mul3A_136 : i32
      %swap3A_138 = arith.index_cast %mul3A_137 : i32 to index
      %swap3A_139 = tpu.vector_load %arg10[%swap3A_138] {strides = array<i32>} : memref<10000xf32, #tpu.memory_space<vmem>>, vector<16xf32>,
      tpu.vector_store %arg10[%swap3A_138], %broadcast_in_dim3A_135 {strides = array<i32>} : memref<10000xf32, #tpu.memory_space<vmem>>, vector<16xf32>,
      %scan3A_140 = arith.constant 0 : i32
      %scan3A_141 = arith.constant 2 : i32
      %scan3A_142 = arith.addi %scan3A_123, %scan3A_141 : i32
      %broadcast_in_dim3A_143 = arith.constant 0.000000e+00 : f32
      %broadcast_in_dim3A_144 = vector.broadcast %broadcast_in_dim3A_143 : f32 to vector<16xf32>
      %mul3A_145 = arith.constant 16 : i32
      %mul3A_146 = arith.muli %scan3A_142, %mul3A_145 : i32
      %swap3A_147 = arith.index_cast %mul3A_146 : i32 to index
      %swap3A_148 = tpu.vector_load %arg10[%swap3A_147] {strides = array<i32>} : memref<10000xf32, #tpu.memory_space<vmem>>, vector<16xf32>,
      tpu.vector_store %arg10[%swap3A_147], %broadcast_in_dim3A_144 {strides = array<i32>} : memref<10000xf32, #tpu.memory_space<vmem>>, vector<16xf32>,
      %scan3A_149 = arith.constant 0 : i32
      %scan3A_150 = arith.constant 3 : i32
      %scan3A_151 = arith.addi %scan3A_123, %scan3A_150 : i32
      %broadcast_in_dim3A_152 = arith.constant 0.000000e+00 : f32
      %broadcast_in_dim3A_153 = vector.broadcast %broadcast_in_dim3A_152 : f32 to vector<16xf32>
      %mul3A_154 = arith.constant 16 : i32
      %mul3A_155 = arith.muli %scan3A_151, %mul3A_154 : i32
      %swap3A_156 = arith.index_cast %mul3A_155 : i32 to index
      %swap3A_157 = tpu.vector_load %arg10[%swap3A_156] {strides = array<i32>} : memref<10000xf32, #tpu.memory_space<vmem>>, vector<16xf32>,
      tpu.vector_store %arg10[%swap3A_156], %broadcast_in_dim3A_153 {strides = array<i32>} : memref<10000xf32, #tpu.memory_space<vmem>>, vector<16xf32>,
      %scan3A_158 = arith.constant 0 : i32
      %scan3A_159 = arith.constant 4 : i32
      %scan3A_160 = arith.addi %scan3A_123, %scan3A_159 : i32
      %broadcast_in_dim3A_161 = arith.constant 0.000000e+00 : f32
      %broadcast_in_dim3A_162 = vector.broadcast %broadcast_in_dim3A_161 : f32 to vector<16xf32>
      %mul3A_163 = arith.constant 16 : i32
      %mul3A_164 = arith.muli %scan3A_160, %mul3A_163 : i32
      %swap3A_165 = arith.index_cast %mul3A_164 : i32 to index
      %swap3A_166 = tpu.vector_load %arg10[%swap3A_165] {strides = array<i32>} : memref<10000xf32, #tpu.memory_space<vmem>>, vector<16xf32>,
      tpu.vector_store %arg10[%swap3A_165], %broadcast_in_dim3A_162 {strides = array<i32>} : memref<10000xf32, #tpu.memory_space<vmem>>, vector<16xf32>,
      %scan3A_167 = arith.constant 0 : i32
      %scan3A_168 = arith.constant 5 : i32
      %scan3A_169 = arith.addi %scan3A_123, %scan3A_168 : i32
      %broadcast_in_dim3A_170 = arith.constant 0.000000e+00 : f32
      %broadcast_in_dim3A_171 = vector.broadcast %broadcast_in_dim3A_170 : f32 to vector<16xf32>
      %mul3A_172 = arith.constant 16 : i32
      %mul3A_173 = arith.muli %scan3A_169, %mul3A_172 : i32
      %swap3A_174 = arith.index_cast %mul3A_173 : i32 to index
      %swap3A_175 = tpu.vector_load %arg10[%swap3A_174] {strides = array<i32>} : memref<10000xf32, #tpu.memory_space<vmem>>, vector<16xf32>,
      tpu.vector_store %arg10[%swap3A_174], %broadcast_in_dim3A_171 {strides = array<i32>} : memref<10000xf32, #tpu.memory_space<vmem>>, vector<16xf32>,
      %scan3A_176 = arith.constant 0 : i32
      %scan3A_177 = arith.constant 6 : i32
      %scan3A_178 = arith.addi %scan3A_123, %scan3A_177 : i32
      %broadcast_in_dim3A_179 = arith.constant 0.000000e+00 : f32
      %broadcast_in_dim3A_180 = vector.broadcast %broadcast_in_dim3A_179 : f32 to vector<16xf32>
      %mul3A_181 = arith.constant 16 : i32
      %mul3A_182 = arith.muli %scan3A_178, %mul3A_181 : i32
      %swap3A_183 = arith.index_cast %mul3A_182 : i32 to index
      %swap3A_184 = tpu.vector_load %arg10[%swap3A_183] {strides = array<i32>} : memref<10000xf32, #tpu.memory_space<vmem>>, vector<16xf32>,
      tpu.vector_store %arg10[%swap3A_183], %broadcast_in_dim3A_180 {strides = array<i32>} : memref<10000xf32, #tpu.memory_space<vmem>>, vector<16xf32>,
      %scan3A_185 = arith.constant 0 : i32
      %scan3A_186 = arith.constant 7 : i32
      %scan3A_187 = arith.addi %scan3A_123, %scan3A_186 : i32
      %broadcast_in_dim3A_188 = arith.constant 0.000000e+00 : f32
      %broadcast_in_dim3A_189 = vector.broadcast %broadcast_in_dim3A_188 : f32 to vector<16xf32>
      %mul3A_190 = arith.constant 16 : i32
      %mul3A_191 = arith.muli %scan3A_187, %mul3A_190 : i32
      %swap3A_192 = arith.index_cast %mul3A_191 : i32 to index
      %swap3A_193 = tpu.vector_load %arg10[%swap3A_192] {strides = array<i32>} : memref<10000xf32, #tpu.memory_space<vmem>>, vector<16xf32>,
      tpu.vector_store %arg10[%swap3A_192], %broadcast_in_dim3A_189 {strides = array<i32>} : memref<10000xf32, #tpu.memory_space<vmem>>, vector<16xf32>,
      %scan3A_194 = arith.constant 0 : i32
      scf.yield %scan3A_194 : i32
    }
    %scan3A_39 = arith.constant 624 : i32
    %scan3A_40 = arith.addi %scan3A_34, %scan3A_39 : i32
    %broadcast_in_dim3A = arith.constant 0.000000e+00 : f32
    %broadcast_in_dim3A_41 = vector.broadcast %broadcast_in_dim3A : f32 to vector<16xf32>
    %mul3A_42 = arith.constant 16 : i32
    %mul3A_43 = arith.muli %scan3A_40, %mul3A_42 : i32
    %swap3A = arith.index_cast %mul3A_43 : i32 to index
    %swap3A_44 = tpu.vector_load %arg10[%swap3A] {strides = array<i32>} : memref<10000xf32, #tpu.memory_space<vmem>>, vector<16xf32>,
    tpu.vector_store %arg10[%swap3A], %broadcast_in_dim3A_41 {strides = array<i32>} : memref<10000xf32, #tpu.memory_space<vmem>>, vector<16xf32>,
    %scan3A_45 = arith.constant 0 : i32
    %scan3A_46 = arith.constant 625 : i32
    %mul3A_47 = arith.constant 10000 : i32
    %mul3A_48 = arith.muli %arg1, %mul3A_47 : i32
    %dma_start3A_49 = tpu.memref_slice %arg11[%mul3A_48] : memref<160064xf32, #tpu.memory_space<vmem_shared>> -> memref<10000xf32, #tpu.memory_space<vmem_shared>>
    %dma_start3A_50 = tpu.memref_slice %arg11[%mul3A_48] : memref<160064xf32, #tpu.memory_space<vmem_shared>> -> memref<10000xf32, #tpu.memory_space<vmem_shared>>
    tpu.enqueue_dma source(%arg10 : memref<10000xf32, #tpu.memory_space<vmem>>) target(%dma_start3A_50 : memref<10000xf32, #tpu.memory_space<vmem_shared>>) target_semaphore(%arg14 : memref<!tpu.dma_semaphore, #tpu.memory_space<semaphore_mem>>)
    %scan3A_51 = arith.constant 0 : i32
    %scan3A_52 = arith.constant 0 : i32
    %scan3A_53 = arith.constant 328 : i32
    %scan3A_54 = arith.addi %scan3A_52, %scan3A_53 : i32
    %scan3A_55 = arith.constant 8 : i32
    %scan3A_56 = scf.for %scan3A_123 = %scan3A_52 to %scan3A_54 step %scan3A_55 iter_args(%scan3A_124 = %scan3A_51) -> (i32)  : i32 {
      %broadcast_in_dim3A_125 = arith.constant 1.000000e+00 : f32
      %broadcast_in_dim3A_126 = vector.broadcast %broadcast_in_dim3A_125 : f32 to vector<16xf32>
      %mul3A_127 = arith.constant 16 : i32
      %mul3A_128 = arith.muli %scan3A_123, %mul3A_127 : i32
      %swap3A_129 = arith.index_cast %mul3A_128 : i32 to index
      %swap3A_130 = tpu.vector_load %arg9[%swap3A_129] {strides = array<i32>} : memref<5248xf32, #tpu.memory_space<vmem>>, vector<16xf32>,
      tpu.vector_store %arg9[%swap3A_129], %broadcast_in_dim3A_126 {strides = array<i32>} : memref<5248xf32, #tpu.memory_space<vmem>>, vector<16xf32>,
      %scan3A_131 = arith.constant 0 : i32
      %scan3A_132 = arith.constant 1 : i32
      %scan3A_133 = arith.addi %scan3A_123, %scan3A_132 : i32
      %broadcast_in_dim3A_134 = arith.constant 1.000000e+00 : f32
      %broadcast_in_dim3A_135 = vector.broadcast %broadcast_in_dim3A_134 : f32 to vector<16xf32>
      %mul3A_136 = arith.constant 16 : i32
      %mul3A_137 = arith.muli %scan3A_133, %mul3A_136 : i32
      %swap3A_138 = arith.index_cast %mul3A_137 : i32 to index
      %swap3A_139 = tpu.vector_load %arg9[%swap3A_138] {strides = array<i32>} : memref<5248xf32, #tpu.memory_space<vmem>>, vector<16xf32>,
      tpu.vector_store %arg9[%swap3A_138], %broadcast_in_dim3A_135 {strides = array<i32>} : memref<5248xf32, #tpu.memory_space<vmem>>, vector<16xf32>,
      %scan3A_140 = arith.constant 0 : i32
      %scan3A_141 = arith.constant 2 : i32
      %scan3A_142 = arith.addi %scan3A_123, %scan3A_141 : i32
      %broadcast_in_dim3A_143 = arith.constant 1.000000e+00 : f32
      %broadcast_in_dim3A_144 = vector.broadcast %broadcast_in_dim3A_143 : f32 to vector<16xf32>
      %mul3A_145 = arith.constant 16 : i32
      %mul3A_146 = arith.muli %scan3A_142, %mul3A_145 : i32
      %swap3A_147 = arith.index_cast %mul3A_146 : i32 to index
      %swap3A_148 = tpu.vector_load %arg9[%swap3A_147] {strides = array<i32>} : memref<5248xf32, #tpu.memory_space<vmem>>, vector<16xf32>,
      tpu.vector_store %arg9[%swap3A_147], %broadcast_in_dim3A_144 {strides = array<i32>} : memref<5248xf32, #tpu.memory_space<vmem>>, vector<16xf32>,
      %scan3A_149 = arith.constant 0 : i32
      %scan3A_150 = arith.constant 3 : i32
      %scan3A_151 = arith.addi %scan3A_123, %scan3A_150 : i32
      %broadcast_in_dim3A_152 = arith.constant 1.000000e+00 : f32
      %broadcast_in_dim3A_153 = vector.broadcast %broadcast_in_dim3A_152 : f32 to vector<16xf32>
      %mul3A_154 = arith.constant 16 : i32
      %mul3A_155 = arith.muli %scan3A_151, %mul3A_154 : i32
      %swap3A_156 = arith.index_cast %mul3A_155 : i32 to index
      %swap3A_157 = tpu.vector_load %arg9[%swap3A_156] {strides = array<i32>} : memref<5248xf32, #tpu.memory_space<vmem>>, vector<16xf32>,
      tpu.vector_store %arg9[%swap3A_156], %broadcast_in_dim3A_153 {strides = array<i32>} : memref<5248xf32, #tpu.memory_space<vmem>>, vector<16xf32>,
      %scan3A_158 = arith.constant 0 : i32
      %scan3A_159 = arith.constant 4 : i32
      %scan3A_160 = arith.addi %scan3A_123, %scan3A_159 : i32
      %broadcast_in_dim3A_161 = arith.constant 1.000000e+00 : f32
      %broadcast_in_dim3A_162 = vector.broadcast %broadcast_in_dim3A_161 : f32 to vector<16xf32>
      %mul3A_163 = arith.constant 16 : i32
      %mul3A_164 = arith.muli %scan3A_160, %mul3A_163 : i32
      %swap3A_165 = arith.index_cast %mul3A_164 : i32 to index
      %swap3A_166 = tpu.vector_load %arg9[%swap3A_165] {strides = array<i32>} : memref<5248xf32, #tpu.memory_space<vmem>>, vector<16xf32>,
      tpu.vector_store %arg9[%swap3A_165], %broadcast_in_dim3A_162 {strides = array<i32>} : memref<5248xf32, #tpu.memory_space<vmem>>, vector<16xf32>,
      %scan3A_167 = arith.constant 0 : i32
      %scan3A_168 = arith.constant 5 : i32
      %scan3A_169 = arith.addi %scan3A_123, %scan3A_168 : i32
      %broadcast_in_dim3A_170 = arith.constant 1.000000e+00 : f32
      %broadcast_in_dim3A_171 = vector.broadcast %broadcast_in_dim3A_170 : f32 to vector<16xf32>
      %mul3A_172 = arith.constant 16 : i32
      %mul3A_173 = arith.muli %scan3A_169, %mul3A_172 : i32
      %swap3A_174 = arith.index_cast %mul3A_173 : i32 to index
      %swap3A_175 = tpu.vector_load %arg9[%swap3A_174] {strides = array<i32>} : memref<5248xf32, #tpu.memory_space<vmem>>, vector<16xf32>,
      tpu.vector_store %arg9[%swap3A_174], %broadcast_in_dim3A_171 {strides = array<i32>} : memref<5248xf32, #tpu.memory_space<vmem>>, vector<16xf32>,
      %scan3A_176 = arith.constant 0 : i32
      %scan3A_177 = arith.constant 6 : i32
      %scan3A_178 = arith.addi %scan3A_123, %scan3A_177 : i32
      %broadcast_in_dim3A_179 = arith.constant 1.000000e+00 : f32
      %broadcast_in_dim3A_180 = vector.broadcast %broadcast_in_dim3A_179 : f32 to vector<16xf32>
      %mul3A_181 = arith.constant 16 : i32
      %mul3A_182 = arith.muli %scan3A_178, %mul3A_181 : i32
      %swap3A_183 = arith.index_cast %mul3A_182 : i32 to index
      %swap3A_184 = tpu.vector_load %arg9[%swap3A_183] {strides = array<i32>} : memref<5248xf32, #tpu.memory_space<vmem>>, vector<16xf32>,
      tpu.vector_store %arg9[%swap3A_183], %broadcast_in_dim3A_180 {strides = array<i32>} : memref<5248xf32, #tpu.memory_space<vmem>>, vector<16xf32>,
      %scan3A_185 = arith.constant 0 : i32
      %scan3A_186 = arith.constant 7 : i32
      %scan3A_187 = arith.addi %scan3A_123, %scan3A_186 : i32
      %broadcast_in_dim3A_188 = arith.constant 1.000000e+00 : f32
      %broadcast_in_dim3A_189 = vector.broadcast %broadcast_in_dim3A_188 : f32 to vector<16xf32>
      %mul3A_190 = arith.constant 16 : i32
      %mul3A_191 = arith.muli %scan3A_187, %mul3A_190 : i32
      %swap3A_192 = arith.index_cast %mul3A_191 : i32 to index
      %swap3A_193 = tpu.vector_load %arg9[%swap3A_192] {strides = array<i32>} : memref<5248xf32, #tpu.memory_space<vmem>>, vector<16xf32>,
      tpu.vector_store %arg9[%swap3A_192], %broadcast_in_dim3A_189 {strides = array<i32>} : memref<5248xf32, #tpu.memory_space<vmem>>, vector<16xf32>,
      %scan3A_194 = arith.constant 0 : i32
      scf.yield %scan3A_194 : i32
    }
    %scan3A_57 = arith.constant 328 : i32
    %dma_wait3A = arith.constant 0 : i32
    %dma_wait3A_58 = arith.constant 0 : i32
    "tpu.trace_start"() <{level = 10 : i32, message = "ph_wait_in"}> : () -> ()
    %dma_wait3A_59 = arith.constant 0 : i32
    %dma_wait3A_60 = tpu.memref_slice %arg2[%dma_wait3A, %dma_wait3A_58, %dma_wait3A_59] : memref<1x1x10000xi32, #tpu.memory_space<hbm>> -> memref<1x1x10000xi32, #tpu.memory_space<hbm>>
    %dma_wait3A_61 = tpu.memref_squeeze %dma_wait3A_60 : memref<1x1x10000xi32, #tpu.memory_space<hbm>> -> memref<10000xi32, #tpu.memory_space<hbm>>
    %dma_wait3A_62 = arith.constant 0 : i32
    %dma_wait3A_63 = tpu.memref_slice %arg2[%dma_wait3A, %dma_wait3A_58, %dma_wait3A_62] : memref<1x1x10000xi32, #tpu.memory_space<hbm>> -> memref<1x1x10000xi32, #tpu.memory_space<hbm>>
    %dma_wait3A_64 = tpu.memref_squeeze %dma_wait3A_63 : memref<1x1x10000xi32, #tpu.memory_space<hbm>> -> memref<10000xi32, #tpu.memory_space<hbm>>
    tpu.wait_dma2 semaphore(%arg12 : memref<!tpu.dma_semaphore, #tpu.memory_space<semaphore_mem>>) src(%dma_wait3A_64 : memref<10000xi32, #tpu.memory_space<hbm>>) dst(%arg5 : memref<10000xi32, #tpu.memory_space<vmem>>)
    %dma_wait3A_65 = arith.constant 0 : i32
    %dma_wait3A_66 = arith.constant 0 : i32
    %dma_wait3A_67 = tpu.memref_slice %arg6[%dma_wait3A_65, %dma_wait3A_66] : memref<2x10496xi32, #tpu.memory_space<vmem>> -> memref<2x5248xi32, #tpu.memory_space<vmem>>
    %dma_wait3A_68 = arith.constant 0 : i32
    %dma_wait3A_69 = tpu.memref_slice %arg3[%dma_wait3A_68, %mul3A_2] : memref<2x320000xi32, #tpu.memory_space<hbm>> -> memref<2x5248xi32, #tpu.memory_space<hbm>>
    %dma_wait3A_70 = arith.constant 0 : i32
    %dma_wait3A_71 = arith.constant 0 : i32
    %dma_wait3A_72 = tpu.memref_slice %arg6[%dma_wait3A_70, %dma_wait3A_71] : memref<2x10496xi32, #tpu.memory_space<vmem>> -> memref<2x5248xi32, #tpu.memory_space<vmem>>
    %dma_wait3A_73 = arith.constant 0 : i32
    %dma_wait3A_74 = tpu.memref_slice %arg3[%dma_wait3A_73, %mul3A_2] : memref<2x320000xi32, #tpu.memory_space<hbm>> -> memref<2x5248xi32, #tpu.memory_space<hbm>>
    tpu.wait_dma2 semaphore(%arg13 : memref<!tpu.dma_semaphore, #tpu.memory_space<semaphore_mem>>) src(%dma_wait3A_74 : memref<2x5248xi32, #tpu.memory_space<hbm>>) dst(%dma_wait3A_72 : memref<2x5248xi32, #tpu.memory_space<vmem>>)
    %parallel_loop3A = arith.constant 0 : i32
    %parallel_loop3A_75 = arith.constant 328 : i32
    %parallel_loop3A_76 = arith.constant 1 : i32
    "tpu.trace_stop"() : () -> ()
    "tpu.trace_start"() <{level = 10 : i32, message = "ph_gather_a"}> : () -> ()
    scf.for %parallel_loop3A_123 = %parallel_loop3A to %parallel_loop3A_75 step %parallel_loop3A_76  : i32 {
      %parallel_loop3A_124 = arith.constant 16 : i32
      %parallel_loop3A_125 = arith.muli %parallel_loop3A_123, %parallel_loop3A_124 : i32
      %parallel_loop3A_126 = arith.constant 0 : i32
      %parallel_loop3A_127 = arith.index_cast %parallel_loop3A_126 : i32 to index
      %parallel_loop3A_128 = arith.index_cast %parallel_loop3A_125 : i32 to index
      %parallel_loop3A_129 = tpu.vector_load %arg6[%parallel_loop3A_127, %parallel_loop3A_128] {strides = array<i32>} : memref<2x10496xi32, #tpu.memory_space<vmem>>, vector<16xi32>,
      %parallel_loop3A_130 = arith.constant 16 : i32
      %parallel_loop3A_131 = arith.muli %parallel_loop3A_123, %parallel_loop3A_130 : i32
      %parallel_loop3A_132 = arith.constant 1 : i32
      %parallel_loop3A_133 = arith.index_cast %parallel_loop3A_132 : i32 to index
      %parallel_loop3A_134 = arith.index_cast %parallel_loop3A_131 : i32 to index
      %parallel_loop3A_135 = tpu.vector_load %arg6[%parallel_loop3A_133, %parallel_loop3A_134] {strides = array<i32>} : memref<2x10496xi32, #tpu.memory_space<vmem>>, vector<16xi32>,
      %parallel_loop3A_136 = tpu.vector_load_idx %arg5[%parallel_loop3A_129] : memref<10000xi32, #tpu.memory_space<vmem>>[vector<16xi32>], vector<16xi32>,
      %parallel_loop3A_137 = arith.constant 10000 : i32
      %parallel_loop3A_138 = vector.broadcast %parallel_loop3A_137 : i32 to vector<16xi32>
      %parallel_loop3A_139 = arith.muli %parallel_loop3A_136, %parallel_loop3A_138 : vector<16xi32>
      %parallel_loop3A_140 = arith.addi %parallel_loop3A_139, %parallel_loop3A_135 : vector<16xi32>
      %parallel_loop3A_141 = arith.constant 16 : i32
      %parallel_loop3A_142 = arith.muli %parallel_loop3A_123, %parallel_loop3A_141 : i32
      %parallel_loop3A_143 = arith.index_cast %parallel_loop3A_142 : i32 to index
      %parallel_loop3A_144 = tpu.vector_load %arg7[%parallel_loop3A_143] {strides = array<i32>} : memref<5248xi32, #tpu.memory_space<vmem>>, vector<16xi32>,
      tpu.vector_store %arg7[%parallel_loop3A_143], %parallel_loop3A_140 {strides = array<i32>} : memref<5248xi32, #tpu.memory_space<vmem>>, vector<16xi32>,
    } {sc.loop_unroll_factor = 8 : i64, sc.parallel_access}
    "tpu.trace_stop"() : () -> ()
    "tpu.trace_start"() <{level = 10 : i32, message = "ph_zwait"}> : () -> ()
    %dma_wait3A_77 = tpu.memref_slice %arg11[%mul3A_48] : memref<160064xf32, #tpu.memory_space<vmem_shared>> -> memref<10000xf32, #tpu.memory_space<vmem_shared>>
    %dma_wait3A_78 = tpu.memref_slice %arg11[%mul3A_48] : memref<160064xf32, #tpu.memory_space<vmem_shared>> -> memref<10000xf32, #tpu.memory_space<vmem_shared>>
    tpu.wait_dma2 semaphore(%arg14 : memref<!tpu.dma_semaphore, #tpu.memory_space<semaphore_mem>>) src(%arg10 : memref<10000xf32, #tpu.memory_space<vmem>>) dst(%dma_wait3A_78 : memref<10000xf32, #tpu.memory_space<vmem_shared>>)
    %barrier3A = arith.constant 0 : index
    tpu.barrier barrier_id(%barrier3A)
    "tpu.trace_stop"() : () -> ()
    %dma_start3A_79 = arith.constant 0 : i32
    %dma_start3A_80 = tpu.memref_slice %arg11[%dma_start3A_79] : memref<160064xf32, #tpu.memory_space<vmem_shared>> -> memref<160064xf32, #tpu.memory_space<vmem_shared>>
    tpu.enqueue_indirect_dma source(%arg9 : memref<5248xf32, #tpu.memory_space<vmem>>) target(%dma_start3A_80 : memref<160064xf32, #tpu.memory_space<vmem_shared>>) offsets(%arg7 : memref<5248xi32, #tpu.memory_space<vmem>>) semaphore(%arg15 : memref<!tpu.dma_semaphore, #tpu.memory_space<semaphore_mem>>) {add = true}
    "tpu.trace_start"() <{level = 10 : i32, message = "ph_wait_in2"}> : () -> ()
    %dma_wait3A_81 = arith.constant 0 : i32
    %dma_wait3A_82 = arith.constant 5248 : i32
    %dma_wait3A_83 = tpu.memref_slice %arg6[%dma_wait3A_81, %dma_wait3A_82] : memref<2x10496xi32, #tpu.memory_space<vmem>> -> memref<2x5248xi32, #tpu.memory_space<vmem>>
    %dma_wait3A_84 = arith.constant 0 : i32
    %dma_wait3A_85 = tpu.memref_slice %arg3[%dma_wait3A_84, %add3A_23] : memref<2x320000xi32, #tpu.memory_space<hbm>> -> memref<2x5248xi32, #tpu.memory_space<hbm>>
    %dma_wait3A_86 = arith.constant 0 : i32
    %dma_wait3A_87 = arith.constant 5248 : i32
    %dma_wait3A_88 = tpu.memref_slice %arg6[%dma_wait3A_86, %dma_wait3A_87] : memref<2x10496xi32, #tpu.memory_space<vmem>> -> memref<2x5248xi32, #tpu.memory_space<vmem>>
    %dma_wait3A_89 = arith.constant 0 : i32
    %dma_wait3A_90 = tpu.memref_slice %arg3[%dma_wait3A_89, %add3A_23] : memref<2x320000xi32, #tpu.memory_space<hbm>> -> memref<2x5248xi32, #tpu.memory_space<hbm>>
    tpu.wait_dma2 semaphore(%arg17 : memref<!tpu.dma_semaphore, #tpu.memory_space<semaphore_mem>>) src(%dma_wait3A_90 : memref<2x5248xi32, #tpu.memory_space<hbm>>) dst(%dma_wait3A_88 : memref<2x5248xi32, #tpu.memory_space<vmem>>)
    %parallel_loop3A_91 = arith.constant 0 : i32
    %parallel_loop3A_92 = arith.constant 328 : i32
    %parallel_loop3A_93 = arith.constant 1 : i32
    "tpu.trace_stop"() : () -> ()
    "tpu.trace_start"() <{level = 10 : i32, message = "ph_gather_b"}> : () -> ()
    scf.for %parallel_loop3A_123 = %parallel_loop3A_91 to %parallel_loop3A_92 step %parallel_loop3A_93  : i32 {
      %parallel_loop3A_124 = arith.constant 16 : i32
      %parallel_loop3A_125 = arith.muli %parallel_loop3A_123, %parallel_loop3A_124 : i32
      %parallel_loop3A_126 = arith.constant 5248 : i32
      %parallel_loop3A_127 = arith.addi %parallel_loop3A_126, %parallel_loop3A_125 : i32
      %parallel_loop3A_128 = arith.constant 0 : i32
      %parallel_loop3A_129 = arith.index_cast %parallel_loop3A_128 : i32 to index
      %parallel_loop3A_130 = arith.index_cast %parallel_loop3A_127 : i32 to index
      %parallel_loop3A_131 = tpu.vector_load %arg6[%parallel_loop3A_129, %parallel_loop3A_130] {strides = array<i32>} : memref<2x10496xi32, #tpu.memory_space<vmem>>, vector<16xi32>,
      %parallel_loop3A_132 = arith.constant 16 : i32
      %parallel_loop3A_133 = arith.muli %parallel_loop3A_123, %parallel_loop3A_132 : i32
      %parallel_loop3A_134 = arith.constant 5248 : i32
      %parallel_loop3A_135 = arith.addi %parallel_loop3A_134, %parallel_loop3A_133 : i32
      %parallel_loop3A_136 = arith.constant 1 : i32
      %parallel_loop3A_137 = arith.index_cast %parallel_loop3A_136 : i32 to index
      %parallel_loop3A_138 = arith.index_cast %parallel_loop3A_135 : i32 to index
      %parallel_loop3A_139 = tpu.vector_load %arg6[%parallel_loop3A_137, %parallel_loop3A_138] {strides = array<i32>} : memref<2x10496xi32, #tpu.memory_space<vmem>>, vector<16xi32>,
      %parallel_loop3A_140 = tpu.vector_load_idx %arg5[%parallel_loop3A_131] : memref<10000xi32, #tpu.memory_space<vmem>>[vector<16xi32>], vector<16xi32>,
      %parallel_loop3A_141 = arith.constant 10000 : i32
      %parallel_loop3A_142 = vector.broadcast %parallel_loop3A_141 : i32 to vector<16xi32>
      %parallel_loop3A_143 = arith.muli %parallel_loop3A_140, %parallel_loop3A_142 : vector<16xi32>
      %parallel_loop3A_144 = arith.addi %parallel_loop3A_143, %parallel_loop3A_139 : vector<16xi32>
      %parallel_loop3A_145 = arith.constant 16 : i32
      %parallel_loop3A_146 = arith.muli %parallel_loop3A_123, %parallel_loop3A_145 : i32
      %parallel_loop3A_147 = arith.index_cast %parallel_loop3A_146 : i32 to index
      %parallel_loop3A_148 = tpu.vector_load %arg8[%parallel_loop3A_147] {strides = array<i32>} : memref<5248xi32, #tpu.memory_space<vmem>>, vector<16xi32>,
      tpu.vector_store %arg8[%parallel_loop3A_147], %parallel_loop3A_144 {strides = array<i32>} : memref<5248xi32, #tpu.memory_space<vmem>>, vector<16xi32>,
    } {sc.loop_unroll_factor = 8 : i64, sc.parallel_access}
    %sub3A = arith.constant 328 : i32
    %sub3A_94 = arith.subi %select_n3A, %sub3A : i32
    %max3A = arith.constant 0 : i32
    %max3A_95 = arith.maxsi %sub3A_94, %max3A : i32
    %while3A = arith.constant 328 : i32
    %while3A_96 = arith.constant 0 : i32
    %while3A_97 = arith.subi %while3A, %max3A_95 : i32
    %while3A_98 = arith.addi %max3A_95, %while3A_97 : i32
    %while3A_99 = arith.constant 1 : i32
    %while3A_100 = arith.divsi %while3A_97, %while3A_99 : i32
    %while3A_101 = arith.muli %while3A_100, %while3A_99 : i32
    %while3A_102 = arith.addi %max3A_95, %while3A_101 : i32
    %while3A_103 = arith.constant 1 : i32
    %while3A_104 = scf.for %while3A_123 = %max3A_95 to %while3A_102 step %while3A_103 iter_args(%while3A_124 = %while3A_96) -> (i32)  : i32 {
      %broadcast_in_dim3A_125 = arith.constant 160000 : i32
      %broadcast_in_dim3A_126 = vector.broadcast %broadcast_in_dim3A_125 : i32 to vector<16xi32>
      %mul3A_127 = arith.constant 16 : i32
      %mul3A_128 = arith.muli %while3A_123, %mul3A_127 : i32
      %swap3A_129 = arith.index_cast %mul3A_128 : i32 to index
      %swap3A_130 = tpu.vector_load %arg8[%swap3A_129] {strides = array<i32>} : memref<5248xi32, #tpu.memory_space<vmem>>, vector<16xi32>,
      tpu.vector_store %arg8[%swap3A_129], %broadcast_in_dim3A_126 {strides = array<i32>} : memref<5248xi32, #tpu.memory_space<vmem>>, vector<16xi32>,
      %while3A_131 = arith.constant 0 : i32
      scf.yield %while3A_131 : i32
    }
    %while3A_105 = arith.constant 1 : i32
    %while3A_106 = scf.for %while3A_123 = %while3A_102 to %while3A_98 step %while3A_105 iter_args(%while3A_124 = %while3A_104) -> (i32)  : i32 {
      %broadcast_in_dim3A_125 = arith.constant 160000 : i32
      %broadcast_in_dim3A_126 = vector.broadcast %broadcast_in_dim3A_125 : i32 to vector<16xi32>
      %mul3A_127 = arith.constant 16 : i32
      %mul3A_128 = arith.muli %while3A_123, %mul3A_127 : i32
      %swap3A_129 = arith.index_cast %mul3A_128 : i32 to index
      %swap3A_130 = tpu.vector_load %arg8[%swap3A_129] {strides = array<i32>} : memref<5248xi32, #tpu.memory_space<vmem>>, vector<16xi32>,
      tpu.vector_store %arg8[%swap3A_129], %broadcast_in_dim3A_126 {strides = array<i32>} : memref<5248xi32, #tpu.memory_space<vmem>>, vector<16xi32>,
      %while3A_131 = arith.constant 0 : i32
      scf.yield %while3A_131 : i32
    }
    "tpu.trace_stop"() : () -> ()
    %dma_start3A_107 = arith.constant 0 : i32
    %dma_start3A_108 = tpu.memref_slice %arg11[%dma_start3A_107] : memref<160064xf32, #tpu.memory_space<vmem_shared>> -> memref<160064xf32, #tpu.memory_space<vmem_shared>>
    tpu.enqueue_indirect_dma source(%arg9 : memref<5248xf32, #tpu.memory_space<vmem>>) target(%dma_start3A_108 : memref<160064xf32, #tpu.memory_space<vmem_shared>>) offsets(%arg8 : memref<5248xi32, #tpu.memory_space<vmem>>) semaphore(%arg16 : memref<!tpu.dma_semaphore, #tpu.memory_space<semaphore_mem>>) {add = true}
    "tpu.trace_start"() <{level = 10 : i32, message = "ph_scatter"}> : () -> ()
    %dma_wait3A_109 = arith.constant 0 : i32
    %dma_wait3A_110 = tpu.memref_slice %arg11[%dma_wait3A_109] : memref<160064xf32, #tpu.memory_space<vmem_shared>> -> memref<160064xf32, #tpu.memory_space<vmem_shared>>
    tpu.wait_indirect_dma semaphore(%arg15 : memref<!tpu.dma_semaphore, #tpu.memory_space<semaphore_mem>>) src(%arg9 : memref<5248xf32, #tpu.memory_space<vmem>>) dst(%dma_wait3A_110 : memref<160064xf32, #tpu.memory_space<vmem_shared>>)
    %dma_wait3A_111 = arith.constant 0 : i32
    %dma_wait3A_112 = tpu.memref_slice %arg11[%dma_wait3A_111] : memref<160064xf32, #tpu.memory_space<vmem_shared>> -> memref<160064xf32, #tpu.memory_space<vmem_shared>>
    tpu.wait_indirect_dma semaphore(%arg16 : memref<!tpu.dma_semaphore, #tpu.memory_space<semaphore_mem>>) src(%arg9 : memref<5248xf32, #tpu.memory_space<vmem>>) dst(%dma_wait3A_112 : memref<160064xf32, #tpu.memory_space<vmem_shared>>)
    "tpu.trace_stop"() : () -> ()
    "tpu.trace_start"() <{level = 10 : i32, message = "ph_bar2"}> : () -> ()
    %barrier3A_113 = arith.constant 0 : index
    tpu.barrier barrier_id(%barrier3A_113)
    "tpu.trace_stop"() : () -> ()
    "tpu.trace_start"() <{level = 10 : i32, message = "ph_out"}> : () -> ()
    %mul3A_114 = arith.constant 10000 : i32
    %mul3A_115 = arith.muli %arg1, %mul3A_114 : i32
    "tpu.region"() ({
      %run_scoped3A = tpu.sem_alloc : memref<!tpu.dma_semaphore, #tpu.memory_space<semaphore_mem>>
      %dma_start3A_123 = tpu.memref_slice %arg11[%mul3A_115] : memref<160064xf32, #tpu.memory_space<vmem_shared>> -> memref<10000xf32, #tpu.memory_space<vmem_shared>>
      %dma_start3A_124 = tpu.memref_slice %arg11[%mul3A_115] : memref<160064xf32, #tpu.memory_space<vmem_shared>> -> memref<10000xf32, #tpu.memory_space<vmem_shared>>
      tpu.enqueue_dma source(%dma_start3A_124 : memref<10000xf32, #tpu.memory_space<vmem_shared>>) target(%arg10 : memref<10000xf32, #tpu.memory_space<vmem>>) target_semaphore(%run_scoped3A : memref<!tpu.dma_semaphore, #tpu.memory_space<semaphore_mem>>)
      %dma_wait3A_125 = tpu.memref_slice %arg11[%mul3A_115] : memref<160064xf32, #tpu.memory_space<vmem_shared>> -> memref<10000xf32, #tpu.memory_space<vmem_shared>>
      %dma_wait3A_126 = tpu.memref_slice %arg11[%mul3A_115] : memref<160064xf32, #tpu.memory_space<vmem_shared>> -> memref<10000xf32, #tpu.memory_space<vmem_shared>>
      tpu.wait_dma2 semaphore(%run_scoped3A : memref<!tpu.dma_semaphore, #tpu.memory_space<semaphore_mem>>) src(%dma_wait3A_126 : memref<10000xf32, #tpu.memory_space<vmem_shared>>) dst(%arg10 : memref<10000xf32, #tpu.memory_space<vmem>>)
      tpu.yield
    }) : () -> ()
    %mul3A_116 = arith.constant 10000 : i32
    %mul3A_117 = arith.muli %arg0, %mul3A_116 : i32
    %mul3A_118 = arith.constant 16 : i32
    %mul3A_119 = arith.muli %mul3A_117, %mul3A_118 : i32
    %mul3A_120 = arith.constant 10000 : i32
    %mul3A_121 = arith.muli %arg1, %mul3A_120 : i32
    %add3A_122 = arith.addi %mul3A_119, %mul3A_121 : i32
    "tpu.region"() ({
      %run_scoped3A = tpu.sem_alloc : memref<!tpu.dma_semaphore, #tpu.memory_space<semaphore_mem>>
      %dma_start3A_123 = tpu.memref_slice %arg4[%add3A_122] : memref<320000xf32, #tpu.memory_space<hbm>> -> memref<10000xf32, #tpu.memory_space<hbm>>
      %dma_start3A_124 = tpu.memref_slice %arg4[%add3A_122] : memref<320000xf32, #tpu.memory_space<hbm>> -> memref<10000xf32, #tpu.memory_space<hbm>>
      tpu.enqueue_dma source(%arg10 : memref<10000xf32, #tpu.memory_space<vmem>>) target(%dma_start3A_124 : memref<10000xf32, #tpu.memory_space<hbm>>) target_semaphore(%run_scoped3A : memref<!tpu.dma_semaphore, #tpu.memory_space<semaphore_mem>>)
      %dma_wait3A_125 = tpu.memref_slice %arg4[%add3A_122] : memref<320000xf32, #tpu.memory_space<hbm>> -> memref<10000xf32, #tpu.memory_space<hbm>>
      %dma_wait3A_126 = tpu.memref_slice %arg4[%add3A_122] : memref<320000xf32, #tpu.memory_space<hbm>> -> memref<10000xf32, #tpu.memory_space<hbm>>
      tpu.wait_dma2 semaphore(%run_scoped3A : memref<!tpu.dma_semaphore, #tpu.memory_space<semaphore_mem>>) src(%arg10 : memref<10000xf32, #tpu.memory_space<vmem>>) dst(%dma_wait3A_126 : memref<10000xf32, #tpu.memory_space<hbm>>)
      tpu.yield
    }) : () -> ()
    "tpu.trace_stop"() : () -> ()
    return
  }
}

#map = affine_map<(d0, d1) -> (0, 0, 0)>
#map1 = affine_map<(d0, d1) -> (0, 0)>
#map2 = affine_map<(d0, d1) -> (0)>
module attributes {stable_mosaic.version = 14 : i64} {
  func.func @_count_body(%arg0: i32, %arg1: i32, %arg2: memref<1x1x10000xi32, #tpu.memory_space<hbm>>, %arg3: memref<2x320000xi32, #tpu.memory_space<hbm>>, %arg4: memref<320000xf32, #tpu.memory_space<hbm>>, %arg5: memref<10000xi32, #tpu.memory_space<vmem>>, %arg6: memref<2x10496xi32, #tpu.memory_space<vmem>>, %arg7: memref<5248xi32, #tpu.memory_space<vmem>>, %arg8: memref<5248xi32, #tpu.memory_space<vmem>>, %arg9: memref<5248xf32, #tpu.memory_space<vmem>>, %arg10: memref<10000xf32, #tpu.memory_space<vmem>>, %arg11: memref<160064xf32, #tpu.memory_space<vmem_shared>>, %arg12: memref<!tpu.dma_semaphore, #tpu.memory_space<semaphore_mem>>, %arg13: memref<!tpu.dma_semaphore, #tpu.memory_space<semaphore_mem>>, %arg14: memref<!tpu.dma_semaphore, #tpu.memory_space<semaphore_mem>>, %arg15: memref<!tpu.dma_semaphore, #tpu.memory_space<semaphore_mem>>, %arg16: memref<!tpu.dma_semaphore, #tpu.memory_space<semaphore_mem>>, %arg17: memref<!tpu.dma_semaphore, #tpu.memory_space<semaphore_mem>>) attributes {dimension_semantics = [#tpu.dimension_semantics<core_parallel>, #tpu.dimension_semantics<subcore_parallel>], iteration_bounds = array<i64: 2, 16>, scalar_prefetch = 0 : i64, scratch_operands = 13 : i64, tpu.core_type = #tpu.core_type<sc_vector_subcore>, window_params = [{transform_indices = #map}, {transform_indices = #map1}, {transform_indices = #map2}]} {
    %mul3A = arith.constant 16 : i32
    %mul3A_0 = arith.muli %arg0, %mul3A : i32
    %add3A = arith.addi %mul3A_0, %arg1 : i32
    %mul3A_1 = arith.constant 9984 : i32
    %mul3A_2 = arith.muli %add3A, %mul3A_1 : i32
    %eq3A = arith.constant 31 : i32
    %eq3A_3 = arith.cmpi eq, %add3A, %eq3A : i32
    %jit3A = arith.constant 656 : i32
    %jit3A_4 = arith.constant 624 : i32
    %select_n3A = arith.select %eq3A_3, %jit3A, %jit3A_4 : i32
    %dma_start3A = arith.constant 0 : i32
    %dma_start3A_5 = arith.constant 0 : i32
    %dma_start3A_6 = arith.constant 0 : i32
    %dma_start3A_7 = tpu.memref_slice %arg2[%dma_start3A, %dma_start3A_5, %dma_start3A_6] : memref<1x1x10000xi32, #tpu.memory_space<hbm>> -> memref<1x1x10000xi32, #tpu.memory_space<hbm>>
    %dma_start3A_8 = tpu.memref_squeeze %dma_start3A_7 : memref<1x1x10000xi32, #tpu.memory_space<hbm>> -> memref<10000xi32, #tpu.memory_space<hbm>>
    %dma_start3A_9 = arith.constant 0 : i32
    %dma_start3A_10 = tpu.memref_slice %arg2[%dma_start3A, %dma_start3A_5, %dma_start3A_9] : memref<1x1x10000xi32, #tpu.memory_space<hbm>> -> memref<1x1x10000xi32, #tpu.memory_space<hbm>>
    %dma_start3A_11 = tpu.memref_squeeze %dma_start3A_10 : memref<1x1x10000xi32, #tpu.memory_space<hbm>> -> memref<10000xi32, #tpu.memory_space<hbm>>
    tpu.enqueue_dma source(%dma_start3A_11 : memref<10000xi32, #tpu.memory_space<hbm>>) target(%arg5 : memref<10000xi32, #tpu.memory_space<vmem>>) target_semaphore(%arg12 : memref<!tpu.dma_semaphore, #tpu.memory_space<semaphore_mem>>)
    %dma_start3A_12 = arith.constant 0 : i32
    %dma_start3A_13 = arith.constant 0 : i32
    %dma_start3A_14 = tpu.memref_slice %arg6[%dma_start3A_12, %dma_start3A_13] : memref<2x10496xi32, #tpu.memory_space<vmem>> -> memref<2x5248xi32, #tpu.memory_space<vmem>>
    %dma_start3A_15 = arith.constant 0 : i32
    %dma_start3A_16 = tpu.memref_slice %arg3[%dma_start3A_15, %mul3A_2] : memref<2x320000xi32, #tpu.memory_space<hbm>> -> memref<2x5248xi32, #tpu.memory_space<hbm>>
    %dma_start3A_17 = arith.constant 0 : i32
    %dma_start3A_18 = arith.constant 0 : i32
    %dma_start3A_19 = tpu.memref_slice %arg6[%dma_start3A_17, %dma_start3A_18] : memref<2x10496xi32, #tpu.memory_space<vmem>> -> memref<2x5248xi32, #tpu.memory_space<vmem>>
    %dma_start3A_20 = arith.constant 0 : i32
    %dma_start3A_21 = tpu.memref_slice %arg3[%dma_start3A_20, %mul3A_2] : memref<2x320000xi32, #tpu.memory_space<hbm>> -> memref<2x5248xi32, #tpu.memory_space<hbm>>
    tpu.enqueue_dma source(%dma_start3A_21 : memref<2x5248xi32, #tpu.memory_space<hbm>>) target(%dma_start3A_19 : memref<2x5248xi32, #tpu.memory_space<vmem>>) target_semaphore(%arg13 : memref<!tpu.dma_semaphore, #tpu.memory_space<semaphore_mem>>)
    %add3A_22 = arith.constant 5248 : i32
    %add3A_23 = arith.addi %mul3A_2, %add3A_22 : i32
    %dma_start3A_24 = arith.constant 0 : i32
    %dma_start3A_25 = arith.constant 5248 : i32
    %dma_start3A_26 = tpu.memref_slice %arg6[%dma_start3A_24, %dma_start3A_25] : memref<2x10496xi32, #tpu.memory_space<vmem>> -> memref<2x5248xi32, #tpu.memory_space<vmem>>
    %dma_start3A_27 = arith.constant 0 : i32
    %dma_start3A_28 = tpu.memref_slice %arg3[%dma_start3A_27, %add3A_23] : memref<2x320000xi32, #tpu.memory_space<hbm>> -> memref<2x5248xi32, #tpu.memory_space<hbm>>
    %dma_start3A_29 = arith.constant 0 : i32
    %dma_start3A_30 = arith.constant 5248 : i32
    %dma_start3A_31 = tpu.memref_slice %arg6[%dma_start3A_29, %dma_start3A_30] : memref<2x10496xi32, #tpu.memory_space<vmem>> -> memref<2x5248xi32, #tpu.memory_space<vmem>>
    %dma_start3A_32 = arith.constant 0 : i32
    %dma_start3A_33 = tpu.memref_slice %arg3[%dma_start3A_32, %add3A_23] : memref<2x320000xi32, #tpu.memory_space<hbm>> -> memref<2x5248xi32, #tpu.memory_space<hbm>>
    tpu.enqueue_dma source(%dma_start3A_33 : memref<2x5248xi32, #tpu.memory_space<hbm>>) target(%dma_start3A_31 : memref<2x5248xi32, #tpu.memory_space<vmem>>) target_semaphore(%arg17 : memref<!tpu.dma_semaphore, #tpu.memory_space<semaphore_mem>>)
    %scan3A = arith.constant 0 : i32
    %scan3A_34 = arith.constant 0 : i32
    %scan3A_35 = arith.constant 624 : i32
    %scan3A_36 = arith.addi %scan3A_34, %scan3A_35 : i32
    %scan3A_37 = arith.constant 8 : i32
    %scan3A_38 = scf.for %scan3A_123 = %scan3A_34 to %scan3A_36 step %scan3A_37 iter_args(%scan3A_124 = %scan3A) -> (i32)  : i32 {
      %broadcast_in_dim3A_125 = arith.constant 0.000000e+00 : f32
      %broadcast_in_dim3A_126 = vector.broadcast %broadcast_in_dim3A_125 : f32 to vector<16xf32>
      %mul3A_127 = arith.constant 16 : i32
      %mul3A_128 = arith.muli %scan3A_123, %mul3A_127 : i32
      %swap3A_129 = arith.index_cast %mul3A_128 : i32 to index
      %swap3A_130 = tpu.vector_load %arg10[%swap3A_129] {strides = array<i32>} : memref<10000xf32, #tpu.memory_space<vmem>>, vector<16xf32>,
      tpu.vector_store %arg10[%swap3A_129], %broadcast_in_dim3A_126 {strides = array<i32>} : memref<10000xf32, #tpu.memory_space<vmem>>, vector<16xf32>,
      %scan3A_131 = arith.constant 0 : i32
      %scan3A_132 = arith.constant 1 : i32
      %scan3A_133 = arith.addi %scan3A_123, %scan3A_132 : i32
      %broadcast_in_dim3A_134 = arith.constant 0.000000e+00 : f32
      %broadcast_in_dim3A_135 = vector.broadcast %broadcast_in_dim3A_134 : f32 to vector<16xf32>
      %mul3A_136 = arith.constant 16 : i32
      %mul3A_137 = arith.muli %scan3A_133, %mul3A_136 : i32
      %swap3A_138 = arith.index_cast %mul3A_137 : i32 to index
      %swap3A_139 = tpu.vector_load %arg10[%swap3A_138] {strides = array<i32>} : memref<10000xf32, #tpu.memory_space<vmem>>, vector<16xf32>,
      tpu.vector_store %arg10[%swap3A_138], %broadcast_in_dim3A_135 {strides = array<i32>} : memref<10000xf32, #tpu.memory_space<vmem>>, vector<16xf32>,
      %scan3A_140 = arith.constant 0 : i32
      %scan3A_141 = arith.constant 2 : i32
      %scan3A_142 = arith.addi %scan3A_123, %scan3A_141 : i32
      %broadcast_in_dim3A_143 = arith.constant 0.000000e+00 : f32
      %broadcast_in_dim3A_144 = vector.broadcast %broadcast_in_dim3A_143 : f32 to vector<16xf32>
      %mul3A_145 = arith.constant 16 : i32
      %mul3A_146 = arith.muli %scan3A_142, %mul3A_145 : i32
      %swap3A_147 = arith.index_cast %mul3A_146 : i32 to index
      %swap3A_148 = tpu.vector_load %arg10[%swap3A_147] {strides = array<i32>} : memref<10000xf32, #tpu.memory_space<vmem>>, vector<16xf32>,
      tpu.vector_store %arg10[%swap3A_147], %broadcast_in_dim3A_144 {strides = array<i32>} : memref<10000xf32, #tpu.memory_space<vmem>>, vector<16xf32>,
      %scan3A_149 = arith.constant 0 : i32
      %scan3A_150 = arith.constant 3 : i32
      %scan3A_151 = arith.addi %scan3A_123, %scan3A_150 : i32
      %broadcast_in_dim3A_152 = arith.constant 0.000000e+00 : f32
      %broadcast_in_dim3A_153 = vector.broadcast %broadcast_in_dim3A_152 : f32 to vector<16xf32>
      %mul3A_154 = arith.constant 16 : i32
      %mul3A_155 = arith.muli %scan3A_151, %mul3A_154 : i32
      %swap3A_156 = arith.index_cast %mul3A_155 : i32 to index
      %swap3A_157 = tpu.vector_load %arg10[%swap3A_156] {strides = array<i32>} : memref<10000xf32, #tpu.memory_space<vmem>>, vector<16xf32>,
      tpu.vector_store %arg10[%swap3A_156], %broadcast_in_dim3A_153 {strides = array<i32>} : memref<10000xf32, #tpu.memory_space<vmem>>, vector<16xf32>,
      %scan3A_158 = arith.constant 0 : i32
      %scan3A_159 = arith.constant 4 : i32
      %scan3A_160 = arith.addi %scan3A_123, %scan3A_159 : i32
      %broadcast_in_dim3A_161 = arith.constant 0.000000e+00 : f32
      %broadcast_in_dim3A_162 = vector.broadcast %broadcast_in_dim3A_161 : f32 to vector<16xf32>
      %mul3A_163 = arith.constant 16 : i32
      %mul3A_164 = arith.muli %scan3A_160, %mul3A_163 : i32
      %swap3A_165 = arith.index_cast %mul3A_164 : i32 to index
      %swap3A_166 = tpu.vector_load %arg10[%swap3A_165] {strides = array<i32>} : memref<10000xf32, #tpu.memory_space<vmem>>, vector<16xf32>,
      tpu.vector_store %arg10[%swap3A_165], %broadcast_in_dim3A_162 {strides = array<i32>} : memref<10000xf32, #tpu.memory_space<vmem>>, vector<16xf32>,
      %scan3A_167 = arith.constant 0 : i32
      %scan3A_168 = arith.constant 5 : i32
      %scan3A_169 = arith.addi %scan3A_123, %scan3A_168 : i32
      %broadcast_in_dim3A_170 = arith.constant 0.000000e+00 : f32
      %broadcast_in_dim3A_171 = vector.broadcast %broadcast_in_dim3A_170 : f32 to vector<16xf32>
      %mul3A_172 = arith.constant 16 : i32
      %mul3A_173 = arith.muli %scan3A_169, %mul3A_172 : i32
      %swap3A_174 = arith.index_cast %mul3A_173 : i32 to index
      %swap3A_175 = tpu.vector_load %arg10[%swap3A_174] {strides = array<i32>} : memref<10000xf32, #tpu.memory_space<vmem>>, vector<16xf32>,
      tpu.vector_store %arg10[%swap3A_174], %broadcast_in_dim3A_171 {strides = array<i32>} : memref<10000xf32, #tpu.memory_space<vmem>>, vector<16xf32>,
      %scan3A_176 = arith.constant 0 : i32
      %scan3A_177 = arith.constant 6 : i32
      %scan3A_178 = arith.addi %scan3A_123, %scan3A_177 : i32
      %broadcast_in_dim3A_179 = arith.constant 0.000000e+00 : f32
      %broadcast_in_dim3A_180 = vector.broadcast %broadcast_in_dim3A_179 : f32 to vector<16xf32>
      %mul3A_181 = arith.constant 16 : i32
      %mul3A_182 = arith.muli %scan3A_178, %mul3A_181 : i32
      %swap3A_183 = arith.index_cast %mul3A_182 : i32 to index
      %swap3A_184 = tpu.vector_load %arg10[%swap3A_183] {strides = array<i32>} : memref<10000xf32, #tpu.memory_space<vmem>>, vector<16xf32>,
      tpu.vector_store %arg10[%swap3A_183], %broadcast_in_dim3A_180 {strides = array<i32>} : memref<10000xf32, #tpu.memory_space<vmem>>, vector<16xf32>,
      %scan3A_185 = arith.constant 0 : i32
      %scan3A_186 = arith.constant 7 : i32
      %scan3A_187 = arith.addi %scan3A_123, %scan3A_186 : i32
      %broadcast_in_dim3A_188 = arith.constant 0.000000e+00 : f32
      %broadcast_in_dim3A_189 = vector.broadcast %broadcast_in_dim3A_188 : f32 to vector<16xf32>
      %mul3A_190 = arith.constant 16 : i32
      %mul3A_191 = arith.muli %scan3A_187, %mul3A_190 : i32
      %swap3A_192 = arith.index_cast %mul3A_191 : i32 to index
      %swap3A_193 = tpu.vector_load %arg10[%swap3A_192] {strides = array<i32>} : memref<10000xf32, #tpu.memory_space<vmem>>, vector<16xf32>,
      tpu.vector_store %arg10[%swap3A_192], %broadcast_in_dim3A_189 {strides = array<i32>} : memref<10000xf32, #tpu.memory_space<vmem>>, vector<16xf32>,
      %scan3A_194 = arith.constant 0 : i32
      scf.yield %scan3A_194 : i32
    }
    %scan3A_39 = arith.constant 624 : i32
    %scan3A_40 = arith.addi %scan3A_34, %scan3A_39 : i32
    %broadcast_in_dim3A = arith.constant 0.000000e+00 : f32
    %broadcast_in_dim3A_41 = vector.broadcast %broadcast_in_dim3A : f32 to vector<16xf32>
    %mul3A_42 = arith.constant 16 : i32
    %mul3A_43 = arith.muli %scan3A_40, %mul3A_42 : i32
    %swap3A = arith.index_cast %mul3A_43 : i32 to index
    %swap3A_44 = tpu.vector_load %arg10[%swap3A] {strides = array<i32>} : memref<10000xf32, #tpu.memory_space<vmem>>, vector<16xf32>,
    tpu.vector_store %arg10[%swap3A], %broadcast_in_dim3A_41 {strides = array<i32>} : memref<10000xf32, #tpu.memory_space<vmem>>, vector<16xf32>,
    %scan3A_45 = arith.constant 0 : i32
    %scan3A_46 = arith.constant 625 : i32
    %mul3A_47 = arith.constant 10000 : i32
    %mul3A_48 = arith.muli %arg1, %mul3A_47 : i32
    %dma_start3A_49 = tpu.memref_slice %arg11[%mul3A_48] : memref<160064xf32, #tpu.memory_space<vmem_shared>> -> memref<10000xf32, #tpu.memory_space<vmem_shared>>
    %dma_start3A_50 = tpu.memref_slice %arg11[%mul3A_48] : memref<160064xf32, #tpu.memory_space<vmem_shared>> -> memref<10000xf32, #tpu.memory_space<vmem_shared>>
    tpu.enqueue_dma source(%arg10 : memref<10000xf32, #tpu.memory_space<vmem>>) target(%dma_start3A_50 : memref<10000xf32, #tpu.memory_space<vmem_shared>>) target_semaphore(%arg14 : memref<!tpu.dma_semaphore, #tpu.memory_space<semaphore_mem>>)
    %scan3A_51 = arith.constant 0 : i32
    %scan3A_52 = arith.constant 0 : i32
    %scan3A_53 = arith.constant 328 : i32
    %scan3A_54 = arith.addi %scan3A_52, %scan3A_53 : i32
    %scan3A_55 = arith.constant 8 : i32
    %scan3A_56 = scf.for %scan3A_123 = %scan3A_52 to %scan3A_54 step %scan3A_55 iter_args(%scan3A_124 = %scan3A_51) -> (i32)  : i32 {
      %broadcast_in_dim3A_125 = arith.constant 1.000000e+00 : f32
      %broadcast_in_dim3A_126 = vector.broadcast %broadcast_in_dim3A_125 : f32 to vector<16xf32>
      %mul3A_127 = arith.constant 16 : i32
      %mul3A_128 = arith.muli %scan3A_123, %mul3A_127 : i32
      %swap3A_129 = arith.index_cast %mul3A_128 : i32 to index
      %swap3A_130 = tpu.vector_load %arg9[%swap3A_129] {strides = array<i32>} : memref<5248xf32, #tpu.memory_space<vmem>>, vector<16xf32>,
      tpu.vector_store %arg9[%swap3A_129], %broadcast_in_dim3A_126 {strides = array<i32>} : memref<5248xf32, #tpu.memory_space<vmem>>, vector<16xf32>,
      %scan3A_131 = arith.constant 0 : i32
      %scan3A_132 = arith.constant 1 : i32
      %scan3A_133 = arith.addi %scan3A_123, %scan3A_132 : i32
      %broadcast_in_dim3A_134 = arith.constant 1.000000e+00 : f32
      %broadcast_in_dim3A_135 = vector.broadcast %broadcast_in_dim3A_134 : f32 to vector<16xf32>
      %mul3A_136 = arith.constant 16 : i32
      %mul3A_137 = arith.muli %scan3A_133, %mul3A_136 : i32
      %swap3A_138 = arith.index_cast %mul3A_137 : i32 to index
      %swap3A_139 = tpu.vector_load %arg9[%swap3A_138] {strides = array<i32>} : memref<5248xf32, #tpu.memory_space<vmem>>, vector<16xf32>,
      tpu.vector_store %arg9[%swap3A_138], %broadcast_in_dim3A_135 {strides = array<i32>} : memref<5248xf32, #tpu.memory_space<vmem>>, vector<16xf32>,
      %scan3A_140 = arith.constant 0 : i32
      %scan3A_141 = arith.constant 2 : i32
      %scan3A_142 = arith.addi %scan3A_123, %scan3A_141 : i32
      %broadcast_in_dim3A_143 = arith.constant 1.000000e+00 : f32
      %broadcast_in_dim3A_144 = vector.broadcast %broadcast_in_dim3A_143 : f32 to vector<16xf32>
      %mul3A_145 = arith.constant 16 : i32
      %mul3A_146 = arith.muli %scan3A_142, %mul3A_145 : i32
      %swap3A_147 = arith.index_cast %mul3A_146 : i32 to index
      %swap3A_148 = tpu.vector_load %arg9[%swap3A_147] {strides = array<i32>} : memref<5248xf32, #tpu.memory_space<vmem>>, vector<16xf32>,
      tpu.vector_store %arg9[%swap3A_147], %broadcast_in_dim3A_144 {strides = array<i32>} : memref<5248xf32, #tpu.memory_space<vmem>>, vector<16xf32>,
      %scan3A_149 = arith.constant 0 : i32
      %scan3A_150 = arith.constant 3 : i32
      %scan3A_151 = arith.addi %scan3A_123, %scan3A_150 : i32
      %broadcast_in_dim3A_152 = arith.constant 1.000000e+00 : f32
      %broadcast_in_dim3A_153 = vector.broadcast %broadcast_in_dim3A_152 : f32 to vector<16xf32>
      %mul3A_154 = arith.constant 16 : i32
      %mul3A_155 = arith.muli %scan3A_151, %mul3A_154 : i32
      %swap3A_156 = arith.index_cast %mul3A_155 : i32 to index
      %swap3A_157 = tpu.vector_load %arg9[%swap3A_156] {strides = array<i32>} : memref<5248xf32, #tpu.memory_space<vmem>>, vector<16xf32>,
      tpu.vector_store %arg9[%swap3A_156], %broadcast_in_dim3A_153 {strides = array<i32>} : memref<5248xf32, #tpu.memory_space<vmem>>, vector<16xf32>,
      %scan3A_158 = arith.constant 0 : i32
      %scan3A_159 = arith.constant 4 : i32
      %scan3A_160 = arith.addi %scan3A_123, %scan3A_159 : i32
      %broadcast_in_dim3A_161 = arith.constant 1.000000e+00 : f32
      %broadcast_in_dim3A_162 = vector.broadcast %broadcast_in_dim3A_161 : f32 to vector<16xf32>
      %mul3A_163 = arith.constant 16 : i32
      %mul3A_164 = arith.muli %scan3A_160, %mul3A_163 : i32
      %swap3A_165 = arith.index_cast %mul3A_164 : i32 to index
      %swap3A_166 = tpu.vector_load %arg9[%swap3A_165] {strides = array<i32>} : memref<5248xf32, #tpu.memory_space<vmem>>, vector<16xf32>,
      tpu.vector_store %arg9[%swap3A_165], %broadcast_in_dim3A_162 {strides = array<i32>} : memref<5248xf32, #tpu.memory_space<vmem>>, vector<16xf32>,
      %scan3A_167 = arith.constant 0 : i32
      %scan3A_168 = arith.constant 5 : i32
      %scan3A_169 = arith.addi %scan3A_123, %scan3A_168 : i32
      %broadcast_in_dim3A_170 = arith.constant 1.000000e+00 : f32
      %broadcast_in_dim3A_171 = vector.broadcast %broadcast_in_dim3A_170 : f32 to vector<16xf32>
      %mul3A_172 = arith.constant 16 : i32
      %mul3A_173 = arith.muli %scan3A_169, %mul3A_172 : i32
      %swap3A_174 = arith.index_cast %mul3A_173 : i32 to index
      %swap3A_175 = tpu.vector_load %arg9[%swap3A_174] {strides = array<i32>} : memref<5248xf32, #tpu.memory_space<vmem>>, vector<16xf32>,
      tpu.vector_store %arg9[%swap3A_174], %broadcast_in_dim3A_171 {strides = array<i32>} : memref<5248xf32, #tpu.memory_space<vmem>>, vector<16xf32>,
      %scan3A_176 = arith.constant 0 : i32
      %scan3A_177 = arith.constant 6 : i32
      %scan3A_178 = arith.addi %scan3A_123, %scan3A_177 : i32
      %broadcast_in_dim3A_179 = arith.constant 1.000000e+00 : f32
      %broadcast_in_dim3A_180 = vector.broadcast %broadcast_in_dim3A_179 : f32 to vector<16xf32>
      %mul3A_181 = arith.constant 16 : i32
      %mul3A_182 = arith.muli %scan3A_178, %mul3A_181 : i32
      %swap3A_183 = arith.index_cast %mul3A_182 : i32 to index
      %swap3A_184 = tpu.vector_load %arg9[%swap3A_183] {strides = array<i32>} : memref<5248xf32, #tpu.memory_space<vmem>>, vector<16xf32>,
      tpu.vector_store %arg9[%swap3A_183], %broadcast_in_dim3A_180 {strides = array<i32>} : memref<5248xf32, #tpu.memory_space<vmem>>, vector<16xf32>,
      %scan3A_185 = arith.constant 0 : i32
      %scan3A_186 = arith.constant 7 : i32
      %scan3A_187 = arith.addi %scan3A_123, %scan3A_186 : i32
      %broadcast_in_dim3A_188 = arith.constant 1.000000e+00 : f32
      %broadcast_in_dim3A_189 = vector.broadcast %broadcast_in_dim3A_188 : f32 to vector<16xf32>
      %mul3A_190 = arith.constant 16 : i32
      %mul3A_191 = arith.muli %scan3A_187, %mul3A_190 : i32
      %swap3A_192 = arith.index_cast %mul3A_191 : i32 to index
      %swap3A_193 = tpu.vector_load %arg9[%swap3A_192] {strides = array<i32>} : memref<5248xf32, #tpu.memory_space<vmem>>, vector<16xf32>,
      tpu.vector_store %arg9[%swap3A_192], %broadcast_in_dim3A_189 {strides = array<i32>} : memref<5248xf32, #tpu.memory_space<vmem>>, vector<16xf32>,
      %scan3A_194 = arith.constant 0 : i32
      scf.yield %scan3A_194 : i32
    }
    %scan3A_57 = arith.constant 328 : i32
    %dma_wait3A = arith.constant 0 : i32
    %dma_wait3A_58 = arith.constant 0 : i32
    "tpu.trace_start"() <{level = 10 : i32, message = "ph_wait_in"}> : () -> ()
    %dma_wait3A_59 = arith.constant 0 : i32
    %dma_wait3A_60 = tpu.memref_slice %arg2[%dma_wait3A, %dma_wait3A_58, %dma_wait3A_59] : memref<1x1x10000xi32, #tpu.memory_space<hbm>> -> memref<1x1x10000xi32, #tpu.memory_space<hbm>>
    %dma_wait3A_61 = tpu.memref_squeeze %dma_wait3A_60 : memref<1x1x10000xi32, #tpu.memory_space<hbm>> -> memref<10000xi32, #tpu.memory_space<hbm>>
    %dma_wait3A_62 = arith.constant 0 : i32
    %dma_wait3A_63 = tpu.memref_slice %arg2[%dma_wait3A, %dma_wait3A_58, %dma_wait3A_62] : memref<1x1x10000xi32, #tpu.memory_space<hbm>> -> memref<1x1x10000xi32, #tpu.memory_space<hbm>>
    %dma_wait3A_64 = tpu.memref_squeeze %dma_wait3A_63 : memref<1x1x10000xi32, #tpu.memory_space<hbm>> -> memref<10000xi32, #tpu.memory_space<hbm>>
    tpu.wait_dma2 semaphore(%arg12 : memref<!tpu.dma_semaphore, #tpu.memory_space<semaphore_mem>>) src(%dma_wait3A_64 : memref<10000xi32, #tpu.memory_space<hbm>>) dst(%arg5 : memref<10000xi32, #tpu.memory_space<vmem>>)
    %dma_wait3A_65 = arith.constant 0 : i32
    %dma_wait3A_66 = arith.constant 0 : i32
    %dma_wait3A_67 = tpu.memref_slice %arg6[%dma_wait3A_65, %dma_wait3A_66] : memref<2x10496xi32, #tpu.memory_space<vmem>> -> memref<2x5248xi32, #tpu.memory_space<vmem>>
    %dma_wait3A_68 = arith.constant 0 : i32
    %dma_wait3A_69 = tpu.memref_slice %arg3[%dma_wait3A_68, %mul3A_2] : memref<2x320000xi32, #tpu.memory_space<hbm>> -> memref<2x5248xi32, #tpu.memory_space<hbm>>
    %dma_wait3A_70 = arith.constant 0 : i32
    %dma_wait3A_71 = arith.constant 0 : i32
    %dma_wait3A_72 = tpu.memref_slice %arg6[%dma_wait3A_70, %dma_wait3A_71] : memref<2x10496xi32, #tpu.memory_space<vmem>> -> memref<2x5248xi32, #tpu.memory_space<vmem>>
    %dma_wait3A_73 = arith.constant 0 : i32
    %dma_wait3A_74 = tpu.memref_slice %arg3[%dma_wait3A_73, %mul3A_2] : memref<2x320000xi32, #tpu.memory_space<hbm>> -> memref<2x5248xi32, #tpu.memory_space<hbm>>
    tpu.wait_dma2 semaphore(%arg13 : memref<!tpu.dma_semaphore, #tpu.memory_space<semaphore_mem>>) src(%dma_wait3A_74 : memref<2x5248xi32, #tpu.memory_space<hbm>>) dst(%dma_wait3A_72 : memref<2x5248xi32, #tpu.memory_space<vmem>>)
    %parallel_loop3A = arith.constant 0 : i32
    %parallel_loop3A_75 = arith.constant 328 : i32
    %parallel_loop3A_76 = arith.constant 1 : i32
    "tpu.trace_stop"() : () -> ()
    "tpu.trace_start"() <{level = 10 : i32, message = "ph_gather_a"}> : () -> ()
    scf.for %parallel_loop3A_123 = %parallel_loop3A to %parallel_loop3A_75 step %parallel_loop3A_76  : i32 {
      %parallel_loop3A_124 = arith.constant 16 : i32
      %parallel_loop3A_125 = arith.muli %parallel_loop3A_123, %parallel_loop3A_124 : i32
      %parallel_loop3A_126 = arith.constant 0 : i32
      %parallel_loop3A_127 = arith.index_cast %parallel_loop3A_126 : i32 to index
      %parallel_loop3A_128 = arith.index_cast %parallel_loop3A_125 : i32 to index
      %parallel_loop3A_129 = tpu.vector_load %arg6[%parallel_loop3A_127, %parallel_loop3A_128] {strides = array<i32>} : memref<2x10496xi32, #tpu.memory_space<vmem>>, vector<16xi32>,
      %parallel_loop3A_130 = arith.constant 16 : i32
      %parallel_loop3A_131 = arith.muli %parallel_loop3A_123, %parallel_loop3A_130 : i32
      %parallel_loop3A_132 = arith.constant 1 : i32
      %parallel_loop3A_133 = arith.index_cast %parallel_loop3A_132 : i32 to index
      %parallel_loop3A_134 = arith.index_cast %parallel_loop3A_131 : i32 to index
      %parallel_loop3A_135 = tpu.vector_load %arg6[%parallel_loop3A_133, %parallel_loop3A_134] {strides = array<i32>} : memref<2x10496xi32, #tpu.memory_space<vmem>>, vector<16xi32>,
      %parallel_loop3A_136 = tpu.vector_load_idx %arg5[%parallel_loop3A_129] : memref<10000xi32, #tpu.memory_space<vmem>>[vector<16xi32>], vector<16xi32>,
      %parallel_loop3A_137 = arith.constant 10000 : i32
      %parallel_loop3A_138 = vector.broadcast %parallel_loop3A_137 : i32 to vector<16xi32>
      %parallel_loop3A_139 = arith.muli %parallel_loop3A_136, %parallel_loop3A_138 : vector<16xi32>
      %parallel_loop3A_140 = arith.addi %parallel_loop3A_139, %parallel_loop3A_135 : vector<16xi32>
      %parallel_loop3A_141 = arith.constant 16 : i32
      %parallel_loop3A_142 = arith.muli %parallel_loop3A_123, %parallel_loop3A_141 : i32
      %parallel_loop3A_143 = arith.index_cast %parallel_loop3A_142 : i32 to index
      %parallel_loop3A_144 = tpu.vector_load %arg7[%parallel_loop3A_143] {strides = array<i32>} : memref<5248xi32, #tpu.memory_space<vmem>>, vector<16xi32>,
      tpu.vector_store %arg7[%parallel_loop3A_143], %parallel_loop3A_140 {strides = array<i32>} : memref<5248xi32, #tpu.memory_space<vmem>>, vector<16xi32>,
    } {sc.loop_unroll_factor = 8 : i64, sc.parallel_access}
    "tpu.trace_stop"() : () -> ()
    "tpu.trace_start"() <{level = 10 : i32, message = "ph_zwait"}> : () -> ()
    %dma_wait3A_77 = tpu.memref_slice %arg11[%mul3A_48] : memref<160064xf32, #tpu.memory_space<vmem_shared>> -> memref<10000xf32, #tpu.memory_space<vmem_shared>>
    %dma_wait3A_78 = tpu.memref_slice %arg11[%mul3A_48] : memref<160064xf32, #tpu.memory_space<vmem_shared>> -> memref<10000xf32, #tpu.memory_space<vmem_shared>>
    tpu.wait_dma2 semaphore(%arg14 : memref<!tpu.dma_semaphore, #tpu.memory_space<semaphore_mem>>) src(%arg10 : memref<10000xf32, #tpu.memory_space<vmem>>) dst(%dma_wait3A_78 : memref<10000xf32, #tpu.memory_space<vmem_shared>>)
    %barrier3A = arith.constant 0 : index
    tpu.barrier barrier_id(%barrier3A)
    "tpu.trace_stop"() : () -> ()
    %dma_start3A_79 = arith.constant 0 : i32
    %dma_start3A_80 = tpu.memref_slice %arg11[%dma_start3A_79] : memref<160064xf32, #tpu.memory_space<vmem_shared>> -> memref<160064xf32, #tpu.memory_space<vmem_shared>>
    tpu.enqueue_indirect_dma source(%arg9 : memref<5248xf32, #tpu.memory_space<vmem>>) target(%dma_start3A_80 : memref<160064xf32, #tpu.memory_space<vmem_shared>>) offsets(%arg7 : memref<5248xi32, #tpu.memory_space<vmem>>) semaphore(%arg15 : memref<!tpu.dma_semaphore, #tpu.memory_space<semaphore_mem>>) {add = true}
    "tpu.trace_start"() <{level = 10 : i32, message = "ph_wait_in2"}> : () -> ()
    %dma_wait3A_81 = arith.constant 0 : i32
    %dma_wait3A_82 = arith.constant 5248 : i32
    %dma_wait3A_83 = tpu.memref_slice %arg6[%dma_wait3A_81, %dma_wait3A_82] : memref<2x10496xi32, #tpu.memory_space<vmem>> -> memref<2x5248xi32, #tpu.memory_space<vmem>>
    %dma_wait3A_84 = arith.constant 0 : i32
    %dma_wait3A_85 = tpu.memref_slice %arg3[%dma_wait3A_84, %add3A_23] : memref<2x320000xi32, #tpu.memory_space<hbm>> -> memref<2x5248xi32, #tpu.memory_space<hbm>>
    %dma_wait3A_86 = arith.constant 0 : i32
    %dma_wait3A_87 = arith.constant 5248 : i32
    %dma_wait3A_88 = tpu.memref_slice %arg6[%dma_wait3A_86, %dma_wait3A_87] : memref<2x10496xi32, #tpu.memory_space<vmem>> -> memref<2x5248xi32, #tpu.memory_space<vmem>>
    %dma_wait3A_89 = arith.constant 0 : i32
    %dma_wait3A_90 = tpu.memref_slice %arg3[%dma_wait3A_89, %add3A_23] : memref<2x320000xi32, #tpu.memory_space<hbm>> -> memref<2x5248xi32, #tpu.memory_space<hbm>>
    tpu.wait_dma2 semaphore(%arg17 : memref<!tpu.dma_semaphore, #tpu.memory_space<semaphore_mem>>) src(%dma_wait3A_90 : memref<2x5248xi32, #tpu.memory_space<hbm>>) dst(%dma_wait3A_88 : memref<2x5248xi32, #tpu.memory_space<vmem>>)
    %parallel_loop3A_91 = arith.constant 0 : i32
    %parallel_loop3A_92 = arith.constant 328 : i32
    %parallel_loop3A_93 = arith.constant 1 : i32
    "tpu.trace_stop"() : () -> ()
    "tpu.trace_start"() <{level = 10 : i32, message = "ph_gather_b"}> : () -> ()
    scf.for %parallel_loop3A_123 = %parallel_loop3A_91 to %parallel_loop3A_92 step %parallel_loop3A_93  : i32 {
      %parallel_loop3A_124 = arith.constant 16 : i32
      %parallel_loop3A_125 = arith.muli %parallel_loop3A_123, %parallel_loop3A_124 : i32
      %parallel_loop3A_126 = arith.constant 5248 : i32
      %parallel_loop3A_127 = arith.addi %parallel_loop3A_126, %parallel_loop3A_125 : i32
      %parallel_loop3A_128 = arith.constant 0 : i32
      %parallel_loop3A_129 = arith.index_cast %parallel_loop3A_128 : i32 to index
      %parallel_loop3A_130 = arith.index_cast %parallel_loop3A_127 : i32 to index
      %parallel_loop3A_131 = tpu.vector_load %arg6[%parallel_loop3A_129, %parallel_loop3A_130] {strides = array<i32>} : memref<2x10496xi32, #tpu.memory_space<vmem>>, vector<16xi32>,
      %parallel_loop3A_132 = arith.constant 16 : i32
      %parallel_loop3A_133 = arith.muli %parallel_loop3A_123, %parallel_loop3A_132 : i32
      %parallel_loop3A_134 = arith.constant 5248 : i32
      %parallel_loop3A_135 = arith.addi %parallel_loop3A_134, %parallel_loop3A_133 : i32
      %parallel_loop3A_136 = arith.constant 1 : i32
      %parallel_loop3A_137 = arith.index_cast %parallel_loop3A_136 : i32 to index
      %parallel_loop3A_138 = arith.index_cast %parallel_loop3A_135 : i32 to index
      %parallel_loop3A_139 = tpu.vector_load %arg6[%parallel_loop3A_137, %parallel_loop3A_138] {strides = array<i32>} : memref<2x10496xi32, #tpu.memory_space<vmem>>, vector<16xi32>,
      %parallel_loop3A_140 = tpu.vector_load_idx %arg5[%parallel_loop3A_131] : memref<10000xi32, #tpu.memory_space<vmem>>[vector<16xi32>], vector<16xi32>,
      %parallel_loop3A_141 = arith.constant 10000 : i32
      %parallel_loop3A_142 = vector.broadcast %parallel_loop3A_141 : i32 to vector<16xi32>
      %parallel_loop3A_143 = arith.muli %parallel_loop3A_140, %parallel_loop3A_142 : vector<16xi32>
      %parallel_loop3A_144 = arith.addi %parallel_loop3A_143, %parallel_loop3A_139 : vector<16xi32>
      %parallel_loop3A_145 = arith.constant 16 : i32
      %parallel_loop3A_146 = arith.muli %parallel_loop3A_123, %parallel_loop3A_145 : i32
      %parallel_loop3A_147 = arith.index_cast %parallel_loop3A_146 : i32 to index
      %parallel_loop3A_148 = tpu.vector_load %arg8[%parallel_loop3A_147] {strides = array<i32>} : memref<5248xi32, #tpu.memory_space<vmem>>, vector<16xi32>,
      tpu.vector_store %arg8[%parallel_loop3A_147], %parallel_loop3A_144 {strides = array<i32>} : memref<5248xi32, #tpu.memory_space<vmem>>, vector<16xi32>,
    } {sc.loop_unroll_factor = 8 : i64, sc.parallel_access}
    %sub3A = arith.constant 328 : i32
    %sub3A_94 = arith.subi %select_n3A, %sub3A : i32
    %max3A = arith.constant 0 : i32
    %max3A_95 = arith.maxsi %sub3A_94, %max3A : i32
    %while3A = arith.constant 328 : i32
    %while3A_96 = arith.constant 0 : i32
    %while3A_97 = arith.subi %while3A, %max3A_95 : i32
    %while3A_98 = arith.addi %max3A_95, %while3A_97 : i32
    %while3A_99 = arith.constant 1 : i32
    %while3A_100 = arith.divsi %while3A_97, %while3A_99 : i32
    %while3A_101 = arith.muli %while3A_100, %while3A_99 : i32
    %while3A_102 = arith.addi %max3A_95, %while3A_101 : i32
    %while3A_103 = arith.constant 1 : i32
    %while3A_104 = scf.for %while3A_123 = %max3A_95 to %while3A_102 step %while3A_103 iter_args(%while3A_124 = %while3A_96) -> (i32)  : i32 {
      %broadcast_in_dim3A_125 = arith.constant 160000 : i32
      %broadcast_in_dim3A_126 = vector.broadcast %broadcast_in_dim3A_125 : i32 to vector<16xi32>
      %mul3A_127 = arith.constant 16 : i32
      %mul3A_128 = arith.muli %while3A_123, %mul3A_127 : i32
      %swap3A_129 = arith.index_cast %mul3A_128 : i32 to index
      %swap3A_130 = tpu.vector_load %arg8[%swap3A_129] {strides = array<i32>} : memref<5248xi32, #tpu.memory_space<vmem>>, vector<16xi32>,
      tpu.vector_store %arg8[%swap3A_129], %broadcast_in_dim3A_126 {strides = array<i32>} : memref<5248xi32, #tpu.memory_space<vmem>>, vector<16xi32>,
      %while3A_131 = arith.constant 0 : i32
      scf.yield %while3A_131 : i32
    }
    %while3A_105 = arith.constant 1 : i32
    %while3A_106 = scf.for %while3A_123 = %while3A_102 to %while3A_98 step %while3A_105 iter_args(%while3A_124 = %while3A_104) -> (i32)  : i32 {
      %broadcast_in_dim3A_125 = arith.constant 160000 : i32
      %broadcast_in_dim3A_126 = vector.broadcast %broadcast_in_dim3A_125 : i32 to vector<16xi32>
      %mul3A_127 = arith.constant 16 : i32
      %mul3A_128 = arith.muli %while3A_123, %mul3A_127 : i32
      %swap3A_129 = arith.index_cast %mul3A_128 : i32 to index
      %swap3A_130 = tpu.vector_load %arg8[%swap3A_129] {strides = array<i32>} : memref<5248xi32, #tpu.memory_space<vmem>>, vector<16xi32>,
      tpu.vector_store %arg8[%swap3A_129], %broadcast_in_dim3A_126 {strides = array<i32>} : memref<5248xi32, #tpu.memory_space<vmem>>, vector<16xi32>,
      %while3A_131 = arith.constant 0 : i32
      scf.yield %while3A_131 : i32
    }
    "tpu.trace_stop"() : () -> ()
    %dma_start3A_107 = arith.constant 0 : i32
    %dma_start3A_108 = tpu.memref_slice %arg11[%dma_start3A_107] : memref<160064xf32, #tpu.memory_space<vmem_shared>> -> memref<160064xf32, #tpu.memory_space<vmem_shared>>
    tpu.enqueue_indirect_dma source(%arg9 : memref<5248xf32, #tpu.memory_space<vmem>>) target(%dma_start3A_108 : memref<160064xf32, #tpu.memory_space<vmem_shared>>) offsets(%arg8 : memref<5248xi32, #tpu.memory_space<vmem>>) semaphore(%arg16 : memref<!tpu.dma_semaphore, #tpu.memory_space<semaphore_mem>>) {add = true}
    "tpu.trace_start"() <{level = 10 : i32, message = "ph_scatter"}> : () -> ()
    %dma_wait3A_109 = arith.constant 0 : i32
    %dma_wait3A_110 = tpu.memref_slice %arg11[%dma_wait3A_109] : memref<160064xf32, #tpu.memory_space<vmem_shared>> -> memref<160064xf32, #tpu.memory_space<vmem_shared>>
    tpu.wait_indirect_dma semaphore(%arg15 : memref<!tpu.dma_semaphore, #tpu.memory_space<semaphore_mem>>) src(%arg9 : memref<5248xf32, #tpu.memory_space<vmem>>) dst(%dma_wait3A_110 : memref<160064xf32, #tpu.memory_space<vmem_shared>>)
    %dma_wait3A_111 = arith.constant 0 : i32
    %dma_wait3A_112 = tpu.memref_slice %arg11[%dma_wait3A_111] : memref<160064xf32, #tpu.memory_space<vmem_shared>> -> memref<160064xf32, #tpu.memory_space<vmem_shared>>
    tpu.wait_indirect_dma semaphore(%arg16 : memref<!tpu.dma_semaphore, #tpu.memory_space<semaphore_mem>>) src(%arg9 : memref<5248xf32, #tpu.memory_space<vmem>>) dst(%dma_wait3A_112 : memref<160064xf32, #tpu.memory_space<vmem_shared>>)
    "tpu.trace_stop"() : () -> ()
    "tpu.trace_start"() <{level = 10 : i32, message = "ph_bar2"}> : () -> ()
    %barrier3A_113 = arith.constant 0 : index
    tpu.barrier barrier_id(%barrier3A_113)
    "tpu.trace_stop"() : () -> ()
    "tpu.trace_start"() <{level = 10 : i32, message = "ph_out"}> : () -> ()
    %mul3A_114 = arith.constant 10000 : i32
    %mul3A_115 = arith.muli %arg1, %mul3A_114 : i32
    "tpu.region"() ({
      %run_scoped3A = tpu.sem_alloc : memref<!tpu.dma_semaphore, #tpu.memory_space<semaphore_mem>>
      %dma_start3A_123 = tpu.memref_slice %arg11[%mul3A_115] : memref<160064xf32, #tpu.memory_space<vmem_shared>> -> memref<10000xf32, #tpu.memory_space<vmem_shared>>
      %dma_start3A_124 = tpu.memref_slice %arg11[%mul3A_115] : memref<160064xf32, #tpu.memory_space<vmem_shared>> -> memref<10000xf32, #tpu.memory_space<vmem_shared>>
      tpu.enqueue_dma source(%dma_start3A_124 : memref<10000xf32, #tpu.memory_space<vmem_shared>>) target(%arg10 : memref<10000xf32, #tpu.memory_space<vmem>>) target_semaphore(%run_scoped3A : memref<!tpu.dma_semaphore, #tpu.memory_space<semaphore_mem>>)
      %dma_wait3A_125 = tpu.memref_slice %arg11[%mul3A_115] : memref<160064xf32, #tpu.memory_space<vmem_shared>> -> memref<10000xf32, #tpu.memory_space<vmem_shared>>
      %dma_wait3A_126 = tpu.memref_slice %arg11[%mul3A_115] : memref<160064xf32, #tpu.memory_space<vmem_shared>> -> memref<10000xf32, #tpu.memory_space<vmem_shared>>
      tpu.wait_dma2 semaphore(%run_scoped3A : memref<!tpu.dma_semaphore, #tpu.memory_space<semaphore_mem>>) src(%dma_wait3A_126 : memref<10000xf32, #tpu.memory_space<vmem_shared>>) dst(%arg10 : memref<10000xf32, #tpu.memory_space<vmem>>)
      tpu.yield
    }) : () -> ()
    %mul3A_116 = arith.constant 10000 : i32
    %mul3A_117 = arith.muli %arg0, %mul3A_116 : i32
    %mul3A_118 = arith.constant 16 : i32
    %mul3A_119 = arith.muli %mul3A_117, %mul3A_118 : i32
    %mul3A_120 = arith.constant 10000 : i32
    %mul3A_121 = arith.muli %arg1, %mul3A_120 : i32
    %add3A_122 = arith.addi %mul3A_119, %mul3A_121 : i32
    "tpu.region"() ({
      %run_scoped3A = tpu.sem_alloc : memref<!tpu.dma_semaphore, #tpu.memory_space<semaphore_mem>>
      %dma_start3A_123 = tpu.memref_slice %arg4[%add3A_122] : memref<320000xf32, #tpu.memory_space<hbm>> -> memref<10000xf32, #tpu.memory_space<hbm>>
      %dma_start3A_124 = tpu.memref_slice %arg4[%add3A_122] : memref<320000xf32, #tpu.memory_space<hbm>> -> memref<10000xf32, #tpu.memory_space<hbm>>
      tpu.enqueue_dma source(%arg10 : memref<10000xf32, #tpu.memory_space<vmem>>) target(%dma_start3A_124 : memref<10000xf32, #tpu.memory_space<hbm>>) target_semaphore(%run_scoped3A : memref<!tpu.dma_semaphore, #tpu.memory_space<semaphore_mem>>)
      %dma_wait3A_125 = tpu.memref_slice %arg4[%add3A_122] : memref<320000xf32, #tpu.memory_space<hbm>> -> memref<10000xf32, #tpu.memory_space<hbm>>
      %dma_wait3A_126 = tpu.memref_slice %arg4[%add3A_122] : memref<320000xf32, #tpu.memory_space<hbm>> -> memref<10000xf32, #tpu.memory_space<hbm>>
      tpu.wait_dma2 semaphore(%run_scoped3A : memref<!tpu.dma_semaphore, #tpu.memory_space<semaphore_mem>>) src(%arg10 : memref<10000xf32, #tpu.memory_space<vmem>>) dst(%dma_wait3A_126 : memref<10000xf32, #tpu.memory_space<hbm>>)
      tpu.yield
    }) : () -> ()
    "tpu.trace_stop"() : () -> ()
    return
  }
}

module attributes {stable_mosaic.version = 14 : i64} {
  func.func @_in_body(%arg0: memref<10000x128xf32, #tpu.memory_space<vmem>>, %arg1: memref<128x16xf32, #tpu.memory_space<vmem>>, %arg2: memref<16x1xf32, #tpu.memory_space<vmem>>, %arg3: memref<16x10xf32, #tpu.memory_space<vmem>>, %arg4: memref<1x10xf32, #tpu.memory_space<vmem>>, %arg5: memref<16x10000xf32, #tpu.memory_space<vmem>>, %arg6: memref<1x1x10000xi32, #tpu.memory_space<vmem>>, %arg7: memref<1x1xf32, #tpu.memory_space<smem>>, %arg8: memref<16x10xf32, #tpu.memory_space<vmem>>) attributes {dimension_semantics = [], scalar_prefetch = 0 : i64, scratch_operands = 0 : i64, tpu.core_type = #tpu.core_type<tc>} {
    %get3A = arith.constant 0 : index
    %get3A_0 = arith.constant 0 : index
    %get3A_1 = vector.load %arg1[%get3A, %get3A_0] : memref<128x16xf32, #tpu.memory_space<vmem>>, vector<128x16xf32>
    %get3A_2 = arith.constant 0 : index
    %get3A_3 = arith.constant 0 : index
    %get3A_4 = vector.load %arg0[%get3A_2, %get3A_3] : memref<10000x128xf32, #tpu.memory_space<vmem>>, vector<10000x128xf32>
    %dot_general3A = arith.constant dense<0.000000e+00> : vector<16x10000xf32>
    %dot_general3A_5 = tpu.matmul %get3A_1, %get3A_4, %dot_general3A {dimension_numbers = #tpu.dot_dimension_numbers<[0], [1], [1], [0], [0, 1, 1, 0], [], []>, transpose_lhs_hint = false} : vector<128x16xf32>, vector<10000x128xf32>, vector<16x10000xf32> -> vector<16x10000xf32>
    %get3A_6 = arith.constant 0 : index
    %get3A_7 = arith.constant 0 : index
    %get3A_8 = vector.load %arg2[%get3A_6, %get3A_7] : memref<16x1xf32, #tpu.memory_space<vmem>>, vector<16x1xf32>
    %add3A = vector.broadcast %get3A_8 : vector<16x1xf32> to vector<16x10000xf32>
    %add3A_9 = arith.addf %dot_general3A_5, %add3A : vector<16x10000xf32>
    %reduce_max3A = arith.constant dense<0xFF800000> : vector<10000xf32>
    %reduce_max3A_10 = vector.multi_reduction <maximumf>, %add3A_9, %reduce_max3A [0] : vector<16x10000xf32> to vector<10000xf32>
    %broadcast_in_dim3A = vector.shape_cast %reduce_max3A_10 : vector<10000xf32> to vector<1x10000xf32>
    %iota3A = tpu.iota {dimensions = array<i32: 0>} : vector<16x10000xi32>
    %ge3A = vector.broadcast %broadcast_in_dim3A : vector<1x10000xf32> to vector<16x10000xf32>
    %ge3A_11 = arith.cmpf oge, %add3A_9, %ge3A : vector<16x10000xf32>
    %jit3A = arith.constant 16 : i32
    %broadcast_in_dim3A_12 = vector.broadcast %jit3A : i32 to vector<16x10000xi32>
    %select_n3A = arith.select %ge3A_11, %iota3A, %broadcast_in_dim3A_12 : vector<16x10000xi1>, vector<16x10000xi32>
    %reduce_min3A = arith.constant dense<2147483647> : vector<10000xi32>
    %reduce_min3A_13 = vector.multi_reduction <minsi>, %select_n3A, %reduce_min3A [0] : vector<16x10000xi32> to vector<10000xi32>
    %broadcast_in_dim3A_14 = vector.shape_cast %reduce_min3A_13 : vector<10000xi32> to vector<1x10000xi32>
    %eq3A = vector.broadcast %broadcast_in_dim3A_14 : vector<1x10000xi32> to vector<16x10000xi32>
    %eq3A_15 = arith.cmpi eq, %iota3A, %eq3A : vector<16x10000xi32>
    %convert_element_type3A = arith.extui %eq3A_15 : vector<16x10000xi1> to vector<16x10000xi32>
    %convert_element_type3A_16 = arith.sitofp %convert_element_type3A : vector<16x10000xi32> to vector<16x10000xf32>
    %swap3A = arith.constant 0 : index
    %swap3A_17 = arith.constant 0 : index
    %swap3A_18 = vector.load %arg5[%swap3A, %swap3A_17] : memref<16x10000xf32, #tpu.memory_space<vmem>>, vector<16x10000xf32>
    tpu.vector_store %arg5[%swap3A, %swap3A_17], %convert_element_type3A_16 {strides = array<i32>} : memref<16x10000xf32, #tpu.memory_space<vmem>>, vector<16x10000xf32>,
    %reshape3A = vector.shape_cast %reduce_min3A_13 : vector<10000xi32> to vector<1x1x10000xi32>
    %swap3A_19 = arith.constant 0 : index
    %swap3A_20 = arith.constant 0 : index
    %swap3A_21 = arith.constant 0 : index
    %swap3A_22 = vector.load %arg6[%swap3A_19, %swap3A_20, %swap3A_21] : memref<1x1x10000xi32, #tpu.memory_space<vmem>>, vector<1x1x10000xi32>
    tpu.vector_store %arg6[%swap3A_19, %swap3A_20, %swap3A_21], %reshape3A {strides = array<i32>} : memref<1x1x10000xi32, #tpu.memory_space<vmem>>, vector<1x1x10000xi32>,
    %sub3A = arith.subf %convert_element_type3A_16, %add3A_9 : vector<16x10000xf32>
    %mul3A = arith.mulf %sub3A, %sub3A : vector<16x10000xf32>
    %reduce_sum3A = vector.shape_cast %mul3A : vector<16x10000xf32> to vector<1x16x10000xf32>
    %reduce_sum3A_23 = arith.constant dense<0.000000e+00> : vector<1xf32>
    %reduce_sum3A_24 = vector.multi_reduction <add>, %reduce_sum3A, %reduce_sum3A_23 [1, 2] : vector<1x16x10000xf32> to vector<1xf32>
    %reduce_sum3A_25 = vector.shape_cast %reduce_sum3A_24 : vector<1xf32> to vector<1x1x1xf32>
    %reduce_sum3A_26 = vector.extract %reduce_sum3A_25[0, 0, 0] : f32 from vector<1x1x1xf32>
    %div3A = arith.constant 1.600000e+05 : f32
    %div3A_27 = arith.divf %reduce_sum3A_26, %div3A : f32
    %swap3A_28 = arith.constant 0 : index
    %swap3A_29 = arith.constant 0 : index
    %swap3A_30 = memref.load %arg7[%swap3A_28, %swap3A_29] : memref<1x1xf32, #tpu.memory_space<smem>>
    memref.store %div3A_27, %arg7[%swap3A_28, %swap3A_29] : memref<1x1xf32, #tpu.memory_space<smem>>
    %get3A_31 = arith.constant 0 : index
    %get3A_32 = arith.constant 0 : index
    %get3A_33 = vector.load %arg3[%get3A_31, %get3A_32] : memref<16x10xf32, #tpu.memory_space<vmem>>, vector<16x10xf32>
    %get3A_34 = arith.constant 0 : index
    %get3A_35 = arith.constant 0 : index
    %get3A_36 = vector.load %arg4[%get3A_34, %get3A_35] : memref<1x10xf32, #tpu.memory_space<vmem>>, vector<1x10xf32>
    %add3A_37 = vector.broadcast %get3A_36 : vector<1x10xf32> to vector<16x10xf32>
    %add3A_38 = arith.addf %get3A_33, %add3A_37 : vector<16x10xf32>
    %reduce_max3A_39 = arith.constant dense<0xFF800000> : vector<16xf32>
    %reduce_max3A_40 = vector.multi_reduction <maximumf>, %add3A_38, %reduce_max3A_39 [1] : vector<16x10xf32> to vector<16xf32>
    %broadcast_in_dim3A_41 = vector.shape_cast %reduce_max3A_40 : vector<16xf32> to vector<16x1xf32>
    %sub3A_42 = vector.broadcast %broadcast_in_dim3A_41 : vector<16x1xf32> to vector<16x10xf32>
    %sub3A_43 = arith.subf %add3A_38, %sub3A_42 : vector<16x10xf32>
    %exp3A = math.exp %sub3A_43 : vector<16x10xf32>
    %reduce_sum3A_44 = arith.constant dense<0.000000e+00> : vector<16xf32>
    %reduce_sum3A_45 = vector.multi_reduction <add>, %exp3A, %reduce_sum3A_44 [1] : vector<16x10xf32> to vector<16xf32>
    %broadcast_in_dim3A_46 = vector.shape_cast %reduce_sum3A_45 : vector<16xf32> to vector<16x1xf32>
    %log3A = math.log %broadcast_in_dim3A_46 : vector<16x1xf32>
    %sub3A_47 = vector.broadcast %log3A : vector<16x1xf32> to vector<16x10xf32>
    %sub3A_48 = arith.subf %sub3A_43, %sub3A_47 : vector<16x10xf32>
    %swap3A_49 = arith.constant 0 : index
    %swap3A_50 = arith.constant 0 : index
    %swap3A_51 = vector.load %arg8[%swap3A_49, %swap3A_50] : memref<16x10xf32, #tpu.memory_space<vmem>>, vector<16x10xf32>
    tpu.vector_store %arg8[%swap3A_49, %swap3A_50], %sub3A_48 {strides = array<i32>} : memref<16x10xf32, #tpu.memory_space<vmem>>, vector<16x10xf32>,
    return
  }
}

module attributes {stable_mosaic.version = 14 : i64} {
  func.func @_update_body(%arg0: memref<2x16x10000xf32, #tpu.memory_space<vmem>>, %arg1: memref<16x10000xf32, #tpu.memory_space<vmem>>, %arg2: memref<16x176xf32, #tpu.memory_space<vmem>>, %arg3: memref<16x1xf32, #tpu.memory_space<vmem>>, %arg4: memref<16x10xf32, #tpu.memory_space<vmem>>, %arg5: memref<16x10000xf32, #tpu.memory_space<vmem>>, %arg6: memref<1x1x10000xi32, #tpu.memory_space<vmem>>, %arg7: memref<1x1xf32, #tpu.memory_space<smem>>, %arg8: memref<1x1xf32, #tpu.memory_space<vmem>>) attributes {dimension_semantics = [], scalar_prefetch = 0 : i64, scratch_operands = 0 : i64, tpu.core_type = #tpu.core_type<tc>} {
    %get3A = arith.constant 0 : index
    %get3A_0 = arith.constant 0 : index
    %get3A_1 = arith.constant 0 : index
    %get3A_2 = vector.load %arg0[%get3A, %get3A_0, %get3A_1] : memref<2x16x10000xf32, #tpu.memory_space<vmem>>, vector<1x16x10000xf32>
    %get3A_3 = vector.shape_cast %get3A_2 : vector<1x16x10000xf32> to vector<16x10000xf32>
    %get3A_4 = arith.constant 1 : index
    %get3A_5 = arith.constant 0 : index
    %get3A_6 = arith.constant 0 : index
    %get3A_7 = vector.load %arg0[%get3A_4, %get3A_5, %get3A_6] : memref<2x16x10000xf32, #tpu.memory_space<vmem>>, vector<1x16x10000xf32>
    %get3A_8 = vector.shape_cast %get3A_7 : vector<1x16x10000xf32> to vector<16x10000xf32>
    %add3A = arith.addf %get3A_3, %get3A_8 : vector<16x10000xf32>
    %jit3A = arith.constant 0.000000e+00 : f32
    %jit3A_9 = arith.constant 1.000000e+01 : f32
    %max3A = vector.broadcast %jit3A : f32 to vector<16x10000xf32>
    %max3A_10 = arith.maximumf %max3A, %add3A : vector<16x10000xf32>
    %min3A = vector.broadcast %jit3A_9 : f32 to vector<16x10000xf32>
    %min3A_11 = arith.minimumf %min3A, %max3A_10 : vector<16x10000xf32>
    %iota3A = tpu.iota {dimensions = array<i32: 0>} : vector<160x16xi32>
    %iota3A_12 = tpu.iota {dimensions = array<i32: 1>} : vector<160x16xi32>
    %jit3A_13 = arith.constant 10 : i32
    %div3A = vector.broadcast %jit3A_13 : i32 to vector<160x16xi32>
    %div3A_14 = arith.divsi %iota3A, %div3A : vector<160x16xi32>
    %sign3A = arith.constant 0 : i32
    %sign3A_15 = vector.broadcast %sign3A : i32 to vector<160x16xi32>
    %sign3A_16 = arith.cmpi sgt, %iota3A, %sign3A_15 : vector<160x16xi32>
    %sign3A_17 = arith.extui %sign3A_16 : vector<160x16xi1> to vector<160x16xi32>
    %sign3A_18 = arith.constant 0 : i32
    %sign3A_19 = vector.broadcast %sign3A_18 : i32 to vector<160x16xi32>
    %sign3A_20 = arith.cmpi slt, %iota3A, %sign3A_19 : vector<160x16xi32>
    %sign3A_21 = arith.extui %sign3A_20 : vector<160x16xi1> to vector<160x16xi32>
    %sign3A_22 = arith.subi %sign3A_17, %sign3A_21 : vector<160x16xi32>
    %sign3A_23 = arith.constant 0 : i32
    %sign3A_24 = arith.cmpi sgt, %jit3A_13, %sign3A_23 : i32
    %sign3A_25 = arith.extui %sign3A_24 : i1 to i32
    %sign3A_26 = arith.constant 0 : i32
    %sign3A_27 = arith.cmpi slt, %jit3A_13, %sign3A_26 : i32
    %sign3A_28 = arith.extui %sign3A_27 : i1 to i32
    %sign3A_29 = arith.subi %sign3A_25, %sign3A_28 : i32
    %ne3A = vector.broadcast %sign3A_29 : i32 to vector<160x16xi32>
    %ne3A_30 = arith.cmpi ne, %sign3A_22, %ne3A : vector<160x16xi32>
    %rem3A = vector.broadcast %jit3A_13 : i32 to vector<160x16xi32>
    %rem3A_31 = arith.remsi %iota3A, %rem3A : vector<160x16xi32>
    %ne3A_32 = arith.constant 0 : i32
    %ne3A_33 = vector.broadcast %ne3A_32 : i32 to vector<160x16xi32>
    %ne3A_34 = arith.cmpi ne, %rem3A_31, %ne3A_33 : vector<160x16xi32>
    %and3A = arith.andi %ne3A_30, %ne3A_34 : vector<160x16xi1>
    %sub3A = arith.constant 1 : i32
    %sub3A_35 = vector.broadcast %sub3A : i32 to vector<160x16xi32>
    %sub3A_36 = arith.subi %div3A_14, %sub3A_35 : vector<160x16xi32>
    %select_n3A = arith.select %and3A, %sub3A_36, %div3A_14 : vector<160x16xi1>, vector<160x16xi32>
    %eq3A = arith.cmpi eq, %select_n3A, %iota3A_12 : vector<160x16xi32>
    %convert_element_type3A = arith.extui %eq3A : vector<160x16xi1> to vector<160x16xi32>
    %convert_element_type3A_37 = arith.sitofp %convert_element_type3A : vector<160x16xi32> to vector<160x16xf32>
    %dot_general3A = arith.constant dense<0.000000e+00> : vector<160x10000xf32>
    %dot_general3A_38 = tpu.matmul %convert_element_type3A_37, %min3A_11, %dot_general3A {dimension_numbers = #tpu.dot_dimension_numbers<[1], [0], [0], [1], [0, 0, 1, 1], [], []>, transpose_lhs_hint = false} : vector<160x16xf32>, vector<16x10000xf32>, vector<160x10000xf32> -> vector<160x10000xf32>
    %iota3A_39 = tpu.iota {dimensions = array<i32: 0>} : vector<160x10000xi32>
    %jit3A_40 = arith.constant 10 : i32
    %eq3A_41 = arith.constant 0 : i32
    %eq3A_42 = arith.cmpi eq, %jit3A_40, %eq3A_41 : i32
    %jit3A_43 = arith.constant 1 : i32
    %select_n3A_44 = arith.select %eq3A_42, %jit3A_43, %jit3A_40 : i32
    %rem3A_45 = vector.broadcast %select_n3A_44 : i32 to vector<160x10000xi32>
    %rem3A_46 = arith.remsi %iota3A_39, %rem3A_45 : vector<160x10000xi32>
    %ne3A_47 = arith.constant 0 : i32
    %ne3A_48 = vector.broadcast %ne3A_47 : i32 to vector<160x10000xi32>
    %ne3A_49 = arith.cmpi ne, %rem3A_46, %ne3A_48 : vector<160x10000xi32>
    %lt3A = arith.constant 0 : i32
    %lt3A_50 = vector.broadcast %lt3A : i32 to vector<160x10000xi32>
    %lt3A_51 = arith.cmpi slt, %rem3A_46, %lt3A_50 : vector<160x10000xi32>
    %lt3A_52 = arith.constant 0 : i32
    %lt3A_53 = arith.cmpi slt, %select_n3A_44, %lt3A_52 : i32
    %ne3A_54 = vector.broadcast %lt3A_53 : i1 to vector<160x10000xi1>
    %ne3A_55 = vector.broadcast %ne3A_54 : vector<160x10000xi1> to vector<160x10000xi1>
    %ne3A_56 = arith.xori %lt3A_51, %ne3A_55 : vector<160x10000xi1>
    %and3A_57 = arith.andi %ne3A_56, %ne3A_49 : vector<160x10000xi1>
    %add3A_58 = vector.broadcast %select_n3A_44 : i32 to vector<160x10000xi32>
    %add3A_59 = arith.addi %rem3A_46, %add3A_58 : vector<160x10000xi32>
    %select_n3A_60 = arith.select %and3A_57, %add3A_59, %rem3A_46 : vector<160x10000xi1>, vector<160x10000xi32>
    %convert_element_type3A_61 = arith.sitofp %select_n3A_60 : vector<160x10000xi32> to vector<160x10000xf32>
    %sub3A_62 = arith.subf %dot_general3A_38, %convert_element_type3A_61 : vector<160x10000xf32>
    %gt3A = arith.constant 0.000000e+00 : f32
    %gt3A_63 = vector.broadcast %gt3A : f32 to vector<160x10000xf32>
    %gt3A_64 = arith.cmpf ogt, %sub3A_62, %gt3A_63 : vector<160x10000xf32>
    %exp3A = math.exp %sub3A_62 : vector<160x10000xf32>
    %sub3A_65 = arith.constant 1.000000e+00 : f32
    %sub3A_66 = vector.broadcast %sub3A_65 : f32 to vector<160x10000xf32>
    %sub3A_67 = arith.subf %exp3A, %sub3A_66 : vector<160x10000xf32>
    %select_n3A_68 = arith.select %gt3A_64, %sub3A_62, %sub3A_67 : vector<160x10000xi1>, vector<160x10000xf32>
    %sub3A_69 = arith.constant 5.000000e-01 : f32
    %sub3A_70 = vector.broadcast %sub3A_69 : f32 to vector<160x10000xf32>
    %sub3A_71 = arith.subf %select_n3A_68, %sub3A_70 : vector<160x10000xf32>
    %logistic3A = arith.negf %sub3A_71 : vector<160x10000xf32>
    %logistic3A_72 = math.exp %logistic3A : vector<160x10000xf32>
    %logistic3A_73 = arith.constant 1.000000e+00 : f32
    %logistic3A_74 = vector.broadcast %logistic3A_73 : f32 to vector<160x10000xf32>
    %logistic3A_75 = arith.addf %logistic3A_74, %logistic3A_72 : vector<160x10000xf32>
    %logistic3A_76 = arith.divf %logistic3A_74, %logistic3A_75 : vector<160x10000xf32>
    %get3A_77 = arith.constant 0 : index
    %get3A_78 = arith.constant 0 : index
    %get3A_79 = vector.load %arg2[%get3A_77, %get3A_78] : memref<16x176xf32, #tpu.memory_space<vmem>>, vector<16x160xf32>
    %dot_general3A_80 = arith.constant dense<0.000000e+00> : vector<16x10000xf32>
    %dot_general3A_81 = tpu.matmul %get3A_79, %logistic3A_76, %dot_general3A_80 {dimension_numbers = #tpu.dot_dimension_numbers<[1], [0], [0], [1], [0, 0, 1, 1], [], []>, transpose_lhs_hint = false} : vector<16x160xf32>, vector<160x10000xf32>, vector<16x10000xf32> -> vector<16x10000xf32>
    %get3A_82 = arith.constant 0 : index
    %get3A_83 = arith.constant 160 : index
    %get3A_84 = vector.load %arg2[%get3A_82, %get3A_83] : memref<16x176xf32, #tpu.memory_space<vmem>>, vector<16x16xf32>
    %get3A_85 = arith.constant 0 : index
    %get3A_86 = arith.constant 0 : index
    %get3A_87 = vector.load %arg1[%get3A_85, %get3A_86] : memref<16x10000xf32, #tpu.memory_space<vmem>>, vector<16x10000xf32>
    %dot_general3A_88 = arith.constant dense<0.000000e+00> : vector<16x10000xf32>
    %dot_general3A_89 = tpu.matmul %get3A_84, %get3A_87, %dot_general3A_88 {dimension_numbers = #tpu.dot_dimension_numbers<[1], [0], [0], [1], [0, 0, 1, 1], [], []>, transpose_lhs_hint = false} : vector<16x16xf32>, vector<16x10000xf32>, vector<16x10000xf32> -> vector<16x10000xf32>
    %add3A_90 = arith.addf %dot_general3A_81, %dot_general3A_89 : vector<16x10000xf32>
    %get3A_91 = arith.constant 0 : index
    %get3A_92 = arith.constant 0 : index
    %get3A_93 = vector.load %arg3[%get3A_91, %get3A_92] : memref<16x1xf32, #tpu.memory_space<vmem>>, vector<16x1xf32>
    %add3A_94 = vector.broadcast %get3A_93 : vector<16x1xf32> to vector<16x10000xf32>
    %add3A_95 = arith.addf %add3A_90, %add3A_94 : vector<16x10000xf32>
    %reduce_max3A = arith.constant dense<0xFF800000> : vector<10000xf32>
    %reduce_max3A_96 = vector.multi_reduction <maximumf>, %add3A_95, %reduce_max3A [0] : vector<16x10000xf32> to vector<10000xf32>
    %broadcast_in_dim3A = vector.shape_cast %reduce_max3A_96 : vector<10000xf32> to vector<1x10000xf32>
    %iota3A_97 = tpu.iota {dimensions = array<i32: 0>} : vector<16x10000xi32>
    %ge3A = vector.broadcast %broadcast_in_dim3A : vector<1x10000xf32> to vector<16x10000xf32>
    %ge3A_98 = arith.cmpf oge, %add3A_95, %ge3A : vector<16x10000xf32>
    %jit3A_99 = arith.constant 16 : i32
    %broadcast_in_dim3A_100 = vector.broadcast %jit3A_99 : i32 to vector<16x10000xi32>
    %select_n3A_101 = arith.select %ge3A_98, %iota3A_97, %broadcast_in_dim3A_100 : vector<16x10000xi1>, vector<16x10000xi32>
    %reduce_min3A = arith.constant dense<2147483647> : vector<10000xi32>
    %reduce_min3A_102 = vector.multi_reduction <minsi>, %select_n3A_101, %reduce_min3A [0] : vector<16x10000xi32> to vector<10000xi32>
    %broadcast_in_dim3A_103 = vector.shape_cast %reduce_min3A_102 : vector<10000xi32> to vector<1x10000xi32>
    %eq3A_104 = vector.broadcast %broadcast_in_dim3A_103 : vector<1x10000xi32> to vector<16x10000xi32>
    %eq3A_105 = arith.cmpi eq, %iota3A_97, %eq3A_104 : vector<16x10000xi32>
    %convert_element_type3A_106 = arith.extui %eq3A_105 : vector<16x10000xi1> to vector<16x10000xi32>
    %convert_element_type3A_107 = arith.sitofp %convert_element_type3A_106 : vector<16x10000xi32> to vector<16x10000xf32>
    %swap3A = arith.constant 0 : index
    %swap3A_108 = arith.constant 0 : index
    %swap3A_109 = vector.load %arg5[%swap3A, %swap3A_108] : memref<16x10000xf32, #tpu.memory_space<vmem>>, vector<16x10000xf32>
    tpu.vector_store %arg5[%swap3A, %swap3A_108], %convert_element_type3A_107 {strides = array<i32>} : memref<16x10000xf32, #tpu.memory_space<vmem>>, vector<16x10000xf32>,
    %reshape3A = vector.shape_cast %reduce_min3A_102 : vector<10000xi32> to vector<1x1x10000xi32>
    %swap3A_110 = arith.constant 0 : index
    %swap3A_111 = arith.constant 0 : index
    %swap3A_112 = arith.constant 0 : index
    %swap3A_113 = vector.load %arg6[%swap3A_110, %swap3A_111, %swap3A_112] : memref<1x1x10000xi32, #tpu.memory_space<vmem>>, vector<1x1x10000xi32>
    tpu.vector_store %arg6[%swap3A_110, %swap3A_111, %swap3A_112], %reshape3A {strides = array<i32>} : memref<1x1x10000xi32, #tpu.memory_space<vmem>>, vector<1x1x10000xi32>,
    %sub3A_114 = arith.subf %convert_element_type3A_107, %add3A_95 : vector<16x10000xf32>
    %mul3A = arith.mulf %sub3A_114, %sub3A_114 : vector<16x10000xf32>
    %reduce_sum3A = vector.shape_cast %mul3A : vector<16x10000xf32> to vector<1x16x10000xf32>
    %reduce_sum3A_115 = arith.constant dense<0.000000e+00> : vector<1xf32>
    %reduce_sum3A_116 = vector.multi_reduction <add>, %reduce_sum3A, %reduce_sum3A_115 [1, 2] : vector<1x16x10000xf32> to vector<1xf32>
    %reduce_sum3A_117 = vector.shape_cast %reduce_sum3A_116 : vector<1xf32> to vector<1x1x1xf32>
    %reduce_sum3A_118 = vector.extract %reduce_sum3A_117[0, 0, 0] : f32 from vector<1x1x1xf32>
    %div3A_119 = arith.constant 1.600000e+05 : f32
    %div3A_120 = arith.divf %reduce_sum3A_118, %div3A_119 : f32
    %swap3A_121 = arith.constant 0 : index
    %swap3A_122 = arith.constant 0 : index
    %swap3A_123 = memref.load %arg7[%swap3A_121, %swap3A_122] : memref<1x1xf32, #tpu.memory_space<smem>>
    memref.store %div3A_120, %arg7[%swap3A_121, %swap3A_122] : memref<1x1xf32, #tpu.memory_space<smem>>
    return
  }
}

module attributes {stable_mosaic.version = 14 : i64} {
  func.func @_update_body(%arg0: memref<2x16x10000xf32, #tpu.memory_space<vmem>>, %arg1: memref<16x10000xf32, #tpu.memory_space<vmem>>, %arg2: memref<16x176xf32, #tpu.memory_space<vmem>>, %arg3: memref<16x1xf32, #tpu.memory_space<vmem>>, %arg4: memref<16x10xf32, #tpu.memory_space<vmem>>, %arg5: memref<16x10000xf32, #tpu.memory_space<vmem>>, %arg6: memref<1x1x10000xi32, #tpu.memory_space<vmem>>, %arg7: memref<1x1xf32, #tpu.memory_space<smem>>, %arg8: memref<10x10000xf32, #tpu.memory_space<vmem>>) attributes {dimension_semantics = [], scalar_prefetch = 0 : i64, scratch_operands = 0 : i64, tpu.core_type = #tpu.core_type<tc>} {
    %get3A = arith.constant 0 : index
    %get3A_0 = arith.constant 0 : index
    %get3A_1 = arith.constant 0 : index
    %get3A_2 = vector.load %arg0[%get3A, %get3A_0, %get3A_1] : memref<2x16x10000xf32, #tpu.memory_space<vmem>>, vector<1x16x10000xf32>
    %get3A_3 = vector.shape_cast %get3A_2 : vector<1x16x10000xf32> to vector<16x10000xf32>
    %get3A_4 = arith.constant 1 : index
    %get3A_5 = arith.constant 0 : index
    %get3A_6 = arith.constant 0 : index
    %get3A_7 = vector.load %arg0[%get3A_4, %get3A_5, %get3A_6] : memref<2x16x10000xf32, #tpu.memory_space<vmem>>, vector<1x16x10000xf32>
    %get3A_8 = vector.shape_cast %get3A_7 : vector<1x16x10000xf32> to vector<16x10000xf32>
    %add3A = arith.addf %get3A_3, %get3A_8 : vector<16x10000xf32>
    %jit3A = arith.constant 0.000000e+00 : f32
    %jit3A_9 = arith.constant 1.000000e+01 : f32
    %max3A = vector.broadcast %jit3A : f32 to vector<16x10000xf32>
    %max3A_10 = arith.maximumf %max3A, %add3A : vector<16x10000xf32>
    %min3A = vector.broadcast %jit3A_9 : f32 to vector<16x10000xf32>
    %min3A_11 = arith.minimumf %min3A, %max3A_10 : vector<16x10000xf32>
    %iota3A = tpu.iota {dimensions = array<i32: 0>} : vector<160x16xi32>
    %iota3A_12 = tpu.iota {dimensions = array<i32: 1>} : vector<160x16xi32>
    %jit3A_13 = arith.constant 10 : i32
    %div3A = vector.broadcast %jit3A_13 : i32 to vector<160x16xi32>
    %div3A_14 = arith.divsi %iota3A, %div3A : vector<160x16xi32>
    %sign3A = arith.constant 0 : i32
    %sign3A_15 = vector.broadcast %sign3A : i32 to vector<160x16xi32>
    %sign3A_16 = arith.cmpi sgt, %iota3A, %sign3A_15 : vector<160x16xi32>
    %sign3A_17 = arith.extui %sign3A_16 : vector<160x16xi1> to vector<160x16xi32>
    %sign3A_18 = arith.constant 0 : i32
    %sign3A_19 = vector.broadcast %sign3A_18 : i32 to vector<160x16xi32>
    %sign3A_20 = arith.cmpi slt, %iota3A, %sign3A_19 : vector<160x16xi32>
    %sign3A_21 = arith.extui %sign3A_20 : vector<160x16xi1> to vector<160x16xi32>
    %sign3A_22 = arith.subi %sign3A_17, %sign3A_21 : vector<160x16xi32>
    %sign3A_23 = arith.constant 0 : i32
    %sign3A_24 = arith.cmpi sgt, %jit3A_13, %sign3A_23 : i32
    %sign3A_25 = arith.extui %sign3A_24 : i1 to i32
    %sign3A_26 = arith.constant 0 : i32
    %sign3A_27 = arith.cmpi slt, %jit3A_13, %sign3A_26 : i32
    %sign3A_28 = arith.extui %sign3A_27 : i1 to i32
    %sign3A_29 = arith.subi %sign3A_25, %sign3A_28 : i32
    %ne3A = vector.broadcast %sign3A_29 : i32 to vector<160x16xi32>
    %ne3A_30 = arith.cmpi ne, %sign3A_22, %ne3A : vector<160x16xi32>
    %rem3A = vector.broadcast %jit3A_13 : i32 to vector<160x16xi32>
    %rem3A_31 = arith.remsi %iota3A, %rem3A : vector<160x16xi32>
    %ne3A_32 = arith.constant 0 : i32
    %ne3A_33 = vector.broadcast %ne3A_32 : i32 to vector<160x16xi32>
    %ne3A_34 = arith.cmpi ne, %rem3A_31, %ne3A_33 : vector<160x16xi32>
    %and3A = arith.andi %ne3A_30, %ne3A_34 : vector<160x16xi1>
    %sub3A = arith.constant 1 : i32
    %sub3A_35 = vector.broadcast %sub3A : i32 to vector<160x16xi32>
    %sub3A_36 = arith.subi %div3A_14, %sub3A_35 : vector<160x16xi32>
    %select_n3A = arith.select %and3A, %sub3A_36, %div3A_14 : vector<160x16xi1>, vector<160x16xi32>
    %eq3A = arith.cmpi eq, %select_n3A, %iota3A_12 : vector<160x16xi32>
    %convert_element_type3A = arith.extui %eq3A : vector<160x16xi1> to vector<160x16xi32>
    %convert_element_type3A_37 = arith.sitofp %convert_element_type3A : vector<160x16xi32> to vector<160x16xf32>
    %dot_general3A = arith.constant dense<0.000000e+00> : vector<160x10000xf32>
    %dot_general3A_38 = tpu.matmul %convert_element_type3A_37, %min3A_11, %dot_general3A {dimension_numbers = #tpu.dot_dimension_numbers<[1], [0], [0], [1], [0, 0, 1, 1], [], []>, transpose_lhs_hint = false} : vector<160x16xf32>, vector<16x10000xf32>, vector<160x10000xf32> -> vector<160x10000xf32>
    %iota3A_39 = tpu.iota {dimensions = array<i32: 0>} : vector<160x10000xi32>
    %jit3A_40 = arith.constant 10 : i32
    %eq3A_41 = arith.constant 0 : i32
    %eq3A_42 = arith.cmpi eq, %jit3A_40, %eq3A_41 : i32
    %jit3A_43 = arith.constant 1 : i32
    %select_n3A_44 = arith.select %eq3A_42, %jit3A_43, %jit3A_40 : i32
    %rem3A_45 = vector.broadcast %select_n3A_44 : i32 to vector<160x10000xi32>
    %rem3A_46 = arith.remsi %iota3A_39, %rem3A_45 : vector<160x10000xi32>
    %ne3A_47 = arith.constant 0 : i32
    %ne3A_48 = vector.broadcast %ne3A_47 : i32 to vector<160x10000xi32>
    %ne3A_49 = arith.cmpi ne, %rem3A_46, %ne3A_48 : vector<160x10000xi32>
    %lt3A = arith.constant 0 : i32
    %lt3A_50 = vector.broadcast %lt3A : i32 to vector<160x10000xi32>
    %lt3A_51 = arith.cmpi slt, %rem3A_46, %lt3A_50 : vector<160x10000xi32>
    %lt3A_52 = arith.constant 0 : i32
    %lt3A_53 = arith.cmpi slt, %select_n3A_44, %lt3A_52 : i32
    %ne3A_54 = vector.broadcast %lt3A_53 : i1 to vector<160x10000xi1>
    %ne3A_55 = vector.broadcast %ne3A_54 : vector<160x10000xi1> to vector<160x10000xi1>
    %ne3A_56 = arith.xori %lt3A_51, %ne3A_55 : vector<160x10000xi1>
    %and3A_57 = arith.andi %ne3A_56, %ne3A_49 : vector<160x10000xi1>
    %add3A_58 = vector.broadcast %select_n3A_44 : i32 to vector<160x10000xi32>
    %add3A_59 = arith.addi %rem3A_46, %add3A_58 : vector<160x10000xi32>
    %select_n3A_60 = arith.select %and3A_57, %add3A_59, %rem3A_46 : vector<160x10000xi1>, vector<160x10000xi32>
    %convert_element_type3A_61 = arith.sitofp %select_n3A_60 : vector<160x10000xi32> to vector<160x10000xf32>
    %sub3A_62 = arith.subf %dot_general3A_38, %convert_element_type3A_61 : vector<160x10000xf32>
    %gt3A = arith.constant 0.000000e+00 : f32
    %gt3A_63 = vector.broadcast %gt3A : f32 to vector<160x10000xf32>
    %gt3A_64 = arith.cmpf ogt, %sub3A_62, %gt3A_63 : vector<160x10000xf32>
    %exp3A = math.exp %sub3A_62 : vector<160x10000xf32>
    %sub3A_65 = arith.constant 1.000000e+00 : f32
    %sub3A_66 = vector.broadcast %sub3A_65 : f32 to vector<160x10000xf32>
    %sub3A_67 = arith.subf %exp3A, %sub3A_66 : vector<160x10000xf32>
    %select_n3A_68 = arith.select %gt3A_64, %sub3A_62, %sub3A_67 : vector<160x10000xi1>, vector<160x10000xf32>
    %sub3A_69 = arith.constant 5.000000e-01 : f32
    %sub3A_70 = vector.broadcast %sub3A_69 : f32 to vector<160x10000xf32>
    %sub3A_71 = arith.subf %select_n3A_68, %sub3A_70 : vector<160x10000xf32>
    %logistic3A = arith.negf %sub3A_71 : vector<160x10000xf32>
    %logistic3A_72 = math.exp %logistic3A : vector<160x10000xf32>
    %logistic3A_73 = arith.constant 1.000000e+00 : f32
    %logistic3A_74 = vector.broadcast %logistic3A_73 : f32 to vector<160x10000xf32>
    %logistic3A_75 = arith.addf %logistic3A_74, %logistic3A_72 : vector<160x10000xf32>
    %logistic3A_76 = arith.divf %logistic3A_74, %logistic3A_75 : vector<160x10000xf32>
    %get3A_77 = arith.constant 0 : index
    %get3A_78 = arith.constant 0 : index
    %get3A_79 = vector.load %arg2[%get3A_77, %get3A_78] : memref<16x176xf32, #tpu.memory_space<vmem>>, vector<16x160xf32>
    %dot_general3A_80 = arith.constant dense<0.000000e+00> : vector<16x10000xf32>
    %dot_general3A_81 = tpu.matmul %get3A_79, %logistic3A_76, %dot_general3A_80 {dimension_numbers = #tpu.dot_dimension_numbers<[1], [0], [0], [1], [0, 0, 1, 1], [], []>, transpose_lhs_hint = false} : vector<16x160xf32>, vector<160x10000xf32>, vector<16x10000xf32> -> vector<16x10000xf32>
    %get3A_82 = arith.constant 0 : index
    %get3A_83 = arith.constant 160 : index
    %get3A_84 = vector.load %arg2[%get3A_82, %get3A_83] : memref<16x176xf32, #tpu.memory_space<vmem>>, vector<16x16xf32>
    %get3A_85 = arith.constant 0 : index
    %get3A_86 = arith.constant 0 : index
    %get3A_87 = vector.load %arg1[%get3A_85, %get3A_86] : memref<16x10000xf32, #tpu.memory_space<vmem>>, vector<16x10000xf32>
    %dot_general3A_88 = arith.constant dense<0.000000e+00> : vector<16x10000xf32>
    %dot_general3A_89 = tpu.matmul %get3A_84, %get3A_87, %dot_general3A_88 {dimension_numbers = #tpu.dot_dimension_numbers<[1], [0], [0], [1], [0, 0, 1, 1], [], []>, transpose_lhs_hint = false} : vector<16x16xf32>, vector<16x10000xf32>, vector<16x10000xf32> -> vector<16x10000xf32>
    %add3A_90 = arith.addf %dot_general3A_81, %dot_general3A_89 : vector<16x10000xf32>
    %get3A_91 = arith.constant 0 : index
    %get3A_92 = arith.constant 0 : index
    %get3A_93 = vector.load %arg3[%get3A_91, %get3A_92] : memref<16x1xf32, #tpu.memory_space<vmem>>, vector<16x1xf32>
    %add3A_94 = vector.broadcast %get3A_93 : vector<16x1xf32> to vector<16x10000xf32>
    %add3A_95 = arith.addf %add3A_90, %add3A_94 : vector<16x10000xf32>
    %reduce_max3A = arith.constant dense<0xFF800000> : vector<10000xf32>
    %reduce_max3A_96 = vector.multi_reduction <maximumf>, %add3A_95, %reduce_max3A [0] : vector<16x10000xf32> to vector<10000xf32>
    %broadcast_in_dim3A = vector.shape_cast %reduce_max3A_96 : vector<10000xf32> to vector<1x10000xf32>
    %iota3A_97 = tpu.iota {dimensions = array<i32: 0>} : vector<16x10000xi32>
    %ge3A = vector.broadcast %broadcast_in_dim3A : vector<1x10000xf32> to vector<16x10000xf32>
    %ge3A_98 = arith.cmpf oge, %add3A_95, %ge3A : vector<16x10000xf32>
    %jit3A_99 = arith.constant 16 : i32
    %broadcast_in_dim3A_100 = vector.broadcast %jit3A_99 : i32 to vector<16x10000xi32>
    %select_n3A_101 = arith.select %ge3A_98, %iota3A_97, %broadcast_in_dim3A_100 : vector<16x10000xi1>, vector<16x10000xi32>
    %reduce_min3A = arith.constant dense<2147483647> : vector<10000xi32>
    %reduce_min3A_102 = vector.multi_reduction <minsi>, %select_n3A_101, %reduce_min3A [0] : vector<16x10000xi32> to vector<10000xi32>
    %broadcast_in_dim3A_103 = vector.shape_cast %reduce_min3A_102 : vector<10000xi32> to vector<1x10000xi32>
    %eq3A_104 = vector.broadcast %broadcast_in_dim3A_103 : vector<1x10000xi32> to vector<16x10000xi32>
    %eq3A_105 = arith.cmpi eq, %iota3A_97, %eq3A_104 : vector<16x10000xi32>
    %convert_element_type3A_106 = arith.extui %eq3A_105 : vector<16x10000xi1> to vector<16x10000xi32>
    %convert_element_type3A_107 = arith.sitofp %convert_element_type3A_106 : vector<16x10000xi32> to vector<16x10000xf32>
    %swap3A = arith.constant 0 : index
    %swap3A_108 = arith.constant 0 : index
    %swap3A_109 = vector.load %arg5[%swap3A, %swap3A_108] : memref<16x10000xf32, #tpu.memory_space<vmem>>, vector<16x10000xf32>
    tpu.vector_store %arg5[%swap3A, %swap3A_108], %convert_element_type3A_107 {strides = array<i32>} : memref<16x10000xf32, #tpu.memory_space<vmem>>, vector<16x10000xf32>,
    %reshape3A = vector.shape_cast %reduce_min3A_102 : vector<10000xi32> to vector<1x1x10000xi32>
    %swap3A_110 = arith.constant 0 : index
    %swap3A_111 = arith.constant 0 : index
    %swap3A_112 = arith.constant 0 : index
    %swap3A_113 = vector.load %arg6[%swap3A_110, %swap3A_111, %swap3A_112] : memref<1x1x10000xi32, #tpu.memory_space<vmem>>, vector<1x1x10000xi32>
    tpu.vector_store %arg6[%swap3A_110, %swap3A_111, %swap3A_112], %reshape3A {strides = array<i32>} : memref<1x1x10000xi32, #tpu.memory_space<vmem>>, vector<1x1x10000xi32>,
    %get3A_114 = arith.constant 0 : index
    %get3A_115 = arith.constant 0 : index
    %get3A_116 = vector.load %arg4[%get3A_114, %get3A_115] : memref<16x10xf32, #tpu.memory_space<vmem>>, vector<16x10xf32>
    %dot_general3A_117 = arith.constant dense<0.000000e+00> : vector<10x10000xf32>
    %dot_general3A_118 = tpu.matmul %get3A_116, %convert_element_type3A_107, %dot_general3A_117 {dimension_numbers = #tpu.dot_dimension_numbers<[0], [0], [1], [1], [0, 1, 1, 1], [], []>, transpose_lhs_hint = false} : vector<16x10xf32>, vector<16x10000xf32>, vector<10x10000xf32> -> vector<10x10000xf32>
    %swap3A_119 = arith.constant 0 : index
    %swap3A_120 = arith.constant 0 : index
    %swap3A_121 = vector.load %arg8[%swap3A_119, %swap3A_120] : memref<10x10000xf32, #tpu.memory_space<vmem>>, vector<10x10000xf32>
    tpu.vector_store %arg8[%swap3A_119, %swap3A_120], %dot_general3A_118 {strides = array<i32>} : memref<10x10000xf32, #tpu.memory_space<vmem>>, vector<10x10000xf32>,
    %sub3A_122 = arith.subf %convert_element_type3A_107, %add3A_95 : vector<16x10000xf32>
    %mul3A = arith.mulf %sub3A_122, %sub3A_122 : vector<16x10000xf32>
    %reduce_sum3A = vector.shape_cast %mul3A : vector<16x10000xf32> to vector<1x16x10000xf32>
    %reduce_sum3A_123 = arith.constant dense<0.000000e+00> : vector<1xf32>
    %reduce_sum3A_124 = vector.multi_reduction <add>, %reduce_sum3A, %reduce_sum3A_123 [1, 2] : vector<1x16x10000xf32> to vector<1xf32>
    %reduce_sum3A_125 = vector.shape_cast %reduce_sum3A_124 : vector<1xf32> to vector<1x1x1xf32>
    %reduce_sum3A_126 = vector.extract %reduce_sum3A_125[0, 0, 0] : f32 from vector<1x1x1xf32>
    %div3A_127 = arith.constant 1.600000e+05 : f32
    %div3A_128 = arith.divf %reduce_sum3A_126, %div3A_127 : f32
    %swap3A_129 = arith.constant 0 : index
    %swap3A_130 = arith.constant 0 : index
    %swap3A_131 = memref.load %arg7[%swap3A_129, %swap3A_130] : memref<1x1xf32, #tpu.memory_space<smem>>
    memref.store %div3A_128, %arg7[%swap3A_129, %swap3A_130] : memref<1x1xf32, #tpu.memory_space<smem>>
    return
  }
}

</mosaic_0001>

<sc_bundles>
// kernel: kernel.12.cloned.1.call-start
scs
__scs_entry_jumppad:
0x0: {  	(pc) =	sbr.rel $0x88, $3  }
0x1: {  	(tag) =	ssettag $0x0;
	lr =	simm.s32 $0x1  }
0x2: {  	[smem:$0x3F99] =	sst lr;
	_ =	strace $0xD0000000  }
0x3: {  	_ = 	snop  }
0x4: {  	_ = 	snop  }
0x5: {  	_ = 	snop  }
0x6: {  	_ = 	snop  }
0x7: {  	_ = 	snop  }
__scs_overlays_trampoline_lowered:
0x8: {  	[smem:$0x3FA8] =	sst s0  }
0x9: {  	[smem:$0x3FA9] =	sst s1  }
0xa: {  	[smem:$0x3FAA] =	sst s2  }
0xb: {  	[smem:$0x3FAB] =	sst s3  }
0xc: {  	[smem:$0x3FAC] =	sst s4  }
0xd: {  	[smem:$0x3FAD] =	sst s5  }
0xe: {  	[smem:$0x3FAE] =	sst s6  }
0xf: {  	[smem:$0x3FAF] =	sst s7  }
0x10: {  	[smem:$0x3FB0] =	sst s8  }
0x11: {  	[smem:$0x3FB1] =	sst s9;
	s0 =	simm.s32 @!p0 $0x0  }
0x12: {  	s1 =	sld [smem:$0x3F97];
	s0 =	simm.s32 @p0 $0x1  }
0x13: {  	[smem:$0x3FB2] =	sst s0;
	s0 =	simm.s32 @!p1 $0x0  }
0x14: {  	s2 =	sld [smem:$0x3F96];
	s0 =	simm.s32 @p1 $0x1  }
0x15: {  	[smem:$0x3FB3] =	sst s0;
	s0 =	simm.s32 @!p2 $0x0  }
0x16: {  	s3 =	sld [smem:$0x3FDB];
	s0 =	simm.s32 @p2 $0x1  }
0x17: {  	s4 =	simm.s32 $0x1BF5;
	[smem:$0x3FB5] =	sst s0  }
0x18: {  	s0 =	sld [smem:$0x3F98];
	_ =	swait.ge [sflag:s4], $0x0  }
0x19: {  	s7 =	sld [smem:$0x3F99]  }
0x1a: {  	s8 =	sadd.s32 $0xFFFFE003, lr  }
0x1b: {  	s9 =	sadd.s32 $0xFFFFFEF7, lr;
	s5 =	simm.s32 $0xFFFFFFFF;
	p2 =	slt.u32 s8, $0xFFFFF086  }
0x1c: {  	p1 =	slt.u32 s9, $0xF7A;
	s5 =	simm.s32 @!p2 $0x0  }
0x1d: {  	s5 =	simm.s32 @p1 $0x1;
	p0 =	seq.s32 s7, s2  }
0x1e: {  	s7 =	smul.u32 @!p0 $0xF7A, s2;
	p2 =	seq.s32 @!p0 s5, $0x0  }
0x1f: {  	s9 =	smul.u32 $0xF7A, s1;
	s8 =	simm.s32 @!p0 $0x1BF5;
	p2 =	por !p2, p0  }
0x20: {  	[sflag:s8] =	ssyncset.s32 @!p0 $0xFFFFF086;
	s6 =	sadd.s32 @!p0 s3, s7;
	s7 =	simm.s32 @!p0 $0x108  }
0x21: {  	s3 =	sadd.s32 s3, s9;
	s6 =	sadd.s32 @!p0 $0x88, s6;
	s7 =	simm.s32 @p2 $0x1082  }
0x22: {  	[simem:s7], [sflag:s8] =	dma.local @!p0 [hbm:s6], $0xF7A  }
0x23: {  	s9 =	sor.u32 $0xD0000000, s2;
	s6 =	simm.s32 $0x108;
	_ =	swait.ge @!p0 [sflag:s8], $0x0  }
0x24: {  	s3 =	sadd.s32 $0x88, s3;
	s6 =	simm.s32 @!p1 $0x1082;
	[sflag:s4] =	ssyncset.s32 $0xFFFFF086  }
0x25: {  	[simem:s6], [sflag:s4] =	dma.local [hbm:s3], $0xF7A  }
0x26: {  	[smem:$0x3F99] =	sst s1;
	(tag) =	ssettag s2;
	_ =	strace s9  }
0x27: {  	s1 =	sld [smem:$0x3FA9]  }
0x28: {  	s2 =	sld [smem:$0x3FAA]  }
0x29: {  	s4 =	sld [smem:$0x3FAC]  }
0x2a: {  	p0 =	seq.s32 s5, $0x0;
	s5 =	sld [smem:$0x3FAD]  }
0x2b: {  	s6 =	sld [smem:$0x3FAE]  }
0x2c: {  	s7 =	sld [smem:$0x3FAF]  }
0x2d: {  	s3 =	simm.s32 $0x108;
	s8 =	sld [smem:$0x3FB0]  }
0x2e: {  	s3 =	simm.s32 @!p0 $0x1082;
	s9 =	sld [smem:$0x3FB1]  }
0x2f: {  	lr =	sadd.s32 s0, s3;
	s0 =	sld [smem:$0x3FA8]  }
0x30: {  	s3 =	sld [smem:$0x3FAB]  }
0x31: {  	[smem:$0x3FB4] =	sst s10  }
0x32: {  	s10 =	sld [smem:$0x3FB2];
	_ =	sdelay $0x3  }
0x33: {  	p0 =	seq.s32 s10, $0x1;
	s10 =	sld [smem:$0x3FB4];
	_ =	sdelay $0x3  }
0x34: {  	[smem:$0x3FB4] =	sst s10  }
0x35: {  	s10 =	sld [smem:$0x3FB3];
	_ =	sdelay $0x3  }
0x36: {  	p1 =	seq.s32 s10, $0x1;
	s10 =	sld [smem:$0x3FB4];
	_ =	sdelay $0x3  }
0x37: {  	[smem:$0x3FB4] =	sst s10  }
0x38: {  	s10 =	sld [smem:$0x3FB5]  }
0x39: {  	_ = 	snop;
	(pc) =	sbr.ind lr, $3  }
0x3a: {  	_ = 	snop  }
0x3b: {  	_ = 	snop  }
0x3c: {  	p2 =	seq.s32 s10, $0x1;
	s10 =	sld [smem:$0x3FB4]  }
0x3d: {  	_ =	shalt  }
0x3e: {  	_ =	shalt  }
0x3f: {  	_ =	shalt  }
0x40: {  	_ =	shalt  }
0x41: {  	_ =	shalt  }
0x42: {  	_ =	shalt  }
0x43: {  	_ =	shalt  }
0x44: {  	_ =	shalt  }
0x45: {  	_ =	shalt  }
0x46: {  	_ =	shalt  }
0x47: {  	_ =	shalt  }
0x48: {  	_ =	shalt  }
0x49: {  	_ =	shalt  }
0x4a: {  	_ =	shalt  }
0x4b: {  	_ =	shalt  }
0x4c: {  	_ =	shalt  }
0x4d: {  	_ =	shalt  }
0x4e: {  	_ =	shalt  }
0x4f: {  	_ =	shalt  }
0x50: {  	_ =	shalt  }
0x51: {  	_ =	shalt  }
0x52: {  	_ =	shalt  }
0x53: {  	_ =	shalt  }
0x54: {  	_ =	shalt  }
0x55: {  	_ =	shalt  }
0x56: {  	_ =	shalt  }
0x57: {  	_ =	shalt  }
0x58: {  	_ =	shalt  }
0x59: {  	_ =	shalt  }
0x5a: {  	_ =	shalt  }
0x5b: {  	_ =	shalt  }
0x5c: {  	_ =	shalt  }
0x5d: {  	_ =	shalt  }
0x5e: {  	_ =	shalt  }
0x5f: {  	_ =	shalt  }
0x60: {  	_ =	shalt  }
0x61: {  	_ =	shalt  }
0x62: {  	_ =	shalt  }
0x63: {  	_ =	shalt  }
0x64: {  	_ =	shalt  }
0x65: {  	_ =	shalt  }
0x66: {  	_ =	shalt  }
0x67: {  	_ =	shalt  }
0x68: {  	_ =	shalt  }
0x69: {  	_ =	shalt  }
0x6a: {  	_ =	shalt  }
0x6b: {  	_ =	shalt  }
0x6c: {  	_ =	shalt  }
0x6d: {  	_ =	shalt  }
0x6e: {  	_ =	shalt  }
0x6f: {  	_ =	shalt  }
0x70: {  	_ =	shalt  }
0x71: {  	_ =	shalt  }
0x72: {  	_ =	shalt  }
0x73: {  	_ =	shalt  }
0x74: {  	_ =	shalt  }
0x75: {  	_ =	shalt  }
0x76: {  	_ =	shalt  }
0x77: {  	_ =	shalt  }
0x78: {  	_ =	shalt  }
0x79: {  	_ =	shalt  }
0x7a: {  	_ =	shalt  }
0x7b: {  	_ =	shalt  }
0x7c: {  	_ =	shalt  }
0x7d: {  	_ =	shalt  }
0x7e: {  	_ =	shalt  }
0x7f: {  	_ =	shalt  }
0x80: {  	_ =	shalt  }
0x81: {  	_ =	shalt  }
0x82: {  	_ =	shalt  }
0x83: {  	_ =	shalt  }
0x84: {  	_ =	shalt  }
0x85: {  	_ =	shalt  }
0x86: {  	_ =	shalt  }
0x87: {  	_ =	shalt  }
.Lfunc_end0:
.L_simem_size_0:
called_computation.1_lowered:
.L_overlay_start_0:
0x88: {  	s2 =	sld [smem:$0x3FD9]  }
0x89: {  	s3 =	sld [smem:$0x3FFE];
	_ =	sdelay $0x1  }
0x8a: {  	s1 =	srdreg.scid  }
0x8b: {  	s0 =	sand.u32 $0x1, s1  }
0x8c: {  	s14 =	sshll.u32 s0, $0xA;
	s2 =	sadd.s32 s3, s2  }
0x8d: {  	s2 =	sadd.s32 s2, s14  }
0x8e: {  	[smem:$0x3FC0] =	sst s2  }
0x8f: {  	_ = 	snop  }
0x90: {  	s2 =	sld [smem:$0x3FD0];
	_ =	sdelay $0x2  }
0x91: {  	s4 =	simm.s32 $0xA;
	s5 =	simm.s32 $0x10;
	s15 =	sld [smem:$0x3FC8]  }
0x92: {  	[smem:s5], [sflag:s4] =	dma.local [hbm:s2], $0x1  }
0x93: {  	_ =	swait.eq [sflag:s4], $0x1  }
0x94: {  	[sflag:s4] =	ssyncset.done $0x0  }
0x95: {  	[sflag:s4] =	ssyncadd.s32 $0xFFFFFFFF  }
0x96: {  	s16 =	sld [smem:$0x10];
	(tm) =	ssettm $0x1  }
0x97: {  	s17 =	sld [smem:$0x3FFB];
	_ =	sdelay $0x3  }
0x98: {  	_ =	strace s17  }
0x99: {  	s4 =	sld [smem:$0x3FFC];
	_ =	sdelay $0x3  }
0x9a: {  	_ =	strace s4  }
0x9b: {  	s4 =	sld [smem:$0x3FFD];
	_ =	sdelay $0x3  }
0x9c: {  	_ =	strace s4  }
0x9d: {  	_ =	strace $0x8FFFFFFF  }
0x9e: {  	s18 =	sld [smem:$0x3FDB];
	_ =	sdelay $0x1  }
0x9f: {  	s19 =	simm.s32 $_scs_section_size  }
0xa0: {  	s6 =	simm.s32 $_size__tile_overlayer_lowered;
	s7 =	simm.s32 $_tile_overlayer_lowered  }
0xa1: {  	s22 =	simm.s32 $0x1BFF;
	s21 =	sshll.u32 s7, $0x1;
	s4 =	sadd.s32 s19, s18  }
0xa2: {  	s8 =	simm.s32 $0x0;
	s20 =	sshll.u32 s6, $0x1;
	s6 =	sadd.s32 s21, s4  }
0xa3: {  	[timem:s8], [sflag:s22] =	dma.local [hbm:s6], s20  }
0xa4: {  	_ =	swait.ge [sflag:s22], s20  }
0xa5: {  	s5 =	ssub.s32 $0x0, s20;
	[sflag:s22] =	ssyncset.done $0x0  }
0xa6: {  	[sflag:s22] =	ssyncadd.s32 s5;
	_ =	sdelay $0x1  }
0xa7: {  	s23 =	simm.s32 $0x1B8B  }
0xa8: {  	_ =	swait.ge [sflag:s23], $0x1  }
0xa9: {  	[sflag:s23] =	ssyncset.done $0x0  }
0xaa: {  	s25 =	simm.s32 $0x1B8E;
	s24 =	sld [smem:$0x3FFE];
	[sflag:s23] =	ssyncadd.s32 $0xFFFFFFFF  }
0xab: {  	s26 =	simm.s32 $execute0_lowered;
	[smem:$0x3FD2] =	sst s25  }
0xac: {  	s6 =	sshll.u32 s26, $0x1;
	_ =	strace $0x80000051;
	[dreg:$0x1] =	wrdreg $0xFFFFFFFF  }
0xad: {  	s28 =	simm.s32 $_size_execute0_lowered;
	s4 =	sadd.s32 s4, s6;
	[dreg:$0x0] =	wrdreg $0x0  }
0xae: {  	s6 =	sshll.u32 s28, $0x1;
	[dreg:$0x2] =	wrdreg s4  }
0xaf: {  	[dreg:$0x3] =	wrdreg s6  }
0xb0: {  	[dreg:$0x4] =	wrdreg $0xC0  }
0xb1: {  	_ =	task [dreg:s8], $0x5FFFF  }
0xb2: {  	[dreg:$0x1] =	wrdreg $0xFFFFFFFF  }
0xb3: {  	[dreg:$0x0] =	wrdreg $0x60  }
0xb4: {  	[dreg:$0x2] =	wrdreg s16  }
0xb5: {  	[dreg:$0x3] =	wrdreg s15  }
0xb6: {  	[dreg:$0x4] =	wrdreg s24  }
0xb7: {  	[dreg:$0x5] =	wrdreg $0xDE800  }
0xb8: {  	[dreg:$0x6] =	wrdreg $0x9  }
0xb9: {  	_ =	task.clear_ibuf [dreg:s8], $0x7FFFF;
	_ =	strace $0x90000051  }
0xba: {  	s29 =	simm.s32 $0x9;
	_ =	strace $0x8000005B  }
0xbb: {  	_ =	swait.ge [sflag:s29], $0x1  }
0xbc: {  	[sflag:s29] =	ssyncadd.s32 $0xFFFFFFFF  }
0xbd: {  	_ =	strace $0x9000005B  }
0xbe: {  	_ =	sfence  }
0xbf: {  	s30 =	sld [smem:$0x0];
	_ =	sdelay $0x2  }
0xc0: {  	s31 =	sshll.u32 s1, $0xD;
	s1 =	sshrl.u32 s1, $0x2  }
0xc1: {  	s3 =	sand.u32 $0x4000, s31;
	s1 =	sadd.s32 s1, s30  }
0xc2: {  	s0 =	sor.u32 s3, s0;
	s1 =	sshll.u32 s1, $0x11  }
0xc3: {  	s0 =	sor.u32 s1, s0  }
0xc4: {  	s0 =	sadd.s32 $0x8F2B, s0  }
0xc5: {  	[sflag:s0] =	ssyncadd.remote.s32 $0x1  }
0xc6: {  	_ =	sfence.sel $0xFFFF  }
0xc7: {  	[dreg:$0x0] =	wrdreg $0xFFFFFFFF;
	(pc) =	sbr.abs _section_cstart, $3  }
0xc8: {  	[dreg:$0x1] =	wrdreg $0xFFFFFFFF  }
0xc9: {  	_ =	task.clear_ibuf [dreg:s8], $0x2FFFF;
	_ =	strace $0x9FFFFFFF  }
0xca: {  	(tm) =	ssettm $0x7FFFFFFF  }
0xcb: {  	_ =	shalt  }
tec
execute0_lowered:
.L_overlay_start_1:
0x0: {  	(tag) =	ssettag $0x1  }
0x1: {  	s1 =	rddreg [dreg:$0x0]  }
0x2: {  	s6 =	rddreg [dreg:$0x1]  }
0x3: {  	s5 =	rddreg [dreg:$0x2]  }
0x4: {  	s3 =	rddreg [dreg:$0x3]  }
0x5: {  	s0 =	rddreg [dreg:$0x4]  }
0x6: {  	s7 =	srdreg.scid;
	s2 =	stileid.u32  }
0x7: {  	s4 =	simm.s32 $0x0;
	s14 =	simm.s32 $0x1;
	s15 =	simm.s32 $0x2  }
0x8: {  	s16 =	simm.s32 $0x3;
	s17 =	simm.s32 $0x1480;
	s18 =	simm.s32 $0x7980  }
0x9: {  	s19 =	simm.s32 $0xA280;
	s20 =	simm.s32 $0x6;
	s21 =	simm.s32 $0x8E00  }
0xa: {  	s22 =	simm.s32 $0x4;
	s23 =	simm.s32 $0x5;
	s24 =	simm.s32 $0x7  }
0xb: {  	s25 =	simm.s32 $0x0;
	s7 =	sand.u32 $0x1, s7;
	s8 =	smul.u32 $0x2710, s2  }
0xc: {  	[smem:$0x7FF] =	sst s4;
	s9 =	smul.u32 $0x27100, s7;
	s10 =	sshll.u32 s7, $0x4  }
0xd: {  	_ =	strace $0x80000052;
	s7 =	ssub.s32 $0x2, s7;
	s10 =	sor.u32 s2, s10  }
0xe: {  	s12 =	sshrl.u32 s7, $0x1;
	s9 =	sadd.s32 s8, s9;
	s11 =	smul.u32 $0x4E00, s10  }
0xf: {  	s13 =	smul.u32 $0x9C0, s10;
	s12 =	ssub.s32 s7, s12;
	p0 =	seq.s32 s10, $0x1F  }
.Ltmp0:
0x10: {  	s7 =	sadd.s32 s8, s3;
	s8 =	simm.s32 $0x21;
	(pc) =	sbr.rel .LBB2_1-.Ltmp0, $4  }
0x11: {  	s9 =	sshrl.u32 s9, $0x3;
	s8 =	simm.s32 @!p0 $0x20;
	s10 =	smax.u32 s12, $0x1  }
0x12: {  	s12 =	simm.s32 $0x5080;
	s9 =	sadd.s32 s9, s5;
	s31 =	sshrl.u32 s11, $0x3  }
0x13: {  	s5 =	sadd.s32 s6, s13;
	s11 =	simm.s32 $0x2780;
	s6 =	sadd.s32 s6, s31  }
0x14: {  	v0 =	vimm.f32 $0.0e+00;
	v1 =	vimm.f32 $1.000000000e+00;
	v2 =	vimm.s32 $0x27100;
	s13 =	simm.s32 $0xB700;
	s9 =	sadd.s32 $0x2C00, s9;
	s6 =	sadd.s32 $0x520, s6  }
.LBB2_12:
0x15: {  	_ =	strace $0x90000057  }
0x16: {  	[spmem:s3] =	stream.indirect.scatter.add.f32 [tilespmem:s19], [sflag:$0x5], $0x1, s21, s17, $0xb8;
	[tilespmem:$0x10598] =	vst v63  }
0x17: {  	_ =	strace $0x80000058  }
0x18: {  	_ =	swait.ge [sflag:s22], $0x1480  }
0x19: {  	[sflag:s22] =	ssyncset.done $0x0  }
0x1a: {  	[sflag:s22] =	ssyncadd.s32 $0xFFFFEB80  }
0x1b: {  	_ =	swait.ge [sflag:s23], $0x1480  }
0x1c: {  	[sflag:s23] =	ssyncset.done $0x0  }
0x1d: {  	[sflag:s23] =	ssyncadd.s32 $0xFFFFEB80  }
0x1e: {  	_ =	strace $0x90000058  }
0x1f: {  	_ =	strace $0x80000059  }
0x20: {  	[bflag:$0x0] =	sbarrier.arrive $0xFFFF  }
0x21: {  	_ =	strace $0x90000059  }
0x22: {  	_ =	strace $0x8000005A  }
0x23: {  	[tilespmem:s13], [sflag:$0x7] =	stream.linear.gather [spmem:s7], $0x2710, $0x200038;
	[tilespmem:$0x10598] =	vst v63  }
0x24: {  	_ =	swait.ge [sflag:s24], $0x2710  }
0x25: {  	s25 =	sadd.s32 $0x1, s25;
	[sflag:s24] =	ssyncset.done $0x0  }
0x26: {  	p1 =	sne.s32 s25, s10;
	[sflag:s24] =	ssyncadd.s32 $0xFFFFD8F0  }
0x27: {  	[hbm4b:s9+s4] =	stream.linear.scatter [tilespmem:s13], [sflag:$0x7], $0x2710, $0x200038;
	[tilespmem:$0x10598] =	vst v63  }
.Ltmp1:
0x28: {  	_ = 	snop;
	(pc) =	sbr.rel @!p1 .LBB2_13-.Ltmp1, $4  }
0x29: {  	_ =	swait.ge [sflag:s24], $0x2710  }
0x2a: {  	[sflag:s24] =	ssyncset.done $0x0  }
0x2b: {  	[sflag:s24] =	ssyncadd.s32 $0xFFFFD8F0  }
0x2c: {  	_ =	strace $0x9000005A  }
.LBB2_1:
0x2d: {  	[tilespmem:s4], [sflag:$0x1] =	stream.linear.gather [hbm4b:s1+s4], $0x2780, $0x38;
	[tilespmem:$0x10598] =	vst v63  }
0x2e: {  	_ = 	snop  }
0x2f: {  	[tilespmem:s11], [sflag:$0x2] =	stream.linear.gather [hbm4b:s5+s4], $0x2900, $0x38;
	[tilespmem:$0x10598] =	vst v63  }
0x30: {  	s26 =	simm.s32 $0xB740  }
0x31: {  	[tilespmem:s12], [sflag:$0x6] =	stream.linear.gather [hbm4b:s6+s4], $0x2900, $0x38;
	[tilespmem:$0x10598] =	vst v63  }
0x32: {  	[tilespmem:s26+$0xFFFFFFC0] =	vst v0  }
0x33: {  	[tilespmem:s26+$0x30] =	vst v0  }
0x34: {  	[tilespmem:s26+$0x20] =	vst v0  }
0x35: {  	[tilespmem:s26+$0x10] =	vst v0  }
0x36: {  	[tilespmem:s26+$0x0] =	vst v0  }
0x37: {  	[tilespmem:s26+$0xFFFFFFF0] =	vst v0  }
0x38: {  	s28 =	simm.s32 $0x0;
	[tilespmem:s26+$0xFFFFFFE0] =	vst v0  }
.LBB2_2:
0x39: {  	s28 =	sadd.s32 $0x8, s28;
	[tilespmem:s26+$0xFFFFFFD0] =	vst v0;
	s26 =	sadd.s32 $0x80, s26  }
0x3a: {  	[tilespmem:s26+$0xFFFFFFC0] =	vst v0;
	p1 =	slt.u32 s28, $0x268  }
0x3b: {  	[tilespmem:s26+$0x30] =	vst v0  }
.Ltmp2:
0x3c: {  	[tilespmem:s26+$0x20] =	vst v0;
	(pc) =	sbr.rel @p1 .LBB2_2-.Ltmp2, $4  }
0x3d: {  	[tilespmem:s26+$0x10] =	vst v0  }
0x3e: {  	[tilespmem:s26+$0x0] =	vst v0  }
0x3f: {  	[tilespmem:s26+$0xFFFFFFF0] =	vst v0  }
0x40: {  	[tilespmem:s26+$0xFFFFFFE0] =	vst v0  }
0x41: {  	[tilespmem:s26+$0xFFFFFFD0] =	vst v0  }
0x42: {  	s26 =	simm.s32 $0xA2C0;
	[tilespmem:$0xDE00] =	vst v0  }
0x43: {  	[spmem:s7] =	stream.linear.scatter [tilespmem:s13], [sflag:$0x3], $0x2710, $0x38;
	[tilespmem:$0x10598] =	vst v63  }
0x44: {  	[tilespmem:s26+$0xFFFFFFC0] =	vst v1  }
0x45: {  	[tilespmem:s26+$0x30] =	vst v1  }
0x46: {  	[tilespmem:s26+$0x20] =	vst v1  }
0x47: {  	[tilespmem:s26+$0x10] =	vst v1  }
0x48: {  	[tilespmem:s26+$0x0] =	vst v1  }
0x49: {  	[tilespmem:s26+$0xFFFFFFF0] =	vst v1  }
0x4a: {  	s28 =	simm.s32 $0x0;
	[tilespmem:s26+$0xFFFFFFE0] =	vst v1  }
.LBB2_4:
0x4b: {  	s28 =	sadd.s32 $0x8, s28;
	[tilespmem:s26+$0xFFFFFFD0] =	vst v1;
	s26 =	sadd.s32 $0x80, s26  }
0x4c: {  	[tilespmem:s26+$0xFFFFFFC0] =	vst v1;
	p1 =	slt.u32 s28, $0x140  }
0x4d: {  	[tilespmem:s26+$0x30] =	vst v1  }
.Ltmp3:
0x4e: {  	[tilespmem:s26+$0x20] =	vst v1;
	(pc) =	sbr.rel @p1 .LBB2_4-.Ltmp3, $4  }
0x4f: {  	[tilespmem:s26+$0x10] =	vst v1  }
0x50: {  	[tilespmem:s26+$0x0] =	vst v1  }
0x51: {  	[tilespmem:s26+$0xFFFFFFF0] =	vst v1  }
0x52: {  	[tilespmem:s26+$0xFFFFFFE0] =	vst v1  }
0x53: {  	[tilespmem:s26+$0xFFFFFFD0] =	vst v1  }
0x54: {  	_ =	strace $0x80000053  }
0x55: {  	_ =	swait.ge [sflag:s14], $0x2780  }
0x56: {  	[sflag:s14] =	ssyncset.done $0x0  }
0x57: {  	[sflag:s14] =	ssyncadd.s32 $0xFFFFD880  }
0x58: {  	_ =	swait.ge [sflag:s15], $0x2900  }
0x59: {  	[sflag:s15] =	ssyncset.done $0x0  }
0x5a: {  	[sflag:s15] =	ssyncadd.s32 $0xFFFFD700  }
0x5b: {  	_ =	strace $0x90000053  }
0x5c: {  	s29 =	simm.s32 $0x2800;
	_ =	strace $0x80000054  }
0x5d: {  	v3 =	vld [tilespmem:s29+$0xFFFFFFF0]  }
0x5e: {  	v4 =	vld [tilespmem:s29+$0xFFFFFF90]  }
0x5f: {  	v5 =	vld [tilespmem:s29+$0xFFFFFFA0]  }
0x60: {  	v6 =	vld [tilespmem:s29+$0xFFFFFFB0]  }
0x61: {  	v7 =	vld [tilespmem:s29+$0xFFFFFFC0]  }
0x62: {  	v8 =	vld [tilespmem:s29+$0xFFFFFFD0]  }
0x63: {  	v9 =	vld [tilespmem:s29+$0xFFFFFFE0]  }
0x64: {  	v10 =	vld [tilespmem:s29+$0xFFFFFF80]  }
0x65: {  	v11 =	vld [tilespmem:s29+$0x70]  }
0x66: {  	v15 =	vld [tilespmem:s29+$0x0]  }
0x67: {  	v16 =	vld [tilespmem:s29+$0x10]  }
0x68: {  	v3 =	vld.idx.msk [tilespmem:v3+s4+$0x0], $0xffff  }
0x69: {  	v4 =	vld.idx.msk [tilespmem:v4+s4+$0x0], $0xffff  }
0x6a: {  	v5 =	vld.idx.msk [tilespmem:v5+s4+$0x0], $0xffff  }
0x6b: {  	v12 =	vld.idx.msk [tilespmem:v6+s4+$0x0], $0xffff  }
0x6c: {  	v13 =	vld.idx.msk [tilespmem:v7+s4+$0x0], $0xffff  }
0x6d: {  	v7 =	vld.idx.msk [tilespmem:v10+s4+$0x0], $0xffff  }
0x6e: {  	v8 =	vld.idx.msk [tilespmem:v8+s4+$0x0], $0xffff  }
0x6f: {  	v14 =	vld.idx.msk [tilespmem:v9+s4+$0x0], $0xffff  }
0x70: {  	v9 =	vld [tilespmem:s29+$0x20];
	v10 =	vmul.u32 $0x2710, v3  }
0x71: {  	v6 =	vld [tilespmem:s29+$0x30];
	v17 =	vmul.u32 $0x2710, v4  }
0x72: {  	v3 =	vmul.u32 $0x2710, v5;
	v19 =	vmul.u32 $0x2710, v7;
	v18 =	vadd.s32 v11, v10;
	v10 =	vld [tilespmem:s29+$0x40]  }
0x73: {  	s26 =	simm.s32 $0x79C0;
	v7 =	vmul.u32 $0x2710, v12;
	v5 =	vmul.u32 $0x2710, v13;
	v4 =	vmul.u32 $0x2710, v8;
	v11 =	vld [tilespmem:s29+$0x50]  }
0x74: {  	s28 =	simm.s32 $0x0;
	v8 =	vmul.u32 $0x2710, v14;
	v12 =	vld [tilespmem:s29+$0x60];
	v14 =	vadd.s32 v15, v19;
	v13 =	vadd.s32 v16, v17;
	s29 =	simm.s32 $0x2900;
	[tilespmem:s26+$0x30] =	vst v18  }
.LBB2_6:
0x75: {  	v15 =	vld [tilespmem:s29+$0xFFFFFFF0];
	s28 =	sadd.s32 $0x8, s28;
	[tilespmem:s26+$0xFFFFFFC0] =	vst v14;
	v3 =	vadd.s32 v9, v3  }
0x76: {  	v9 =	vld [tilespmem:s29+$0xFFFFFF90];
	p1 =	slt.u32 s28, $0x140;
	[tilespmem:s26+$0xFFFFFFD0] =	vst v13;
	v6 =	vadd.s32 v6, v7  }
0x77: {  	v7 =	vld [tilespmem:s29+$0xFFFFFFA0];
	[tilespmem:s26+$0xFFFFFFE0] =	vst v3;
	v3 =	vadd.s32 v10, v5  }
0x78: {  	v5 =	vld [tilespmem:s29+$0xFFFFFFB0];
	[tilespmem:s26+$0xFFFFFFF0] =	vst v6;
	v4 =	vadd.s32 v11, v4  }
0x79: {  	v6 =	vld [tilespmem:s29+$0xFFFFFFC0];
	[tilespmem:s26+$0x0] =	vst v3;
	v3 =	vadd.s32 v12, v8  }
0x7a: {  	v8 =	vld [tilespmem:s29+$0xFFFFFFD0];
	[tilespmem:s26+$0x10] =	vst v4  }
0x7b: {  	v4 =	vld [tilespmem:s29+$0xFFFFFFE0];
	[tilespmem:s26+$0x20] =	vst v3  }
0x7c: {  	v3 =	vld [tilespmem:s29+$0xFFFFFF80]  }
0x7d: {  	v10 =	vld.idx.msk [tilespmem:v15+s4+$0x0], $0xffff  }
0x7e: {  	v9 =	vld.idx.msk [tilespmem:v9+s4+$0x0], $0xffff  }
0x7f: {  	v7 =	vld.idx.msk [tilespmem:v7+s4+$0x0], $0xffff  }
0x80: {  	v11 =	vld [tilespmem:s29+$0x70]  }
0x81: {  	v5 =	vld.idx.msk [tilespmem:v5+s4+$0x0], $0xffff  }
0x82: {  	v6 =	vld.idx.msk [tilespmem:v6+s4+$0x0], $0xffff  }
0x83: {  	v10 =	vmul.u32 $0x2710, v10;
	v8 =	vld.idx.msk [tilespmem:v8+s4+$0x0], $0xffff  }
0x84: {  	v13 =	vmul.u32 $0x2710, v9;
	v12 =	vld.idx.msk [tilespmem:v3+s4+$0x0], $0xffff  }
0x85: {  	s26 =	sadd.s32 $0x80, s26;
	v3 =	vmul.u32 $0x2710, v7;
	v14 =	vld.idx.msk [tilespmem:v4+s4+$0x0], $0xffff;
	v4 =	vadd.s32 v11, v10  }
0x86: {  	v15 =	vld [tilespmem:s29+$0x0];
	[tilespmem:s26+$0x30] =	vst v4  }
0x87: {  	v7 =	vmul.u32 $0x2710, v5;
	v16 =	vld [tilespmem:s29+$0x10]  }
.Ltmp4:
0x88: {  	v5 =	vmul.u32 $0x2710, v6;
	v9 =	vld [tilespmem:s29+$0x20];
	(pc) =	sbr.rel @p1 .LBB2_6-.Ltmp4, $4  }
0x89: {  	v4 =	vmul.u32 $0x2710, v8;
	v6 =	vld [tilespmem:s29+$0x30]  }
0x8a: {  	v12 =	vmul.u32 $0x2710, v12;
	v10 =	vld [tilespmem:s29+$0x40]  }
0x8b: {  	v8 =	vmul.u32 $0x2710, v14;
	v11 =	vld [tilespmem:s29+$0x50]  }
0x8c: {  	v14 =	vadd.s32 v15, v12;
	v13 =	vadd.s32 v16, v13;
	v12 =	vld [tilespmem:s29+$0x60];
	s29 =	sadd.s32 $0x100, s29  }
0x8d: {  	[tilespmem:s26+$0xFFFFFFC0] =	vst v14  }
0x8e: {  	v3 =	vadd.s32 v9, v3;
	[tilespmem:s26+$0xFFFFFFD0] =	vst v13  }
0x8f: {  	v6 =	vadd.s32 v6, v7;
	[tilespmem:s26+$0xFFFFFFE0] =	vst v3  }
0x90: {  	v3 =	vadd.s32 v10, v5;
	[tilespmem:s26+$0xFFFFFFF0] =	vst v6  }
0x91: {  	v4 =	vadd.s32 v11, v4;
	[tilespmem:s26+$0x0] =	vst v3  }
0x92: {  	v3 =	vadd.s32 v12, v8;
	[tilespmem:s26+$0x10] =	vst v4  }
0x93: {  	[tilespmem:s26+$0x20] =	vst v3  }
0x94: {  	_ =	strace $0x90000054  }
0x95: {  	_ =	strace $0x80000055  }
0x96: {  	_ =	swait.ge [sflag:s16], $0x2710  }
0x97: {  	[sflag:s16] =	ssyncset.done $0x0  }
0x98: {  	[sflag:s16] =	ssyncadd.s32 $0xFFFFD8F0  }
0x99: {  	[bflag:$0x0] =	sbarrier.arrive $0xFFFF  }
0x9a: {  	_ =	strace $0x90000055  }
0x9b: {  	[spmem:s3] =	stream.indirect.scatter.add.f32 [tilespmem:s19], [sflag:$0x4], $0x1, s18, s17, $0xb8;
	[tilespmem:$0x10598] =	vst v63  }
0x9c: {  	_ =	strace $0x80000056  }
0x9d: {  	_ =	swait.ge [sflag:s20], $0x2900  }
0x9e: {  	[sflag:s20] =	ssyncset.done $0x0  }
0x9f: {  	[sflag:s20] =	ssyncadd.s32 $0xFFFFD700  }
0xa0: {  	_ =	strace $0x90000056  }
0xa1: {  	s29 =	simm.s32 $0x5170;
	_ =	strace $0x80000057  }
0xa2: {  	v3 =	vld [tilespmem:s29+$0xFFFFFF80]  }
0xa3: {  	v4 =	vld [tilespmem:s29+$0xFFFFFF20]  }
0xa4: {  	v5 =	vld [tilespmem:s29+$0xFFFFFF30]  }
0xa5: {  	v6 =	vld [tilespmem:s29+$0xFFFFFF40]  }
0xa6: {  	v7 =	vld [tilespmem:s29+$0xFFFFFF50]  }
0xa7: {  	v8 =	vld [tilespmem:s29+$0xFFFFFF60]  }
0xa8: {  	v9 =	vld [tilespmem:s29+$0xFFFFFF70]  }
0xa9: {  	v10 =	vld [tilespmem:s29+$0xFFFFFF10]  }
0xaa: {  	v11 =	vld [tilespmem:s29+$0x0]  }
0xab: {  	v15 =	vld [tilespmem:s29+$0xFFFFFF90]  }
0xac: {  	v16 =	vld [tilespmem:s29+$0xFFFFFFA0]  }
0xad: {  	v3 =	vld.idx.msk [tilespmem:v3+s4+$0x0], $0xffff  }
0xae: {  	v4 =	vld.idx.msk [tilespmem:v4+s4+$0x0], $0xffff  }
0xaf: {  	v5 =	vld.idx.msk [tilespmem:v5+s4+$0x0], $0xffff  }
0xb0: {  	v12 =	vld.idx.msk [tilespmem:v6+s4+$0x0], $0xffff  }
0xb1: {  	v13 =	vld.idx.msk [tilespmem:v7+s4+$0x0], $0xffff  }
0xb2: {  	v7 =	vld.idx.msk [tilespmem:v10+s4+$0x0], $0xffff  }
0xb3: {  	v8 =	vld.idx.msk [tilespmem:v8+s4+$0x0], $0xffff  }
0xb4: {  	v14 =	vld.idx.msk [tilespmem:v9+s4+$0x0], $0xffff  }
0xb5: {  	v9 =	vld [tilespmem:s29+$0xFFFFFFB0];
	v10 =	vmul.u32 $0x2710, v3  }
0xb6: {  	v6 =	vld [tilespmem:s29+$0xFFFFFFC0];
	v17 =	vmul.u32 $0x2710, v4  }
0xb7: {  	v3 =	vmul.u32 $0x2710, v5;
	v19 =	vmul.u32 $0x2710, v7;
	v18 =	vadd.s32 v11, v10;
	v10 =	vld [tilespmem:s29+$0xFFFFFFD0]  }
0xb8: {  	s26 =	simm.s32 $0x8E40;
	v7 =	vmul.u32 $0x2710, v12;
	v5 =	vmul.u32 $0x2710, v13;
	v4 =	vmul.u32 $0x2710, v8;
	v11 =	vld [tilespmem:s29+$0xFFFFFFE0]  }
0xb9: {  	s28 =	simm.s32 $0x0;
	v8 =	vmul.u32 $0x2710, v14;
	v12 =	vld [tilespmem:s29+$0xFFFFFFF0];
	v14 =	vadd.s32 v15, v19;
	v13 =	vadd.s32 v16, v17;
	s29 =	simm.s32 $0x5270;
	[tilespmem:s26+$0x30] =	vst v18  }
.LBB2_8:
0xba: {  	v15 =	vld [tilespmem:s29+$0xFFFFFF80];
	s28 =	sadd.s32 $0x8, s28;
	[tilespmem:s26+$0xFFFFFFC0] =	vst v14;
	v3 =	vadd.s32 v9, v3  }
0xbb: {  	v9 =	vld [tilespmem:s29+$0xFFFFFF20];
	p1 =	slt.u32 s28, $0x140;
	[tilespmem:s26+$0xFFFFFFD0] =	vst v13;
	v6 =	vadd.s32 v6, v7  }
0xbc: {  	v7 =	vld [tilespmem:s29+$0xFFFFFF30];
	[tilespmem:s26+$0xFFFFFFE0] =	vst v3;
	v3 =	vadd.s32 v10, v5  }
0xbd: {  	v5 =	vld [tilespmem:s29+$0xFFFFFF40];
	[tilespmem:s26+$0xFFFFFFF0] =	vst v6;
	v4 =	vadd.s32 v11, v4  }
0xbe: {  	v6 =	vld [tilespmem:s29+$0xFFFFFF50];
	[tilespmem:s26+$0x0] =	vst v3;
	v3 =	vadd.s32 v12, v8  }
0xbf: {  	v8 =	vld [tilespmem:s29+$0xFFFFFF60];
	[tilespmem:s26+$0x10] =	vst v4  }
0xc0: {  	v4 =	vld [tilespmem:s29+$0xFFFFFF70];
	[tilespmem:s26+$0x20] =	vst v3  }
0xc1: {  	v3 =	vld [tilespmem:s29+$0xFFFFFF10]  }
0xc2: {  	v10 =	vld.idx.msk [tilespmem:v15+s4+$0x0], $0xffff  }
0xc3: {  	v9 =	vld.idx.msk [tilespmem:v9+s4+$0x0], $0xffff  }
0xc4: {  	v7 =	vld.idx.msk [tilespmem:v7+s4+$0x0], $0xffff  }
0xc5: {  	v11 =	vld [tilespmem:s29+$0x0]  }
0xc6: {  	v5 =	vld.idx.msk [tilespmem:v5+s4+$0x0], $0xffff  }
0xc7: {  	v6 =	vld.idx.msk [tilespmem:v6+s4+$0x0], $0xffff  }
0xc8: {  	v10 =	vmul.u32 $0x2710, v10;
	v8 =	vld.idx.msk [tilespmem:v8+s4+$0x0], $0xffff  }
0xc9: {  	v13 =	vmul.u32 $0x2710, v9;
	v12 =	vld.idx.msk [tilespmem:v3+s4+$0x0], $0xffff  }
0xca: {  	s26 =	sadd.s32 $0x80, s26;
	v3 =	vmul.u32 $0x2710, v7;
	v14 =	vld.idx.msk [tilespmem:v4+s4+$0x0], $0xffff;
	v4 =	vadd.s32 v11, v10  }
0xcb: {  	v15 =	vld [tilespmem:s29+$0xFFFFFF90];
	[tilespmem:s26+$0x30] =	vst v4  }
0xcc: {  	v7 =	vmul.u32 $0x2710, v5;
	v16 =	vld [tilespmem:s29+$0xFFFFFFA0]  }
.Ltmp5:
0xcd: {  	v5 =	vmul.u32 $0x2710, v6;
	v9 =	vld [tilespmem:s29+$0xFFFFFFB0];
	(pc) =	sbr.rel @p1 .LBB2_8-.Ltmp5, $4  }
0xce: {  	v4 =	vmul.u32 $0x2710, v8;
	v6 =	vld [tilespmem:s29+$0xFFFFFFC0]  }
0xcf: {  	v12 =	vmul.u32 $0x2710, v12;
	v10 =	vld [tilespmem:s29+$0xFFFFFFD0]  }
0xd0: {  	v8 =	vmul.u32 $0x2710, v14;
	v11 =	vld [tilespmem:s29+$0xFFFFFFE0]  }
0xd1: {  	v14 =	vadd.s32 v15, v12;
	v13 =	vadd.s32 v16, v13;
	v12 =	vld [tilespmem:s29+$0xFFFFFFF0];
	s29 =	sadd.s32 $0x100, s29  }
0xd2: {  	[tilespmem:s26+$0xFFFFFFC0] =	vst v14  }
0xd3: {  	v3 =	vadd.s32 v9, v3;
	[tilespmem:s26+$0xFFFFFFD0] =	vst v13  }
.Ltmp6:
0xd4: {  	v6 =	vadd.s32 v6, v7;
	[tilespmem:s26+$0xFFFFFFE0] =	vst v3;
	(pc) =	sbr.rel @p0 .LBB2_12-.Ltmp6, $4  }
0xd5: {  	v3 =	vadd.s32 v10, v5;
	[tilespmem:s26+$0xFFFFFFF0] =	vst v6  }
0xd6: {  	v4 =	vadd.s32 v11, v4;
	[tilespmem:s26+$0x0] =	vst v3  }
0xd7: {  	v3 =	vadd.s32 v12, v8;
	[tilespmem:s26+$0x10] =	vst v4  }
0xd8: {  	[tilespmem:s26+$0x20] =	vst v3;
	s26 =	simm.s32 $0xA080  }
0xd9: {  	p1 =	sne.s32 s8, $0x1  }
.Ltmp7:
0xda: {  	_ = 	snop;
	(pc) =	sbr.rel @!p1 .LBB2_12-.Ltmp7, $2  }
0xdb: {  	_ =	sdelay $0x2  }
0xdc: {  	s28 =	sadd.s32 $0xFFFFFFFF, s8;
	[tilespmem:s26+$0x0] =	vst v2  }
.LBB2_11:
0xdd: {  	p1 =	sne.s32 s28, $0x1  }
.Ltmp8:
0xde: {  	_ = 	snop;
	(pc) =	sbr.rel @p1 .LBB2_11-.Ltmp8, $3  }
0xdf: {  	_ =	sdelay $0x1  }
0xe0: {  	s28 =	sadd.s32 $0xFFFFFFFF, s28;
	s26 =	sadd.s32 $0x10, s26  }
0xe1: {  	[tilespmem:s26+$0x0] =	vst v2  }
.Ltmp9:
0xe2: {  	_ = 	snop;
	(pc) =	sbr.rel .LBB2_12-.Ltmp9, $1  }
0xe3: {  	_ =	sdelay $0x3  }
.LBB2_13:
0xe4: {  	_ =	sfence.sel $0x180000  }
0xe5: {  	[bflag:$0x0] =	sbarrier.arrive $0xFFFF  }
0xe6: {  	p0 =	sne.s32 s2, $0x0;
	_ =	strace $0x90000052  }
0xe7: {  	s0 =	sadd.s32 @!p0 $0x100000, s0;
	[bflag:$0x2] =	sbarrier.arrive $0xFFFF  }
0xe8: {  	[sflag:s0] =	ssyncadd.tile.s32 @!p0 $0x1;
	_ =	shalt  }
.Lfunc_end2:
_tile_overlayer_lowered:
.L_overlay_start_2:
0xe9: {  	(tag) =	ssettag $0x2  }
0xea: {  	s0 =	rddreg [dreg:$0x0];
	s2 =	stileid.u32  }
0xeb: {  	s1 =	rddreg [dreg:$0x1];
	p0 =	sne.s32 s2, $0x0  }
0xec: {  	s3 =	rddreg [dreg:$0x2];
	[bflag:$0x3] =	sbarrier.arrive $0xFFFF;
	s2 =	simm.s32 @!p0 $0x1C07  }
0xed: {  	[timem:s3], [sflag:s2] =	dma.local @!p0 [hbm:s0], s1  }
0xee: {  	s0 =	simm.s32 @!p0 $0x7  }
0xef: {  	_ =	swait.ge @!p0 [sflag:s0], s1  }
0xf0: {  	s1 =	ssub.s32 @!p0 $0x0, s1;
	[sflag:s0] =	ssyncset.done @!p0 $0x0  }
0xf1: {  	[sflag:s0] =	ssyncadd.s32 @!p0 s1  }
0xf2: {  	[bflag:$0x3] =	sbarrier.arrive $0xFFFF  }
0xf3: {  	_ =	shalt  }

// kernel: kernel.15.cloned.1.call-start
scs
__scs_entry_jumppad:
0x0: {  	(pc) =	sbr.rel $0x88, $3  }
0x1: {  	(tag) =	ssettag $0x0;
	lr =	simm.s32 $0x1  }
0x2: {  	[smem:$0x3F99] =	sst lr;
	_ =	strace $0xD0000000  }
0x3: {  	_ = 	snop  }
0x4: {  	_ = 	snop  }
0x5: {  	_ = 	snop  }
0x6: {  	_ = 	snop  }
0x7: {  	_ = 	snop  }
__scs_overlays_trampoline_lowered:
0x8: {  	[smem:$0x3FA8] =	sst s0  }
0x9: {  	[smem:$0x3FA9] =	sst s1  }
0xa: {  	[smem:$0x3FAA] =	sst s2  }
0xb: {  	[smem:$0x3FAB] =	sst s3  }
0xc: {  	[smem:$0x3FAC] =	sst s4  }
0xd: {  	[smem:$0x3FAD] =	sst s5  }
0xe: {  	[smem:$0x3FAE] =	sst s6  }
0xf: {  	[smem:$0x3FAF] =	sst s7  }
0x10: {  	[smem:$0x3FB0] =	sst s8  }
0x11: {  	[smem:$0x3FB1] =	sst s9;
	s0 =	simm.s32 @!p0 $0x0  }
0x12: {  	s1 =	sld [smem:$0x3F97];
	s0 =	simm.s32 @p0 $0x1  }
0x13: {  	[smem:$0x3FB2] =	sst s0;
	s0 =	simm.s32 @!p1 $0x0  }
0x14: {  	s2 =	sld [smem:$0x3F96];
	s0 =	simm.s32 @p1 $0x1  }
0x15: {  	[smem:$0x3FB3] =	sst s0;
	s0 =	simm.s32 @!p2 $0x0  }
0x16: {  	s3 =	sld [smem:$0x3FDB];
	s0 =	simm.s32 @p2 $0x1  }
0x17: {  	s4 =	simm.s32 $0x1BF5;
	[smem:$0x3FB5] =	sst s0  }
0x18: {  	s0 =	sld [smem:$0x3F98];
	_ =	swait.ge [sflag:s4], $0x0  }
0x19: {  	s7 =	sld [smem:$0x3F99]  }
0x1a: {  	s8 =	sadd.s32 $0xFFFFE003, lr  }
0x1b: {  	s9 =	sadd.s32 $0xFFFFFEF7, lr;
	s5 =	simm.s32 $0xFFFFFFFF;
	p2 =	slt.u32 s8, $0xFFFFF086  }
0x1c: {  	p1 =	slt.u32 s9, $0xF7A;
	s5 =	simm.s32 @!p2 $0x0  }
0x1d: {  	s5 =	simm.s32 @p1 $0x1;
	p0 =	seq.s32 s7, s2  }
0x1e: {  	s7 =	smul.u32 @!p0 $0xF7A, s2;
	p2 =	seq.s32 @!p0 s5, $0x0  }
0x1f: {  	s9 =	smul.u32 $0xF7A, s1;
	s8 =	simm.s32 @!p0 $0x1BF5;
	p2 =	por !p2, p0  }
0x20: {  	[sflag:s8] =	ssyncset.s32 @!p0 $0xFFFFF086;
	s6 =	sadd.s32 @!p0 s3, s7;
	s7 =	simm.s32 @!p0 $0x108  }
0x21: {  	s3 =	sadd.s32 s3, s9;
	s6 =	sadd.s32 @!p0 $0x88, s6;
	s7 =	simm.s32 @p2 $0x1082  }
0x22: {  	[simem:s7], [sflag:s8] =	dma.local @!p0 [hbm:s6], $0xF7A  }
0x23: {  	s9 =	sor.u32 $0xD0000000, s2;
	s6 =	simm.s32 $0x108;
	_ =	swait.ge @!p0 [sflag:s8], $0x0  }
0x24: {  	s3 =	sadd.s32 $0x88, s3;
	s6 =	simm.s32 @!p1 $0x1082;
	[sflag:s4] =	ssyncset.s32 $0xFFFFF086  }
0x25: {  	[simem:s6], [sflag:s4] =	dma.local [hbm:s3], $0xF7A  }
0x26: {  	[smem:$0x3F99] =	sst s1;
	(tag) =	ssettag s2;
	_ =	strace s9  }
0x27: {  	s1 =	sld [smem:$0x3FA9]  }
0x28: {  	s2 =	sld [smem:$0x3FAA]  }
0x29: {  	s4 =	sld [smem:$0x3FAC]  }
0x2a: {  	p0 =	seq.s32 s5, $0x0;
	s5 =	sld [smem:$0x3FAD]  }
0x2b: {  	s6 =	sld [smem:$0x3FAE]  }
0x2c: {  	s7 =	sld [smem:$0x3FAF]  }
0x2d: {  	s3 =	simm.s32 $0x108;
	s8 =	sld [smem:$0x3FB0]  }
0x2e: {  	s3 =	simm.s32 @!p0 $0x1082;
	s9 =	sld [smem:$0x3FB1]  }
0x2f: {  	lr =	sadd.s32 s0, s3;
	s0 =	sld [smem:$0x3FA8]  }
0x30: {  	s3 =	sld [smem:$0x3FAB]  }
0x31: {  	[smem:$0x3FB4] =	sst s10  }
0x32: {  	s10 =	sld [smem:$0x3FB2];
	_ =	sdelay $0x3  }
0x33: {  	p0 =	seq.s32 s10, $0x1;
	s10 =	sld [smem:$0x3FB4];
	_ =	sdelay $0x3  }
0x34: {  	[smem:$0x3FB4] =	sst s10  }
0x35: {  	s10 =	sld [smem:$0x3FB3];
	_ =	sdelay $0x3  }
0x36: {  	p1 =	seq.s32 s10, $0x1;
	s10 =	sld [smem:$0x3FB4];
	_ =	sdelay $0x3  }
0x37: {  	[smem:$0x3FB4] =	sst s10  }
0x38: {  	s10 =	sld [smem:$0x3FB5]  }
0x39: {  	_ = 	snop;
	(pc) =	sbr.ind lr, $3  }
0x3a: {  	_ = 	snop  }
0x3b: {  	_ = 	snop  }
0x3c: {  	p2 =	seq.s32 s10, $0x1;
	s10 =	sld [smem:$0x3FB4]  }
0x3d: {  	_ =	shalt  }
0x3e: {  	_ =	shalt  }
0x3f: {  	_ =	shalt  }
0x40: {  	_ =	shalt  }
0x41: {  	_ =	shalt  }
0x42: {  	_ =	shalt  }
0x43: {  	_ =	shalt  }
0x44: {  	_ =	shalt  }
0x45: {  	_ =	shalt  }
0x46: {  	_ =	shalt  }
0x47: {  	_ =	shalt  }
0x48: {  	_ =	shalt  }
0x49: {  	_ =	shalt  }
0x4a: {  	_ =	shalt  }
0x4b: {  	_ =	shalt  }
0x4c: {  	_ =	shalt  }
0x4d: {  	_ =	shalt  }
0x4e: {  	_ =	shalt  }
0x4f: {  	_ =	shalt  }
0x50: {  	_ =	shalt  }
0x51: {  	_ =	shalt  }
0x52: {  	_ =	shalt  }
0x53: {  	_ =	shalt  }
0x54: {  	_ =	shalt  }
0x55: {  	_ =	shalt  }
0x56: {  	_ =	shalt  }
0x57: {  	_ =	shalt  }
0x58: {  	_ =	shalt  }
0x59: {  	_ =	shalt  }
0x5a: {  	_ =	shalt  }
0x5b: {  	_ =	shalt  }
0x5c: {  	_ =	shalt  }
0x5d: {  	_ =	shalt  }
0x5e: {  	_ =	shalt  }
0x5f: {  	_ =	shalt  }
0x60: {  	_ =	shalt  }
0x61: {  	_ =	shalt  }
0x62: {  	_ =	shalt  }
0x63: {  	_ =	shalt  }
0x64: {  	_ =	shalt  }
0x65: {  	_ =	shalt  }
0x66: {  	_ =	shalt  }
0x67: {  	_ =	shalt  }
0x68: {  	_ =	shalt  }
0x69: {  	_ =	shalt  }
0x6a: {  	_ =	shalt  }
0x6b: {  	_ =	shalt  }
0x6c: {  	_ =	shalt  }
0x6d: {  	_ =	shalt  }
0x6e: {  	_ =	shalt  }
0x6f: {  	_ =	shalt  }
0x70: {  	_ =	shalt  }
0x71: {  	_ =	shalt  }
0x72: {  	_ =	shalt  }
0x73: {  	_ =	shalt  }
0x74: {  	_ =	shalt  }
0x75: {  	_ =	shalt  }
0x76: {  	_ =	shalt  }
0x77: {  	_ =	shalt  }
0x78: {  	_ =	shalt  }
0x79: {  	_ =	shalt  }
0x7a: {  	_ =	shalt  }
0x7b: {  	_ =	shalt  }
0x7c: {  	_ =	shalt  }
0x7d: {  	_ =	shalt  }
0x7e: {  	_ =	shalt  }
0x7f: {  	_ =	shalt  }
0x80: {  	_ =	shalt  }
0x81: {  	_ =	shalt  }
0x82: {  	_ =	shalt  }
0x83: {  	_ =	shalt  }
0x84: {  	_ =	shalt  }
0x85: {  	_ =	shalt  }
0x86: {  	_ =	shalt  }
0x87: {  	_ =	shalt  }
.Lfunc_end0:
.L_simem_size_0:
called_computation.2_lowered:
.L_overlay_start_0:
0x88: {  	s2 =	sld [smem:$0x3FD9]  }
0x89: {  	s3 =	sld [smem:$0x3FFE];
	_ =	sdelay $0x1  }
0x8a: {  	s1 =	srdreg.scid  }
0x8b: {  	s0 =	sand.u32 $0x1, s1  }
0x8c: {  	s14 =	sshll.u32 s0, $0xA;
	s2 =	sadd.s32 s3, s2  }
0x8d: {  	s2 =	sadd.s32 s2, s14  }
0x8e: {  	[smem:$0x3FC0] =	sst s2  }
0x8f: {  	_ = 	snop  }
0x90: {  	s2 =	sld [smem:$0x3FD0];
	_ =	sdelay $0x2  }
0x91: {  	s4 =	simm.s32 $0xA;
	s5 =	simm.s32 $0x10;
	s15 =	sld [smem:$0x3FC8]  }
0x92: {  	[smem:s5], [sflag:s4] =	dma.local [hbm:s2], $0x1  }
0x93: {  	_ =	swait.eq [sflag:s4], $0x1  }
0x94: {  	[sflag:s4] =	ssyncset.done $0x0  }
0x95: {  	[sflag:s4] =	ssyncadd.s32 $0xFFFFFFFF  }
0x96: {  	s16 =	sld [smem:$0x10];
	(tm) =	ssettm $0x1  }
0x97: {  	s17 =	sld [smem:$0x3FFB];
	_ =	sdelay $0x3  }
0x98: {  	_ =	strace s17  }
0x99: {  	s4 =	sld [smem:$0x3FFC];
	_ =	sdelay $0x3  }
0x9a: {  	_ =	strace s4  }
0x9b: {  	s4 =	sld [smem:$0x3FFD];
	_ =	sdelay $0x3  }
0x9c: {  	_ =	strace s4  }
0x9d: {  	_ =	strace $0x8FFFFFFF  }
0x9e: {  	s18 =	sld [smem:$0x3FDB];
	_ =	sdelay $0x1  }
0x9f: {  	s19 =	simm.s32 $_scs_section_size  }
0xa0: {  	s6 =	simm.s32 $_size__tile_overlayer_lowered;
	s7 =	simm.s32 $_tile_overlayer_lowered  }
0xa1: {  	s22 =	simm.s32 $0x1BFF;
	s21 =	sshll.u32 s7, $0x1;
	s4 =	sadd.s32 s19, s18  }
0xa2: {  	s8 =	simm.s32 $0x0;
	s20 =	sshll.u32 s6, $0x1;
	s6 =	sadd.s32 s21, s4  }
0xa3: {  	[timem:s8], [sflag:s22] =	dma.local [hbm:s6], s20  }
0xa4: {  	_ =	swait.ge [sflag:s22], s20  }
0xa5: {  	s5 =	ssub.s32 $0x0, s20;
	[sflag:s22] =	ssyncset.done $0x0  }
0xa6: {  	[sflag:s22] =	ssyncadd.s32 s5;
	_ =	sdelay $0x1  }
0xa7: {  	s23 =	simm.s32 $0x1B8B  }
0xa8: {  	_ =	swait.ge [sflag:s23], $0x1  }
0xa9: {  	[sflag:s23] =	ssyncset.done $0x0  }
0xaa: {  	s25 =	simm.s32 $0x1B8E;
	s24 =	sld [smem:$0x3FFE];
	[sflag:s23] =	ssyncadd.s32 $0xFFFFFFFF  }
0xab: {  	s26 =	simm.s32 $execute0_lowered;
	[smem:$0x3FD2] =	sst s25  }
0xac: {  	s6 =	sshll.u32 s26, $0x1;
	_ =	strace $0x8000005C;
	[dreg:$0x1] =	wrdreg $0xFFFFFFFF  }
0xad: {  	s28 =	simm.s32 $_size_execute0_lowered;
	s4 =	sadd.s32 s4, s6;
	[dreg:$0x0] =	wrdreg $0x0  }
0xae: {  	s6 =	sshll.u32 s28, $0x1;
	[dreg:$0x2] =	wrdreg s4  }
0xaf: {  	[dreg:$0x3] =	wrdreg s6  }
0xb0: {  	[dreg:$0x4] =	wrdreg $0xC0  }
0xb1: {  	_ =	task [dreg:s8], $0x5FFFF  }
0xb2: {  	[dreg:$0x1] =	wrdreg $0xFFFFFFFF  }
0xb3: {  	[dreg:$0x0] =	wrdreg $0x60  }
0xb4: {  	[dreg:$0x2] =	wrdreg s16  }
0xb5: {  	[dreg:$0x3] =	wrdreg s15  }
0xb6: {  	[dreg:$0x4] =	wrdreg s24  }
0xb7: {  	[dreg:$0x5] =	wrdreg $0xDE800  }
0xb8: {  	[dreg:$0x6] =	wrdreg $0x9  }
0xb9: {  	_ =	task.clear_ibuf [dreg:s8], $0x7FFFF;
	_ =	strace $0x9000005C  }
0xba: {  	s29 =	simm.s32 $0x9;
	_ =	strace $0x80000066  }
0xbb: {  	_ =	swait.ge [sflag:s29], $0x1  }
0xbc: {  	[sflag:s29] =	ssyncadd.s32 $0xFFFFFFFF  }
0xbd: {  	_ =	strace $0x90000066  }
0xbe: {  	_ =	sfence  }
0xbf: {  	s30 =	sld [smem:$0x0];
	_ =	sdelay $0x2  }
0xc0: {  	s31 =	sshll.u32 s1, $0xD;
	s1 =	sshrl.u32 s1, $0x2  }
0xc1: {  	s3 =	sand.u32 $0x4000, s31;
	s1 =	sadd.s32 s1, s30  }
0xc2: {  	s0 =	sor.u32 s3, s0;
	s1 =	sshll.u32 s1, $0x11  }
0xc3: {  	s0 =	sor.u32 s1, s0  }
0xc4: {  	s0 =	sadd.s32 $0x8F2B, s0  }
0xc5: {  	[sflag:s0] =	ssyncadd.remote.s32 $0x1  }
0xc6: {  	_ =	sfence.sel $0xFFFF  }
0xc7: {  	[dreg:$0x0] =	wrdreg $0xFFFFFFFF;
	(pc) =	sbr.abs _section_cstart, $3  }
0xc8: {  	[dreg:$0x1] =	wrdreg $0xFFFFFFFF  }
0xc9: {  	_ =	task.clear_ibuf [dreg:s8], $0x2FFFF;
	_ =	strace $0x9FFFFFFF  }
0xca: {  	(tm) =	ssettm $0x7FFFFFFF  }
0xcb: {  	_ =	shalt  }
tec
execute0_lowered:
.L_overlay_start_1:
0x0: {  	(tag) =	ssettag $0x1  }
0x1: {  	s1 =	rddreg [dreg:$0x0]  }
0x2: {  	s6 =	rddreg [dreg:$0x1]  }
0x3: {  	s5 =	rddreg [dreg:$0x2]  }
0x4: {  	s3 =	rddreg [dreg:$0x3]  }
0x5: {  	s0 =	rddreg [dreg:$0x4]  }
0x6: {  	s7 =	srdreg.scid;
	s2 =	stileid.u32  }
0x7: {  	s4 =	simm.s32 $0x0;
	s14 =	simm.s32 $0x1;
	s15 =	simm.s32 $0x2  }
0x8: {  	s16 =	simm.s32 $0x3;
	s17 =	simm.s32 $0x1480;
	s18 =	simm.s32 $0x7980  }
0x9: {  	s19 =	simm.s32 $0xA280;
	s20 =	simm.s32 $0x6;
	s21 =	simm.s32 $0x8E00  }
0xa: {  	s22 =	simm.s32 $0x4;
	s23 =	simm.s32 $0x5;
	s24 =	simm.s32 $0x7  }
0xb: {  	s25 =	simm.s32 $0x0;
	s7 =	sand.u32 $0x1, s7;
	s8 =	smul.u32 $0x2710, s2  }
0xc: {  	[smem:$0x7FF] =	sst s4;
	s9 =	smul.u32 $0x27100, s7;
	s10 =	sshll.u32 s7, $0x4  }
0xd: {  	_ =	strace $0x8000005D;
	s7 =	ssub.s32 $0x2, s7;
	s10 =	sor.u32 s2, s10  }
0xe: {  	s12 =	sshrl.u32 s7, $0x1;
	s9 =	sadd.s32 s8, s9;
	s11 =	smul.u32 $0x4E00, s10  }
0xf: {  	s13 =	smul.u32 $0x9C0, s10;
	s12 =	ssub.s32 s7, s12;
	p0 =	seq.s32 s10, $0x1F  }
.Ltmp0:
0x10: {  	s7 =	sadd.s32 s8, s3;
	s8 =	simm.s32 $0x21;
	(pc) =	sbr.rel .LBB2_1-.Ltmp0, $4  }
0x11: {  	s9 =	sshrl.u32 s9, $0x3;
	s8 =	simm.s32 @!p0 $0x20;
	s10 =	smax.u32 s12, $0x1  }
0x12: {  	s12 =	simm.s32 $0x5080;
	s9 =	sadd.s32 s9, s5;
	s31 =	sshrl.u32 s11, $0x3  }
0x13: {  	s5 =	sadd.s32 s6, s13;
	s11 =	simm.s32 $0x2780;
	s6 =	sadd.s32 s6, s31  }
0x14: {  	v0 =	vimm.f32 $0.0e+00;
	v1 =	vimm.f32 $1.000000000e+00;
	v2 =	vimm.s32 $0x27100;
	s13 =	simm.s32 $0xB700;
	s9 =	sadd.s32 $0x2E00, s9;
	s6 =	sadd.s32 $0x520, s6  }
.LBB2_12:
0x15: {  	_ =	strace $0x90000062  }
0x16: {  	[spmem:s3] =	stream.indirect.scatter.add.f32 [tilespmem:s19], [sflag:$0x5], $0x1, s21, s17, $0xb8;
	[tilespmem:$0x10598] =	vst v63  }
0x17: {  	_ =	strace $0x80000063  }
0x18: {  	_ =	swait.ge [sflag:s22], $0x1480  }
0x19: {  	[sflag:s22] =	ssyncset.done $0x0  }
0x1a: {  	[sflag:s22] =	ssyncadd.s32 $0xFFFFEB80  }
0x1b: {  	_ =	swait.ge [sflag:s23], $0x1480  }
0x1c: {  	[sflag:s23] =	ssyncset.done $0x0  }
0x1d: {  	[sflag:s23] =	ssyncadd.s32 $0xFFFFEB80  }
0x1e: {  	_ =	strace $0x90000063  }
0x1f: {  	_ =	strace $0x80000064  }
0x20: {  	[bflag:$0x0] =	sbarrier.arrive $0xFFFF  }
0x21: {  	_ =	strace $0x90000064  }
0x22: {  	_ =	strace $0x80000065  }
0x23: {  	[tilespmem:s13], [sflag:$0x7] =	stream.linear.gather [spmem:s7], $0x2710, $0x200038;
	[tilespmem:$0x10598] =	vst v63  }
0x24: {  	_ =	swait.ge [sflag:s24], $0x2710  }
0x25: {  	s25 =	sadd.s32 $0x1, s25;
	[sflag:s24] =	ssyncset.done $0x0  }
0x26: {  	p1 =	sne.s32 s25, s10;
	[sflag:s24] =	ssyncadd.s32 $0xFFFFD8F0  }
0x27: {  	[hbm4b:s9+s4] =	stream.linear.scatter [tilespmem:s13], [sflag:$0x7], $0x2710, $0x200038;
	[tilespmem:$0x10598] =	vst v63  }
.Ltmp1:
0x28: {  	_ = 	snop;
	(pc) =	sbr.rel @!p1 .LBB2_13-.Ltmp1, $4  }
0x29: {  	_ =	swait.ge [sflag:s24], $0x2710  }
0x2a: {  	[sflag:s24] =	ssyncset.done $0x0  }
0x2b: {  	[sflag:s24] =	ssyncadd.s32 $0xFFFFD8F0  }
0x2c: {  	_ =	strace $0x90000065  }
.LBB2_1:
0x2d: {  	[tilespmem:s4], [sflag:$0x1] =	stream.linear.gather [hbm4b:s1+s4], $0x2780, $0x38;
	[tilespmem:$0x10598] =	vst v63  }
0x2e: {  	_ = 	snop  }
0x2f: {  	[tilespmem:s11], [sflag:$0x2] =	stream.linear.gather [hbm4b:s5+s4], $0x2900, $0x38;
	[tilespmem:$0x10598] =	vst v63  }
0x30: {  	s26 =	simm.s32 $0xB740  }
0x31: {  	[tilespmem:s12], [sflag:$0x6] =	stream.linear.gather [hbm4b:s6+s4], $0x2900, $0x38;
	[tilespmem:$0x10598] =	vst v63  }
0x32: {  	[tilespmem:s26+$0xFFFFFFC0] =	vst v0  }
0x33: {  	[tilespmem:s26+$0x30] =	vst v0  }
0x34: {  	[tilespmem:s26+$0x20] =	vst v0  }
0x35: {  	[tilespmem:s26+$0x10] =	vst v0  }
0x36: {  	[tilespmem:s26+$0x0] =	vst v0  }
0x37: {  	[tilespmem:s26+$0xFFFFFFF0] =	vst v0  }
0x38: {  	s28 =	simm.s32 $0x0;
	[tilespmem:s26+$0xFFFFFFE0] =	vst v0  }
.LBB2_2:
0x39: {  	s28 =	sadd.s32 $0x8, s28;
	[tilespmem:s26+$0xFFFFFFD0] =	vst v0;
	s26 =	sadd.s32 $0x80, s26  }
0x3a: {  	[tilespmem:s26+$0xFFFFFFC0] =	vst v0;
	p1 =	slt.u32 s28, $0x268  }
0x3b: {  	[tilespmem:s26+$0x30] =	vst v0  }
.Ltmp2:
0x3c: {  	[tilespmem:s26+$0x20] =	vst v0;
	(pc) =	sbr.rel @p1 .LBB2_2-.Ltmp2, $4  }
0x3d: {  	[tilespmem:s26+$0x10] =	vst v0  }
0x3e: {  	[tilespmem:s26+$0x0] =	vst v0  }
0x3f: {  	[tilespmem:s26+$0xFFFFFFF0] =	vst v0  }
0x40: {  	[tilespmem:s26+$0xFFFFFFE0] =	vst v0  }
0x41: {  	[tilespmem:s26+$0xFFFFFFD0] =	vst v0  }
0x42: {  	s26 =	simm.s32 $0xA2C0;
	[tilespmem:$0xDE00] =	vst v0  }
0x43: {  	[spmem:s7] =	stream.linear.scatter [tilespmem:s13], [sflag:$0x3], $0x2710, $0x38;
	[tilespmem:$0x10598] =	vst v63  }
0x44: {  	[tilespmem:s26+$0xFFFFFFC0] =	vst v1  }
0x45: {  	[tilespmem:s26+$0x30] =	vst v1  }
0x46: {  	[tilespmem:s26+$0x20] =	vst v1  }
0x47: {  	[tilespmem:s26+$0x10] =	vst v1  }
0x48: {  	[tilespmem:s26+$0x0] =	vst v1  }
0x49: {  	[tilespmem:s26+$0xFFFFFFF0] =	vst v1  }
0x4a: {  	s28 =	simm.s32 $0x0;
	[tilespmem:s26+$0xFFFFFFE0] =	vst v1  }
.LBB2_4:
0x4b: {  	s28 =	sadd.s32 $0x8, s28;
	[tilespmem:s26+$0xFFFFFFD0] =	vst v1;
	s26 =	sadd.s32 $0x80, s26  }
0x4c: {  	[tilespmem:s26+$0xFFFFFFC0] =	vst v1;
	p1 =	slt.u32 s28, $0x140  }
0x4d: {  	[tilespmem:s26+$0x30] =	vst v1  }
.Ltmp3:
0x4e: {  	[tilespmem:s26+$0x20] =	vst v1;
	(pc) =	sbr.rel @p1 .LBB2_4-.Ltmp3, $4  }
0x4f: {  	[tilespmem:s26+$0x10] =	vst v1  }
0x50: {  	[tilespmem:s26+$0x0] =	vst v1  }
0x51: {  	[tilespmem:s26+$0xFFFFFFF0] =	vst v1  }
0x52: {  	[tilespmem:s26+$0xFFFFFFE0] =	vst v1  }
0x53: {  	[tilespmem:s26+$0xFFFFFFD0] =	vst v1  }
0x54: {  	_ =	strace $0x8000005E  }
0x55: {  	_ =	swait.ge [sflag:s14], $0x2780  }
0x56: {  	[sflag:s14] =	ssyncset.done $0x0  }
0x57: {  	[sflag:s14] =	ssyncadd.s32 $0xFFFFD880  }
0x58: {  	_ =	swait.ge [sflag:s15], $0x2900  }
0x59: {  	[sflag:s15] =	ssyncset.done $0x0  }
0x5a: {  	[sflag:s15] =	ssyncadd.s32 $0xFFFFD700  }
0x5b: {  	_ =	strace $0x9000005E  }
0x5c: {  	s29 =	simm.s32 $0x2800;
	_ =	strace $0x8000005F  }
0x5d: {  	v3 =	vld [tilespmem:s29+$0xFFFFFFF0]  }
0x5e: {  	v4 =	vld [tilespmem:s29+$0xFFFFFF90]  }
0x5f: {  	v5 =	vld [tilespmem:s29+$0xFFFFFFA0]  }
0x60: {  	v6 =	vld [tilespmem:s29+$0xFFFFFFB0]  }
0x61: {  	v7 =	vld [tilespmem:s29+$0xFFFFFFC0]  }
0x62: {  	v8 =	vld [tilespmem:s29+$0xFFFFFFD0]  }
0x63: {  	v9 =	vld [tilespmem:s29+$0xFFFFFFE0]  }
0x64: {  	v10 =	vld [tilespmem:s29+$0xFFFFFF80]  }
0x65: {  	v11 =	vld [tilespmem:s29+$0x70]  }
0x66: {  	v15 =	vld [tilespmem:s29+$0x0]  }
0x67: {  	v16 =	vld [tilespmem:s29+$0x10]  }
0x68: {  	v3 =	vld.idx.msk [tilespmem:v3+s4+$0x0], $0xffff  }
0x69: {  	v4 =	vld.idx.msk [tilespmem:v4+s4+$0x0], $0xffff  }
0x6a: {  	v5 =	vld.idx.msk [tilespmem:v5+s4+$0x0], $0xffff  }
0x6b: {  	v12 =	vld.idx.msk [tilespmem:v6+s4+$0x0], $0xffff  }
0x6c: {  	v13 =	vld.idx.msk [tilespmem:v7+s4+$0x0], $0xffff  }
0x6d: {  	v7 =	vld.idx.msk [tilespmem:v10+s4+$0x0], $0xffff  }
0x6e: {  	v8 =	vld.idx.msk [tilespmem:v8+s4+$0x0], $0xffff  }
0x6f: {  	v14 =	vld.idx.msk [tilespmem:v9+s4+$0x0], $0xffff  }
0x70: {  	v9 =	vld [tilespmem:s29+$0x20];
	v10 =	vmul.u32 $0x2710, v3  }
0x71: {  	v6 =	vld [tilespmem:s29+$0x30];
	v17 =	vmul.u32 $0x2710, v4  }
0x72: {  	v3 =	vmul.u32 $0x2710, v5;
	v19 =	vmul.u32 $0x2710, v7;
	v18 =	vadd.s32 v11, v10;
	v10 =	vld [tilespmem:s29+$0x40]  }
0x73: {  	s26 =	simm.s32 $0x79C0;
	v7 =	vmul.u32 $0x2710, v12;
	v5 =	vmul.u32 $0x2710, v13;
	v4 =	vmul.u32 $0x2710, v8;
	v11 =	vld [tilespmem:s29+$0x50]  }
0x74: {  	s28 =	simm.s32 $0x0;
	v8 =	vmul.u32 $0x2710, v14;
	v12 =	vld [tilespmem:s29+$0x60];
	v14 =	vadd.s32 v15, v19;
	v13 =	vadd.s32 v16, v17;
	s29 =	simm.s32 $0x2900;
	[tilespmem:s26+$0x30] =	vst v18  }
.LBB2_6:
0x75: {  	v15 =	vld [tilespmem:s29+$0xFFFFFFF0];
	s28 =	sadd.s32 $0x8, s28;
	[tilespmem:s26+$0xFFFFFFC0] =	vst v14;
	v3 =	vadd.s32 v9, v3  }
0x76: {  	v9 =	vld [tilespmem:s29+$0xFFFFFF90];
	p1 =	slt.u32 s28, $0x140;
	[tilespmem:s26+$0xFFFFFFD0] =	vst v13;
	v6 =	vadd.s32 v6, v7  }
0x77: {  	v7 =	vld [tilespmem:s29+$0xFFFFFFA0];
	[tilespmem:s26+$0xFFFFFFE0] =	vst v3;
	v3 =	vadd.s32 v10, v5  }
0x78: {  	v5 =	vld [tilespmem:s29+$0xFFFFFFB0];
	[tilespmem:s26+$0xFFFFFFF0] =	vst v6;
	v4 =	vadd.s32 v11, v4  }
0x79: {  	v6 =	vld [tilespmem:s29+$0xFFFFFFC0];
	[tilespmem:s26+$0x0] =	vst v3;
	v3 =	vadd.s32 v12, v8  }
0x7a: {  	v8 =	vld [tilespmem:s29+$0xFFFFFFD0];
	[tilespmem:s26+$0x10] =	vst v4  }
0x7b: {  	v4 =	vld [tilespmem:s29+$0xFFFFFFE0];
	[tilespmem:s26+$0x20] =	vst v3  }
0x7c: {  	v3 =	vld [tilespmem:s29+$0xFFFFFF80]  }
0x7d: {  	v10 =	vld.idx.msk [tilespmem:v15+s4+$0x0], $0xffff  }
0x7e: {  	v9 =	vld.idx.msk [tilespmem:v9+s4+$0x0], $0xffff  }
0x7f: {  	v7 =	vld.idx.msk [tilespmem:v7+s4+$0x0], $0xffff  }
0x80: {  	v11 =	vld [tilespmem:s29+$0x70]  }
0x81: {  	v5 =	vld.idx.msk [tilespmem:v5+s4+$0x0], $0xffff  }
0x82: {  	v6 =	vld.idx.msk [tilespmem:v6+s4+$0x0], $0xffff  }
0x83: {  	v10 =	vmul.u32 $0x2710, v10;
	v8 =	vld.idx.msk [tilespmem:v8+s4+$0x0], $0xffff  }
0x84: {  	v13 =	vmul.u32 $0x2710, v9;
	v12 =	vld.idx.msk [tilespmem:v3+s4+$0x0], $0xffff  }
0x85: {  	s26 =	sadd.s32 $0x80, s26;
	v3 =	vmul.u32 $0x2710, v7;
	v14 =	vld.idx.msk [tilespmem:v4+s4+$0x0], $0xffff;
	v4 =	vadd.s32 v11, v10  }
0x86: {  	v15 =	vld [tilespmem:s29+$0x0];
	[tilespmem:s26+$0x30] =	vst v4  }
0x87: {  	v7 =	vmul.u32 $0x2710, v5;
	v16 =	vld [tilespmem:s29+$0x10]  }
.Ltmp4:
0x88: {  	v5 =	vmul.u32 $0x2710, v6;
	v9 =	vld [tilespmem:s29+$0x20];
	(pc) =	sbr.rel @p1 .LBB2_6-.Ltmp4, $4  }
0x89: {  	v4 =	vmul.u32 $0x2710, v8;
	v6 =	vld [tilespmem:s29+$0x30]  }
0x8a: {  	v12 =	vmul.u32 $0x2710, v12;
	v10 =	vld [tilespmem:s29+$0x40]  }
0x8b: {  	v8 =	vmul.u32 $0x2710, v14;
	v11 =	vld [tilespmem:s29+$0x50]  }
0x8c: {  	v14 =	vadd.s32 v15, v12;
	v13 =	vadd.s32 v16, v13;
	v12 =	vld [tilespmem:s29+$0x60];
	s29 =	sadd.s32 $0x100, s29  }
0x8d: {  	[tilespmem:s26+$0xFFFFFFC0] =	vst v14  }
0x8e: {  	v3 =	vadd.s32 v9, v3;
	[tilespmem:s26+$0xFFFFFFD0] =	vst v13  }
0x8f: {  	v6 =	vadd.s32 v6, v7;
	[tilespmem:s26+$0xFFFFFFE0] =	vst v3  }
0x90: {  	v3 =	vadd.s32 v10, v5;
	[tilespmem:s26+$0xFFFFFFF0] =	vst v6  }
0x91: {  	v4 =	vadd.s32 v11, v4;
	[tilespmem:s26+$0x0] =	vst v3  }
0x92: {  	v3 =	vadd.s32 v12, v8;
	[tilespmem:s26+$0x10] =	vst v4  }
0x93: {  	[tilespmem:s26+$0x20] =	vst v3  }
0x94: {  	_ =	strace $0x9000005F  }
0x95: {  	_ =	strace $0x80000060  }
0x96: {  	_ =	swait.ge [sflag:s16], $0x2710  }
0x97: {  	[sflag:s16] =	ssyncset.done $0x0  }
0x98: {  	[sflag:s16] =	ssyncadd.s32 $0xFFFFD8F0  }
0x99: {  	[bflag:$0x0] =	sbarrier.arrive $0xFFFF  }
0x9a: {  	_ =	strace $0x90000060  }
0x9b: {  	[spmem:s3] =	stream.indirect.scatter.add.f32 [tilespmem:s19], [sflag:$0x4], $0x1, s18, s17, $0xb8;
	[tilespmem:$0x10598] =	vst v63  }
0x9c: {  	_ =	strace $0x80000061  }
0x9d: {  	_ =	swait.ge [sflag:s20], $0x2900  }
0x9e: {  	[sflag:s20] =	ssyncset.done $0x0  }
0x9f: {  	[sflag:s20] =	ssyncadd.s32 $0xFFFFD700  }
0xa0: {  	_ =	strace $0x90000061  }
0xa1: {  	s29 =	simm.s32 $0x5170;
	_ =	strace $0x80000062  }
0xa2: {  	v3 =	vld [tilespmem:s29+$0xFFFFFF80]  }
0xa3: {  	v4 =	vld [tilespmem:s29+$0xFFFFFF20]  }
0xa4: {  	v5 =	vld [tilespmem:s29+$0xFFFFFF30]  }
0xa5: {  	v6 =	vld [tilespmem:s29+$0xFFFFFF40]  }
0xa6: {  	v7 =	vld [tilespmem:s29+$0xFFFFFF50]  }
0xa7: {  	v8 =	vld [tilespmem:s29+$0xFFFFFF60]  }
0xa8: {  	v9 =	vld [tilespmem:s29+$0xFFFFFF70]  }
0xa9: {  	v10 =	vld [tilespmem:s29+$0xFFFFFF10]  }
0xaa: {  	v11 =	vld [tilespmem:s29+$0x0]  }
0xab: {  	v15 =	vld [tilespmem:s29+$0xFFFFFF90]  }
0xac: {  	v16 =	vld [tilespmem:s29+$0xFFFFFFA0]  }
0xad: {  	v3 =	vld.idx.msk [tilespmem:v3+s4+$0x0], $0xffff  }
0xae: {  	v4 =	vld.idx.msk [tilespmem:v4+s4+$0x0], $0xffff  }
0xaf: {  	v5 =	vld.idx.msk [tilespmem:v5+s4+$0x0], $0xffff  }
0xb0: {  	v12 =	vld.idx.msk [tilespmem:v6+s4+$0x0], $0xffff  }
0xb1: {  	v13 =	vld.idx.msk [tilespmem:v7+s4+$0x0], $0xffff  }
0xb2: {  	v7 =	vld.idx.msk [tilespmem:v10+s4+$0x0], $0xffff  }
0xb3: {  	v8 =	vld.idx.msk [tilespmem:v8+s4+$0x0], $0xffff  }
0xb4: {  	v14 =	vld.idx.msk [tilespmem:v9+s4+$0x0], $0xffff  }
0xb5: {  	v9 =	vld [tilespmem:s29+$0xFFFFFFB0];
	v10 =	vmul.u32 $0x2710, v3  }
0xb6: {  	v6 =	vld [tilespmem:s29+$0xFFFFFFC0];
	v17 =	vmul.u32 $0x2710, v4  }
0xb7: {  	v3 =	vmul.u32 $0x2710, v5;
	v19 =	vmul.u32 $0x2710, v7;
	v18 =	vadd.s32 v11, v10;
	v10 =	vld [tilespmem:s29+$0xFFFFFFD0]  }
0xb8: {  	s26 =	simm.s32 $0x8E40;
	v7 =	vmul.u32 $0x2710, v12;
	v5 =	vmul.u32 $0x2710, v13;
	v4 =	vmul.u32 $0x2710, v8;
	v11 =	vld [tilespmem:s29+$0xFFFFFFE0]  }
0xb9: {  	s28 =	simm.s32 $0x0;
	v8 =	vmul.u32 $0x2710, v14;
	v12 =	vld [tilespmem:s29+$0xFFFFFFF0];
	v14 =	vadd.s32 v15, v19;
	v13 =	vadd.s32 v16, v17;
	s29 =	simm.s32 $0x5270;
	[tilespmem:s26+$0x30] =	vst v18  }
.LBB2_8:
0xba: {  	v15 =	vld [tilespmem:s29+$0xFFFFFF80];
	s28 =	sadd.s32 $0x8, s28;
	[tilespmem:s26+$0xFFFFFFC0] =	vst v14;
	v3 =	vadd.s32 v9, v3  }
0xbb: {  	v9 =	vld [tilespmem:s29+$0xFFFFFF20];
	p1 =	slt.u32 s28, $0x140;
	[tilespmem:s26+$0xFFFFFFD0] =	vst v13;
	v6 =	vadd.s32 v6, v7  }
0xbc: {  	v7 =	vld [tilespmem:s29+$0xFFFFFF30];
	[tilespmem:s26+$0xFFFFFFE0] =	vst v3;
	v3 =	vadd.s32 v10, v5  }
0xbd: {  	v5 =	vld [tilespmem:s29+$0xFFFFFF40];
	[tilespmem:s26+$0xFFFFFFF0] =	vst v6;
	v4 =	vadd.s32 v11, v4  }
0xbe: {  	v6 =	vld [tilespmem:s29+$0xFFFFFF50];
	[tilespmem:s26+$0x0] =	vst v3;
	v3 =	vadd.s32 v12, v8  }
0xbf: {  	v8 =	vld [tilespmem:s29+$0xFFFFFF60];
	[tilespmem:s26+$0x10] =	vst v4  }
0xc0: {  	v4 =	vld [tilespmem:s29+$0xFFFFFF70];
	[tilespmem:s26+$0x20] =	vst v3  }
0xc1: {  	v3 =	vld [tilespmem:s29+$0xFFFFFF10]  }
0xc2: {  	v10 =	vld.idx.msk [tilespmem:v15+s4+$0x0], $0xffff  }
0xc3: {  	v9 =	vld.idx.msk [tilespmem:v9+s4+$0x0], $0xffff  }
0xc4: {  	v7 =	vld.idx.msk [tilespmem:v7+s4+$0x0], $0xffff  }
0xc5: {  	v11 =	vld [tilespmem:s29+$0x0]  }
0xc6: {  	v5 =	vld.idx.msk [tilespmem:v5+s4+$0x0], $0xffff  }
0xc7: {  	v6 =	vld.idx.msk [tilespmem:v6+s4+$0x0], $0xffff  }
0xc8: {  	v10 =	vmul.u32 $0x2710, v10;
	v8 =	vld.idx.msk [tilespmem:v8+s4+$0x0], $0xffff  }
0xc9: {  	v13 =	vmul.u32 $0x2710, v9;
	v12 =	vld.idx.msk [tilespmem:v3+s4+$0x0], $0xffff  }
0xca: {  	s26 =	sadd.s32 $0x80, s26;
	v3 =	vmul.u32 $0x2710, v7;
	v14 =	vld.idx.msk [tilespmem:v4+s4+$0x0], $0xffff;
	v4 =	vadd.s32 v11, v10  }
0xcb: {  	v15 =	vld [tilespmem:s29+$0xFFFFFF90];
	[tilespmem:s26+$0x30] =	vst v4  }
0xcc: {  	v7 =	vmul.u32 $0x2710, v5;
	v16 =	vld [tilespmem:s29+$0xFFFFFFA0]  }
.Ltmp5:
0xcd: {  	v5 =	vmul.u32 $0x2710, v6;
	v9 =	vld [tilespmem:s29+$0xFFFFFFB0];
	(pc) =	sbr.rel @p1 .LBB2_8-.Ltmp5, $4  }
0xce: {  	v4 =	vmul.u32 $0x2710, v8;
	v6 =	vld [tilespmem:s29+$0xFFFFFFC0]  }
0xcf: {  	v12 =	vmul.u32 $0x2710, v12;
	v10 =	vld [tilespmem:s29+$0xFFFFFFD0]  }
0xd0: {  	v8 =	vmul.u32 $0x2710, v14;
	v11 =	vld [tilespmem:s29+$0xFFFFFFE0]  }
0xd1: {  	v14 =	vadd.s32 v15, v12;
	v13 =	vadd.s32 v16, v13;
	v12 =	vld [tilespmem:s29+$0xFFFFFFF0];
	s29 =	sadd.s32 $0x100, s29  }
0xd2: {  	[tilespmem:s26+$0xFFFFFFC0] =	vst v14  }
0xd3: {  	v3 =	vadd.s32 v9, v3;
	[tilespmem:s26+$0xFFFFFFD0] =	vst v13  }
.Ltmp6:
0xd4: {  	v6 =	vadd.s32 v6, v7;
	[tilespmem:s26+$0xFFFFFFE0] =	vst v3;
	(pc) =	sbr.rel @p0 .LBB2_12-.Ltmp6, $4  }
0xd5: {  	v3 =	vadd.s32 v10, v5;
	[tilespmem:s26+$0xFFFFFFF0] =	vst v6  }
0xd6: {  	v4 =	vadd.s32 v11, v4;
	[tilespmem:s26+$0x0] =	vst v3  }
0xd7: {  	v3 =	vadd.s32 v12, v8;
	[tilespmem:s26+$0x10] =	vst v4  }
0xd8: {  	[tilespmem:s26+$0x20] =	vst v3;
	s26 =	simm.s32 $0xA080  }
0xd9: {  	p1 =	sne.s32 s8, $0x1  }
.Ltmp7:
0xda: {  	_ = 	snop;
	(pc) =	sbr.rel @!p1 .LBB2_12-.Ltmp7, $2  }
0xdb: {  	_ =	sdelay $0x2  }
0xdc: {  	s28 =	sadd.s32 $0xFFFFFFFF, s8;
	[tilespmem:s26+$0x0] =	vst v2  }
.LBB2_11:
0xdd: {  	p1 =	sne.s32 s28, $0x1  }
.Ltmp8:
0xde: {  	_ = 	snop;
	(pc) =	sbr.rel @p1 .LBB2_11-.Ltmp8, $3  }
0xdf: {  	_ =	sdelay $0x1  }
0xe0: {  	s28 =	sadd.s32 $0xFFFFFFFF, s28;
	s26 =	sadd.s32 $0x10, s26  }
0xe1: {  	[tilespmem:s26+$0x0] =	vst v2  }
.Ltmp9:
0xe2: {  	_ = 	snop;
	(pc) =	sbr.rel .LBB2_12-.Ltmp9, $1  }
0xe3: {  	_ =	sdelay $0x3  }
.LBB2_13:
0xe4: {  	_ =	sfence.sel $0x180000  }
0xe5: {  	[bflag:$0x0] =	sbarrier.arrive $0xFFFF  }
0xe6: {  	p0 =	sne.s32 s2, $0x0;
	_ =	strace $0x9000005D  }
0xe7: {  	s0 =	sadd.s32 @!p0 $0x100000, s0;
	[bflag:$0x2] =	sbarrier.arrive $0xFFFF  }
0xe8: {  	[sflag:s0] =	ssyncadd.tile.s32 @!p0 $0x1;
	_ =	shalt  }
.Lfunc_end2:
_tile_overlayer_lowered:
.L_overlay_start_2:
0xe9: {  	(tag) =	ssettag $0x2  }
0xea: {  	s0 =	rddreg [dreg:$0x0];
	s2 =	stileid.u32  }
0xeb: {  	s1 =	rddreg [dreg:$0x1];
	p0 =	sne.s32 s2, $0x0  }
0xec: {  	s3 =	rddreg [dreg:$0x2];
	[bflag:$0x3] =	sbarrier.arrive $0xFFFF;
	s2 =	simm.s32 @!p0 $0x1C07  }
0xed: {  	[timem:s3], [sflag:s2] =	dma.local @!p0 [hbm:s0], s1  }
0xee: {  	s0 =	simm.s32 @!p0 $0x7  }
0xef: {  	_ =	swait.ge @!p0 [sflag:s0], s1  }
0xf0: {  	s1 =	ssub.s32 @!p0 $0x0, s1;
	[sflag:s0] =	ssyncset.done @!p0 $0x0  }
0xf1: {  	[sflag:s0] =	ssyncadd.s32 @!p0 s1  }
0xf2: {  	[bflag:$0x3] =	sbarrier.arrive $0xFFFF  }
0xf3: {  	_ =	shalt  }

// kernel: kernel.9.cloned.1.call-start
scs
__scs_entry_jumppad:
0x0: {  	(pc) =	sbr.rel $0x88, $3  }
0x1: {  	(tag) =	ssettag $0x0;
	lr =	simm.s32 $0x1  }
0x2: {  	[smem:$0x3F99] =	sst lr;
	_ =	strace $0xD0000000  }
0x3: {  	_ = 	snop  }
0x4: {  	_ = 	snop  }
0x5: {  	_ = 	snop  }
0x6: {  	_ = 	snop  }
0x7: {  	_ = 	snop  }
__scs_overlays_trampoline_lowered:
0x8: {  	[smem:$0x3FA8] =	sst s0  }
0x9: {  	[smem:$0x3FA9] =	sst s1  }
0xa: {  	[smem:$0x3FAA] =	sst s2  }
0xb: {  	[smem:$0x3FAB] =	sst s3  }
0xc: {  	[smem:$0x3FAC] =	sst s4  }
0xd: {  	[smem:$0x3FAD] =	sst s5  }
0xe: {  	[smem:$0x3FAE] =	sst s6  }
0xf: {  	[smem:$0x3FAF] =	sst s7  }
0x10: {  	[smem:$0x3FB0] =	sst s8  }
0x11: {  	[smem:$0x3FB1] =	sst s9;
	s0 =	simm.s32 @!p0 $0x0  }
0x12: {  	s1 =	sld [smem:$0x3F97];
	s0 =	simm.s32 @p0 $0x1  }
0x13: {  	[smem:$0x3FB2] =	sst s0;
	s0 =	simm.s32 @!p1 $0x0  }
0x14: {  	s2 =	sld [smem:$0x3F96];
	s0 =	simm.s32 @p1 $0x1  }
0x15: {  	[smem:$0x3FB3] =	sst s0;
	s0 =	simm.s32 @!p2 $0x0  }
0x16: {  	s3 =	sld [smem:$0x3FDB];
	s0 =	simm.s32 @p2 $0x1  }
0x17: {  	s4 =	simm.s32 $0x1BF5;
	[smem:$0x3FB5] =	sst s0  }
0x18: {  	s0 =	sld [smem:$0x3F98];
	_ =	swait.ge [sflag:s4], $0x0  }
0x19: {  	s7 =	sld [smem:$0x3F99]  }
0x1a: {  	s8 =	sadd.s32 $0xFFFFE003, lr  }
0x1b: {  	s9 =	sadd.s32 $0xFFFFFEF7, lr;
	s5 =	simm.s32 $0xFFFFFFFF;
	p2 =	slt.u32 s8, $0xFFFFF086  }
0x1c: {  	p1 =	slt.u32 s9, $0xF7A;
	s5 =	simm.s32 @!p2 $0x0  }
0x1d: {  	s5 =	simm.s32 @p1 $0x1;
	p0 =	seq.s32 s7, s2  }
0x1e: {  	s7 =	smul.u32 @!p0 $0xF7A, s2;
	p2 =	seq.s32 @!p0 s5, $0x0  }
0x1f: {  	s9 =	smul.u32 $0xF7A, s1;
	s8 =	simm.s32 @!p0 $0x1BF5;
	p2 =	por !p2, p0  }
0x20: {  	[sflag:s8] =	ssyncset.s32 @!p0 $0xFFFFF086;
	s6 =	sadd.s32 @!p0 s3, s7;
	s7 =	simm.s32 @!p0 $0x108  }
0x21: {  	s3 =	sadd.s32 s3, s9;
	s6 =	sadd.s32 @!p0 $0x88, s6;
	s7 =	simm.s32 @p2 $0x1082  }
0x22: {  	[simem:s7], [sflag:s8] =	dma.local @!p0 [hbm:s6], $0xF7A  }
0x23: {  	s9 =	sor.u32 $0xD0000000, s2;
	s6 =	simm.s32 $0x108;
	_ =	swait.ge @!p0 [sflag:s8], $0x0  }
0x24: {  	s3 =	sadd.s32 $0x88, s3;
	s6 =	simm.s32 @!p1 $0x1082;
	[sflag:s4] =	ssyncset.s32 $0xFFFFF086  }
0x25: {  	[simem:s6], [sflag:s4] =	dma.local [hbm:s3], $0xF7A  }
0x26: {  	[smem:$0x3F99] =	sst s1;
	(tag) =	ssettag s2;
	_ =	strace s9  }
0x27: {  	s1 =	sld [smem:$0x3FA9]  }
0x28: {  	s2 =	sld [smem:$0x3FAA]  }
0x29: {  	s4 =	sld [smem:$0x3FAC]  }
0x2a: {  	p0 =	seq.s32 s5, $0x0;
	s5 =	sld [smem:$0x3FAD]  }
0x2b: {  	s6 =	sld [smem:$0x3FAE]  }
0x2c: {  	s7 =	sld [smem:$0x3FAF]  }
0x2d: {  	s3 =	simm.s32 $0x108;
	s8 =	sld [smem:$0x3FB0]  }
0x2e: {  	s3 =	simm.s32 @!p0 $0x1082;
	s9 =	sld [smem:$0x3FB1]  }
0x2f: {  	lr =	sadd.s32 s0, s3;
	s0 =	sld [smem:$0x3FA8]  }
0x30: {  	s3 =	sld [smem:$0x3FAB]  }
0x31: {  	[smem:$0x3FB4] =	sst s10  }
0x32: {  	s10 =	sld [smem:$0x3FB2];
	_ =	sdelay $0x3  }
0x33: {  	p0 =	seq.s32 s10, $0x1;
	s10 =	sld [smem:$0x3FB4];
	_ =	sdelay $0x3  }
0x34: {  	[smem:$0x3FB4] =	sst s10  }
0x35: {  	s10 =	sld [smem:$0x3FB3];
	_ =	sdelay $0x3  }
0x36: {  	p1 =	seq.s32 s10, $0x1;
	s10 =	sld [smem:$0x3FB4];
	_ =	sdelay $0x3  }
0x37: {  	[smem:$0x3FB4] =	sst s10  }
0x38: {  	s10 =	sld [smem:$0x3FB5]  }
0x39: {  	_ = 	snop;
	(pc) =	sbr.ind lr, $3  }
0x3a: {  	_ = 	snop  }
0x3b: {  	_ = 	snop  }
0x3c: {  	p2 =	seq.s32 s10, $0x1;
	s10 =	sld [smem:$0x3FB4]  }
0x3d: {  	_ =	shalt  }
0x3e: {  	_ =	shalt  }
0x3f: {  	_ =	shalt  }
0x40: {  	_ =	shalt  }
0x41: {  	_ =	shalt  }
0x42: {  	_ =	shalt  }
0x43: {  	_ =	shalt  }
0x44: {  	_ =	shalt  }
0x45: {  	_ =	shalt  }
0x46: {  	_ =	shalt  }
0x47: {  	_ =	shalt  }
0x48: {  	_ =	shalt  }
0x49: {  	_ =	shalt  }
0x4a: {  	_ =	shalt  }
0x4b: {  	_ =	shalt  }
0x4c: {  	_ =	shalt  }
0x4d: {  	_ =	shalt  }
0x4e: {  	_ =	shalt  }
0x4f: {  	_ =	shalt  }
0x50: {  	_ =	shalt  }
0x51: {  	_ =	shalt  }
0x52: {  	_ =	shalt  }
0x53: {  	_ =	shalt  }
0x54: {  	_ =	shalt  }
0x55: {  	_ =	shalt  }
0x56: {  	_ =	shalt  }
0x57: {  	_ =	shalt  }
0x58: {  	_ =	shalt  }
0x59: {  	_ =	shalt  }
0x5a: {  	_ =	shalt  }
0x5b: {  	_ =	shalt  }
0x5c: {  	_ =	shalt  }
0x5d: {  	_ =	shalt  }
0x5e: {  	_ =	shalt  }
0x5f: {  	_ =	shalt  }
0x60: {  	_ =	shalt  }
0x61: {  	_ =	shalt  }
0x62: {  	_ =	shalt  }
0x63: {  	_ =	shalt  }
0x64: {  	_ =	shalt  }
0x65: {  	_ =	shalt  }
0x66: {  	_ =	shalt  }
0x67: {  	_ =	shalt  }
0x68: {  	_ =	shalt  }
0x69: {  	_ =	shalt  }
0x6a: {  	_ =	shalt  }
0x6b: {  	_ =	shalt  }
0x6c: {  	_ =	shalt  }
0x6d: {  	_ =	shalt  }
0x6e: {  	_ =	shalt  }
0x6f: {  	_ =	shalt  }
0x70: {  	_ =	shalt  }
0x71: {  	_ =	shalt  }
0x72: {  	_ =	shalt  }
0x73: {  	_ =	shalt  }
0x74: {  	_ =	shalt  }
0x75: {  	_ =	shalt  }
0x76: {  	_ =	shalt  }
0x77: {  	_ =	shalt  }
0x78: {  	_ =	shalt  }
0x79: {  	_ =	shalt  }
0x7a: {  	_ =	shalt  }
0x7b: {  	_ =	shalt  }
0x7c: {  	_ =	shalt  }
0x7d: {  	_ =	shalt  }
0x7e: {  	_ =	shalt  }
0x7f: {  	_ =	shalt  }
0x80: {  	_ =	shalt  }
0x81: {  	_ =	shalt  }
0x82: {  	_ =	shalt  }
0x83: {  	_ =	shalt  }
0x84: {  	_ =	shalt  }
0x85: {  	_ =	shalt  }
0x86: {  	_ =	shalt  }
0x87: {  	_ =	shalt  }
.Lfunc_end0:
.L_simem_size_0:
called_computation_lowered:
.L_overlay_start_0:
0x88: {  	s2 =	sld [smem:$0x3FD9]  }
0x89: {  	s3 =	sld [smem:$0x3FFE];
	_ =	sdelay $0x1  }
0x8a: {  	s1 =	srdreg.scid  }
0x8b: {  	s0 =	sand.u32 $0x1, s1  }
0x8c: {  	s14 =	sshll.u32 s0, $0xA;
	s2 =	sadd.s32 s3, s2  }
0x8d: {  	s2 =	sadd.s32 s2, s14  }
0x8e: {  	[smem:$0x3FC0] =	sst s2  }
0x8f: {  	_ = 	snop  }
0x90: {  	s2 =	sld [smem:$0x3FD0];
	_ =	sdelay $0x2  }
0x91: {  	s4 =	simm.s32 $0xA;
	s5 =	simm.s32 $0x10;
	s15 =	sld [smem:$0x3FC8]  }
0x92: {  	[smem:s5], [sflag:s4] =	dma.local [hbm:s2], $0x1  }
0x93: {  	_ =	swait.eq [sflag:s4], $0x1  }
0x94: {  	[sflag:s4] =	ssyncset.done $0x0  }
0x95: {  	[sflag:s4] =	ssyncadd.s32 $0xFFFFFFFF  }
0x96: {  	s16 =	sld [smem:$0x10];
	(tm) =	ssettm $0x1  }
0x97: {  	s17 =	sld [smem:$0x3FFB];
	_ =	sdelay $0x3  }
0x98: {  	_ =	strace s17  }
0x99: {  	s4 =	sld [smem:$0x3FFC];
	_ =	sdelay $0x3  }
0x9a: {  	_ =	strace s4  }
0x9b: {  	s4 =	sld [smem:$0x3FFD];
	_ =	sdelay $0x3  }
0x9c: {  	_ =	strace s4  }
0x9d: {  	_ =	strace $0x8FFFFFFF  }
0x9e: {  	s18 =	sld [smem:$0x3FDB];
	_ =	sdelay $0x1  }
0x9f: {  	s19 =	simm.s32 $_scs_section_size  }
0xa0: {  	s6 =	simm.s32 $_size__tile_overlayer_lowered;
	s7 =	simm.s32 $_tile_overlayer_lowered  }
0xa1: {  	s22 =	simm.s32 $0x1BFF;
	s21 =	sshll.u32 s7, $0x1;
	s4 =	sadd.s32 s19, s18  }
0xa2: {  	s8 =	simm.s32 $0x0;
	s20 =	sshll.u32 s6, $0x1;
	s6 =	sadd.s32 s21, s4  }
0xa3: {  	[timem:s8], [sflag:s22] =	dma.local [hbm:s6], s20  }
0xa4: {  	_ =	swait.ge [sflag:s22], s20  }
0xa5: {  	s5 =	ssub.s32 $0x0, s20;
	[sflag:s22] =	ssyncset.done $0x0  }
0xa6: {  	[sflag:s22] =	ssyncadd.s32 s5;
	_ =	sdelay $0x1  }
0xa7: {  	s23 =	simm.s32 $0x1B8B  }
0xa8: {  	_ =	swait.ge [sflag:s23], $0x1  }
0xa9: {  	[sflag:s23] =	ssyncset.done $0x0  }
0xaa: {  	s25 =	simm.s32 $0x1B8E;
	s24 =	sld [smem:$0x3FFE];
	[sflag:s23] =	ssyncadd.s32 $0xFFFFFFFF  }
0xab: {  	s26 =	simm.s32 $execute0_lowered;
	[smem:$0x3FD2] =	sst s25  }
0xac: {  	s6 =	sshll.u32 s26, $0x1;
	_ =	strace $0x80000046;
	[dreg:$0x1] =	wrdreg $0xFFFFFFFF  }
0xad: {  	s28 =	simm.s32 $_size_execute0_lowered;
	s4 =	sadd.s32 s4, s6;
	[dreg:$0x0] =	wrdreg $0x0  }
0xae: {  	s6 =	sshll.u32 s28, $0x1;
	[dreg:$0x2] =	wrdreg s4  }
0xaf: {  	[dreg:$0x3] =	wrdreg s6  }
0xb0: {  	[dreg:$0x4] =	wrdreg $0xC0  }
0xb1: {  	_ =	task [dreg:s8], $0x5FFFF  }
0xb2: {  	[dreg:$0x1] =	wrdreg $0xFFFFFFFF  }
0xb3: {  	[dreg:$0x0] =	wrdreg $0x60  }
0xb4: {  	[dreg:$0x2] =	wrdreg s16  }
0xb5: {  	[dreg:$0x3] =	wrdreg s15  }
0xb6: {  	[dreg:$0x4] =	wrdreg s24  }
0xb7: {  	[dreg:$0x5] =	wrdreg $0xDE800  }
0xb8: {  	[dreg:$0x6] =	wrdreg $0x9  }
0xb9: {  	_ =	task.clear_ibuf [dreg:s8], $0x7FFFF;
	_ =	strace $0x90000046  }
0xba: {  	s29 =	simm.s32 $0x9;
	_ =	strace $0x80000050  }
0xbb: {  	_ =	swait.ge [sflag:s29], $0x1  }
0xbc: {  	[sflag:s29] =	ssyncadd.s32 $0xFFFFFFFF  }
0xbd: {  	_ =	strace $0x90000050  }
0xbe: {  	_ =	sfence  }
0xbf: {  	s30 =	sld [smem:$0x0];
	_ =	sdelay $0x2  }
0xc0: {  	s31 =	sshll.u32 s1, $0xD;
	s1 =	sshrl.u32 s1, $0x2  }
0xc1: {  	s3 =	sand.u32 $0x4000, s31;
	s1 =	sadd.s32 s1, s30  }
0xc2: {  	s0 =	sor.u32 s3, s0;
	s1 =	sshll.u32 s1, $0x11  }
0xc3: {  	s0 =	sor.u32 s1, s0  }
0xc4: {  	s0 =	sadd.s32 $0x8F2B, s0  }
0xc5: {  	[sflag:s0] =	ssyncadd.remote.s32 $0x1  }
0xc6: {  	_ =	sfence.sel $0xFFFF  }
0xc7: {  	[dreg:$0x0] =	wrdreg $0xFFFFFFFF;
	(pc) =	sbr.abs _section_cstart, $3  }
0xc8: {  	[dreg:$0x1] =	wrdreg $0xFFFFFFFF  }
0xc9: {  	_ =	task.clear_ibuf [dreg:s8], $0x2FFFF;
	_ =	strace $0x9FFFFFFF  }
0xca: {  	(tm) =	ssettm $0x7FFFFFFF  }
0xcb: {  	_ =	shalt  }
tec
execute0_lowered:
.L_overlay_start_1:
0x0: {  	(tag) =	ssettag $0x1  }
0x1: {  	s1 =	rddreg [dreg:$0x0]  }
0x2: {  	s6 =	rddreg [dreg:$0x1]  }
0x3: {  	s5 =	rddreg [dreg:$0x2]  }
0x4: {  	s3 =	rddreg [dreg:$0x3]  }
0x5: {  	s0 =	rddreg [dreg:$0x4]  }
0x6: {  	s7 =	srdreg.scid;
	s2 =	stileid.u32  }
0x7: {  	s4 =	simm.s32 $0x0;
	s14 =	simm.s32 $0x1;
	s15 =	simm.s32 $0x2  }
0x8: {  	s16 =	simm.s32 $0x3;
	s17 =	simm.s32 $0x1480;
	s18 =	simm.s32 $0x7980  }
0x9: {  	s19 =	simm.s32 $0xA280;
	s20 =	simm.s32 $0x6;
	s21 =	simm.s32 $0x8E00  }
0xa: {  	s22 =	simm.s32 $0x4;
	s23 =	simm.s32 $0x5;
	s24 =	simm.s32 $0x7  }
0xb: {  	s25 =	simm.s32 $0x0;
	s7 =	sand.u32 $0x1, s7;
	s8 =	smul.u32 $0x2710, s2  }
0xc: {  	[smem:$0x7FF] =	sst s4;
	s9 =	smul.u32 $0x27100, s7;
	s10 =	sshll.u32 s7, $0x4  }
0xd: {  	_ =	strace $0x80000047;
	s7 =	ssub.s32 $0x2, s7;
	s10 =	sor.u32 s2, s10  }
0xe: {  	s12 =	sshrl.u32 s7, $0x1;
	s9 =	sadd.s32 s8, s9;
	s11 =	smul.u32 $0x4E00, s10  }
0xf: {  	s13 =	smul.u32 $0x9C0, s10;
	s12 =	ssub.s32 s7, s12;
	p0 =	seq.s32 s10, $0x1F  }
.Ltmp0:
0x10: {  	s7 =	sadd.s32 s8, s3;
	s8 =	simm.s32 $0x21;
	(pc) =	sbr.rel .LBB2_1-.Ltmp0, $4  }
0x11: {  	s9 =	sshrl.u32 s9, $0x3;
	s8 =	simm.s32 @!p0 $0x20;
	s10 =	smax.u32 s12, $0x1  }
0x12: {  	s12 =	simm.s32 $0x5080;
	s9 =	sadd.s32 s9, s5;
	s31 =	sshrl.u32 s11, $0x3  }
0x13: {  	s5 =	sadd.s32 s6, s13;
	s11 =	simm.s32 $0x2780;
	s6 =	sadd.s32 s6, s31  }
0x14: {  	v0 =	vimm.f32 $0.0e+00;
	v1 =	vimm.f32 $1.000000000e+00;
	v2 =	vimm.s32 $0x27100;
	s13 =	simm.s32 $0xB700;
	s9 =	sadd.s32 $0x2A00, s9;
	s6 =	sadd.s32 $0x520, s6  }
.LBB2_12:
0x15: {  	_ =	strace $0x9000004C  }
0x16: {  	[spmem:s3] =	stream.indirect.scatter.add.f32 [tilespmem:s19], [sflag:$0x5], $0x1, s21, s17, $0xb8;
	[tilespmem:$0x10598] =	vst v63  }
0x17: {  	_ =	strace $0x8000004D  }
0x18: {  	_ =	swait.ge [sflag:s22], $0x1480  }
0x19: {  	[sflag:s22] =	ssyncset.done $0x0  }
0x1a: {  	[sflag:s22] =	ssyncadd.s32 $0xFFFFEB80  }
0x1b: {  	_ =	swait.ge [sflag:s23], $0x1480  }
0x1c: {  	[sflag:s23] =	ssyncset.done $0x0  }
0x1d: {  	[sflag:s23] =	ssyncadd.s32 $0xFFFFEB80  }
0x1e: {  	_ =	strace $0x9000004D  }
0x1f: {  	_ =	strace $0x8000004E  }
0x20: {  	[bflag:$0x0] =	sbarrier.arrive $0xFFFF  }
0x21: {  	_ =	strace $0x9000004E  }
0x22: {  	_ =	strace $0x8000004F  }
0x23: {  	[tilespmem:s13], [sflag:$0x7] =	stream.linear.gather [spmem:s7], $0x2710, $0x200038;
	[tilespmem:$0x10598] =	vst v63  }
0x24: {  	_ =	swait.ge [sflag:s24], $0x2710  }
0x25: {  	s25 =	sadd.s32 $0x1, s25;
	[sflag:s24] =	ssyncset.done $0x0  }
0x26: {  	p1 =	sne.s32 s25, s10;
	[sflag:s24] =	ssyncadd.s32 $0xFFFFD8F0  }
0x27: {  	[hbm4b:s9+s4] =	stream.linear.scatter [tilespmem:s13], [sflag:$0x7], $0x2710, $0x200038;
	[tilespmem:$0x10598] =	vst v63  }
.Ltmp1:
0x28: {  	_ = 	snop;
	(pc) =	sbr.rel @!p1 .LBB2_13-.Ltmp1, $4  }
0x29: {  	_ =	swait.ge [sflag:s24], $0x2710  }
0x2a: {  	[sflag:s24] =	ssyncset.done $0x0  }
0x2b: {  	[sflag:s24] =	ssyncadd.s32 $0xFFFFD8F0  }
0x2c: {  	_ =	strace $0x9000004F  }
.LBB2_1:
0x2d: {  	[tilespmem:s4], [sflag:$0x1] =	stream.linear.gather [hbm4b:s1+s4], $0x2780, $0x38;
	[tilespmem:$0x10598] =	vst v63  }
0x2e: {  	_ = 	snop  }
0x2f: {  	[tilespmem:s11], [sflag:$0x2] =	stream.linear.gather [hbm4b:s5+s4], $0x2900, $0x38;
	[tilespmem:$0x10598] =	vst v63  }
0x30: {  	s26 =	simm.s32 $0xB740  }
0x31: {  	[tilespmem:s12], [sflag:$0x6] =	stream.linear.gather [hbm4b:s6+s4], $0x2900, $0x38;
	[tilespmem:$0x10598] =	vst v63  }
0x32: {  	[tilespmem:s26+$0xFFFFFFC0] =	vst v0  }
0x33: {  	[tilespmem:s26+$0x30] =	vst v0  }
0x34: {  	[tilespmem:s26+$0x20] =	vst v0  }
0x35: {  	[tilespmem:s26+$0x10] =	vst v0  }
0x36: {  	[tilespmem:s26+$0x0] =	vst v0  }
0x37: {  	[tilespmem:s26+$0xFFFFFFF0] =	vst v0  }
0x38: {  	s28 =	simm.s32 $0x0;
	[tilespmem:s26+$0xFFFFFFE0] =	vst v0  }
.LBB2_2:
0x39: {  	s28 =	sadd.s32 $0x8, s28;
	[tilespmem:s26+$0xFFFFFFD0] =	vst v0;
	s26 =	sadd.s32 $0x80, s26  }
0x3a: {  	[tilespmem:s26+$0xFFFFFFC0] =	vst v0;
	p1 =	slt.u32 s28, $0x268  }
0x3b: {  	[tilespmem:s26+$0x30] =	vst v0  }
.Ltmp2:
0x3c: {  	[tilespmem:s26+$0x20] =	vst v0;
	(pc) =	sbr.rel @p1 .LBB2_2-.Ltmp2, $4  }
0x3d: {  	[tilespmem:s26+$0x10] =	vst v0  }
0x3e: {  	[tilespmem:s26+$0x0] =	vst v0  }
0x3f: {  	[tilespmem:s26+$0xFFFFFFF0] =	vst v0  }
0x40: {  	[tilespmem:s26+$0xFFFFFFE0] =	vst v0  }
0x41: {  	[tilespmem:s26+$0xFFFFFFD0] =	vst v0  }
0x42: {  	s26 =	simm.s32 $0xA2C0;
	[tilespmem:$0xDE00] =	vst v0  }
0x43: {  	[spmem:s7] =	stream.linear.scatter [tilespmem:s13], [sflag:$0x3], $0x2710, $0x38;
	[tilespmem:$0x10598] =	vst v63  }
0x44: {  	[tilespmem:s26+$0xFFFFFFC0] =	vst v1  }
0x45: {  	[tilespmem:s26+$0x30] =	vst v1  }
0x46: {  	[tilespmem:s26+$0x20] =	vst v1  }
0x47: {  	[tilespmem:s26+$0x10] =	vst v1  }
0x48: {  	[tilespmem:s26+$0x0] =	vst v1  }
0x49: {  	[tilespmem:s26+$0xFFFFFFF0] =	vst v1  }
0x4a: {  	s28 =	simm.s32 $0x0;
	[tilespmem:s26+$0xFFFFFFE0] =	vst v1  }
.LBB2_4:
0x4b: {  	s28 =	sadd.s32 $0x8, s28;
	[tilespmem:s26+$0xFFFFFFD0] =	vst v1;
	s26 =	sadd.s32 $0x80, s26  }
0x4c: {  	[tilespmem:s26+$0xFFFFFFC0] =	vst v1;
	p1 =	slt.u32 s28, $0x140  }
0x4d: {  	[tilespmem:s26+$0x30] =	vst v1  }
.Ltmp3:
0x4e: {  	[tilespmem:s26+$0x20] =	vst v1;
	(pc) =	sbr.rel @p1 .LBB2_4-.Ltmp3, $4  }
0x4f: {  	[tilespmem:s26+$0x10] =	vst v1  }
0x50: {  	[tilespmem:s26+$0x0] =	vst v1  }
0x51: {  	[tilespmem:s26+$0xFFFFFFF0] =	vst v1  }
0x52: {  	[tilespmem:s26+$0xFFFFFFE0] =	vst v1  }
0x53: {  	[tilespmem:s26+$0xFFFFFFD0] =	vst v1  }
0x54: {  	_ =	strace $0x80000048  }
0x55: {  	_ =	swait.ge [sflag:s14], $0x2780  }
0x56: {  	[sflag:s14] =	ssyncset.done $0x0  }
0x57: {  	[sflag:s14] =	ssyncadd.s32 $0xFFFFD880  }
0x58: {  	_ =	swait.ge [sflag:s15], $0x2900  }
0x59: {  	[sflag:s15] =	ssyncset.done $0x0  }
0x5a: {  	[sflag:s15] =	ssyncadd.s32 $0xFFFFD700  }
0x5b: {  	_ =	strace $0x90000048  }
0x5c: {  	s29 =	simm.s32 $0x2800;
	_ =	strace $0x80000049  }
0x5d: {  	v3 =	vld [tilespmem:s29+$0xFFFFFFF0]  }
0x5e: {  	v4 =	vld [tilespmem:s29+$0xFFFFFF90]  }
0x5f: {  	v5 =	vld [tilespmem:s29+$0xFFFFFFA0]  }
0x60: {  	v6 =	vld [tilespmem:s29+$0xFFFFFFB0]  }
0x61: {  	v7 =	vld [tilespmem:s29+$0xFFFFFFC0]  }
0x62: {  	v8 =	vld [tilespmem:s29+$0xFFFFFFD0]  }
0x63: {  	v9 =	vld [tilespmem:s29+$0xFFFFFFE0]  }
0x64: {  	v10 =	vld [tilespmem:s29+$0xFFFFFF80]  }
0x65: {  	v11 =	vld [tilespmem:s29+$0x70]  }
0x66: {  	v15 =	vld [tilespmem:s29+$0x0]  }
0x67: {  	v16 =	vld [tilespmem:s29+$0x10]  }
0x68: {  	v3 =	vld.idx.msk [tilespmem:v3+s4+$0x0], $0xffff  }
0x69: {  	v4 =	vld.idx.msk [tilespmem:v4+s4+$0x0], $0xffff  }
0x6a: {  	v5 =	vld.idx.msk [tilespmem:v5+s4+$0x0], $0xffff  }
0x6b: {  	v12 =	vld.idx.msk [tilespmem:v6+s4+$0x0], $0xffff  }
0x6c: {  	v13 =	vld.idx.msk [tilespmem:v7+s4+$0x0], $0xffff  }
0x6d: {  	v7 =	vld.idx.msk [tilespmem:v10+s4+$0x0], $0xffff  }
0x6e: {  	v8 =	vld.idx.msk [tilespmem:v8+s4+$0x0], $0xffff  }
0x6f: {  	v14 =	vld.idx.msk [tilespmem:v9+s4+$0x0], $0xffff  }
0x70: {  	v9 =	vld [tilespmem:s29+$0x20];
	v10 =	vmul.u32 $0x2710, v3  }
0x71: {  	v6 =	vld [tilespmem:s29+$0x30];
	v17 =	vmul.u32 $0x2710, v4  }
0x72: {  	v3 =	vmul.u32 $0x2710, v5;
	v19 =	vmul.u32 $0x2710, v7;
	v18 =	vadd.s32 v11, v10;
	v10 =	vld [tilespmem:s29+$0x40]  }
0x73: {  	s26 =	simm.s32 $0x79C0;
	v7 =	vmul.u32 $0x2710, v12;
	v5 =	vmul.u32 $0x2710, v13;
	v4 =	vmul.u32 $0x2710, v8;
	v11 =	vld [tilespmem:s29+$0x50]  }
0x74: {  	s28 =	simm.s32 $0x0;
	v8 =	vmul.u32 $0x2710, v14;
	v12 =	vld [tilespmem:s29+$0x60];
	v14 =	vadd.s32 v15, v19;
	v13 =	vadd.s32 v16, v17;
	s29 =	simm.s32 $0x2900;
	[tilespmem:s26+$0x30] =	vst v18  }
.LBB2_6:
0x75: {  	v15 =	vld [tilespmem:s29+$0xFFFFFFF0];
	s28 =	sadd.s32 $0x8, s28;
	[tilespmem:s26+$0xFFFFFFC0] =	vst v14;
	v3 =	vadd.s32 v9, v3  }
0x76: {  	v9 =	vld [tilespmem:s29+$0xFFFFFF90];
	p1 =	slt.u32 s28, $0x140;
	[tilespmem:s26+$0xFFFFFFD0] =	vst v13;
	v6 =	vadd.s32 v6, v7  }
0x77: {  	v7 =	vld [tilespmem:s29+$0xFFFFFFA0];
	[tilespmem:s26+$0xFFFFFFE0] =	vst v3;
	v3 =	vadd.s32 v10, v5  }
0x78: {  	v5 =	vld [tilespmem:s29+$0xFFFFFFB0];
	[tilespmem:s26+$0xFFFFFFF0] =	vst v6;
	v4 =	vadd.s32 v11, v4  }
0x79: {  	v6 =	vld [tilespmem:s29+$0xFFFFFFC0];
	[tilespmem:s26+$0x0] =	vst v3;
	v3 =	vadd.s32 v12, v8  }
0x7a: {  	v8 =	vld [tilespmem:s29+$0xFFFFFFD0];
	[tilespmem:s26+$0x10] =	vst v4  }
0x7b: {  	v4 =	vld [tilespmem:s29+$0xFFFFFFE0];
	[tilespmem:s26+$0x20] =	vst v3  }
0x7c: {  	v3 =	vld [tilespmem:s29+$0xFFFFFF80]  }
0x7d: {  	v10 =	vld.idx.msk [tilespmem:v15+s4+$0x0], $0xffff  }
0x7e: {  	v9 =	vld.idx.msk [tilespmem:v9+s4+$0x0], $0xffff  }
0x7f: {  	v7 =	vld.idx.msk [tilespmem:v7+s4+$0x0], $0xffff  }
0x80: {  	v11 =	vld [tilespmem:s29+$0x70]  }
0x81: {  	v5 =	vld.idx.msk [tilespmem:v5+s4+$0x0], $0xffff  }
0x82: {  	v6 =	vld.idx.msk [tilespmem:v6+s4+$0x0], $0xffff  }
0x83: {  	v10 =	vmul.u32 $0x2710, v10;
	v8 =	vld.idx.msk [tilespmem:v8+s4+$0x0], $0xffff  }
0x84: {  	v13 =	vmul.u32 $0x2710, v9;
	v12 =	vld.idx.msk [tilespmem:v3+s4+$0x0], $0xffff  }
0x85: {  	s26 =	sadd.s32 $0x80, s26;
	v3 =	vmul.u32 $0x2710, v7;
	v14 =	vld.idx.msk [tilespmem:v4+s4+$0x0], $0xffff;
	v4 =	vadd.s32 v11, v10  }
0x86: {  	v15 =	vld [tilespmem:s29+$0x0];
	[tilespmem:s26+$0x30] =	vst v4  }
0x87: {  	v7 =	vmul.u32 $0x2710, v5;
	v16 =	vld [tilespmem:s29+$0x10]  }
.Ltmp4:
0x88: {  	v5 =	vmul.u32 $0x2710, v6;
	v9 =	vld [tilespmem:s29+$0x20];
	(pc) =	sbr.rel @p1 .LBB2_6-.Ltmp4, $4  }
0x89: {  	v4 =	vmul.u32 $0x2710, v8;
	v6 =	vld [tilespmem:s29+$0x30]  }
0x8a: {  	v12 =	vmul.u32 $0x2710, v12;
	v10 =	vld [tilespmem:s29+$0x40]  }
0x8b: {  	v8 =	vmul.u32 $0x2710, v14;
	v11 =	vld [tilespmem:s29+$0x50]  }
0x8c: {  	v14 =	vadd.s32 v15, v12;
	v13 =	vadd.s32 v16, v13;
	v12 =	vld [tilespmem:s29+$0x60];
	s29 =	sadd.s32 $0x100, s29  }
0x8d: {  	[tilespmem:s26+$0xFFFFFFC0] =	vst v14  }
0x8e: {  	v3 =	vadd.s32 v9, v3;
	[tilespmem:s26+$0xFFFFFFD0] =	vst v13  }
0x8f: {  	v6 =	vadd.s32 v6, v7;
	[tilespmem:s26+$0xFFFFFFE0] =	vst v3  }
0x90: {  	v3 =	vadd.s32 v10, v5;
	[tilespmem:s26+$0xFFFFFFF0] =	vst v6  }
0x91: {  	v4 =	vadd.s32 v11, v4;
	[tilespmem:s26+$0x0] =	vst v3  }
0x92: {  	v3 =	vadd.s32 v12, v8;
	[tilespmem:s26+$0x10] =	vst v4  }
0x93: {  	[tilespmem:s26+$0x20] =	vst v3  }
0x94: {  	_ =	strace $0x90000049  }
0x95: {  	_ =	strace $0x8000004A  }
0x96: {  	_ =	swait.ge [sflag:s16], $0x2710  }
0x97: {  	[sflag:s16] =	ssyncset.done $0x0  }
0x98: {  	[sflag:s16] =	ssyncadd.s32 $0xFFFFD8F0  }
0x99: {  	[bflag:$0x0] =	sbarrier.arrive $0xFFFF  }
0x9a: {  	_ =	strace $0x9000004A  }
0x9b: {  	[spmem:s3] =	stream.indirect.scatter.add.f32 [tilespmem:s19], [sflag:$0x4], $0x1, s18, s17, $0xb8;
	[tilespmem:$0x10598] =	vst v63  }
0x9c: {  	_ =	strace $0x8000004B  }
0x9d: {  	_ =	swait.ge [sflag:s20], $0x2900  }
0x9e: {  	[sflag:s20] =	ssyncset.done $0x0  }
0x9f: {  	[sflag:s20] =	ssyncadd.s32 $0xFFFFD700  }
0xa0: {  	_ =	strace $0x9000004B  }
0xa1: {  	s29 =	simm.s32 $0x5170;
	_ =	strace $0x8000004C  }
0xa2: {  	v3 =	vld [tilespmem:s29+$0xFFFFFF80]  }
0xa3: {  	v4 =	vld [tilespmem:s29+$0xFFFFFF20]  }
0xa4: {  	v5 =	vld [tilespmem:s29+$0xFFFFFF30]  }
0xa5: {  	v6 =	vld [tilespmem:s29+$0xFFFFFF40]  }
0xa6: {  	v7 =	vld [tilespmem:s29+$0xFFFFFF50]  }
0xa7: {  	v8 =	vld [tilespmem:s29+$0xFFFFFF60]  }
0xa8: {  	v9 =	vld [tilespmem:s29+$0xFFFFFF70]  }
0xa9: {  	v10 =	vld [tilespmem:s29+$0xFFFFFF10]  }
0xaa: {  	v11 =	vld [tilespmem:s29+$0x0]  }
0xab: {  	v15 =	vld [tilespmem:s29+$0xFFFFFF90]  }
0xac: {  	v16 =	vld [tilespmem:s29+$0xFFFFFFA0]  }
0xad: {  	v3 =	vld.idx.msk [tilespmem:v3+s4+$0x0], $0xffff  }
0xae: {  	v4 =	vld.idx.msk [tilespmem:v4+s4+$0x0], $0xffff  }
0xaf: {  	v5 =	vld.idx.msk [tilespmem:v5+s4+$0x0], $0xffff  }
0xb0: {  	v12 =	vld.idx.msk [tilespmem:v6+s4+$0x0], $0xffff  }
0xb1: {  	v13 =	vld.idx.msk [tilespmem:v7+s4+$0x0], $0xffff  }
0xb2: {  	v7 =	vld.idx.msk [tilespmem:v10+s4+$0x0], $0xffff  }
0xb3: {  	v8 =	vld.idx.msk [tilespmem:v8+s4+$0x0], $0xffff  }
0xb4: {  	v14 =	vld.idx.msk [tilespmem:v9+s4+$0x0], $0xffff  }
0xb5: {  	v9 =	vld [tilespmem:s29+$0xFFFFFFB0];
	v10 =	vmul.u32 $0x2710, v3  }
0xb6: {  	v6 =	vld [tilespmem:s29+$0xFFFFFFC0];
	v17 =	vmul.u32 $0x2710, v4  }
0xb7: {  	v3 =	vmul.u32 $0x2710, v5;
	v19 =	vmul.u32 $0x2710, v7;
	v18 =	vadd.s32 v11, v10;
	v10 =	vld [tilespmem:s29+$0xFFFFFFD0]  }
0xb8: {  	s26 =	simm.s32 $0x8E40;
	v7 =	vmul.u32 $0x2710, v12;
	v5 =	vmul.u32 $0x2710, v13;
	v4 =	vmul.u32 $0x2710, v8;
	v11 =	vld [tilespmem:s29+$0xFFFFFFE0]  }
0xb9: {  	s28 =	simm.s32 $0x0;
	v8 =	vmul.u32 $0x2710, v14;
	v12 =	vld [tilespmem:s29+$0xFFFFFFF0];
	v14 =	vadd.s32 v15, v19;
	v13 =	vadd.s32 v16, v17;
	s29 =	simm.s32 $0x5270;
	[tilespmem:s26+$0x30] =	vst v18  }
.LBB2_8:
0xba: {  	v15 =	vld [tilespmem:s29+$0xFFFFFF80];
	s28 =	sadd.s32 $0x8, s28;
	[tilespmem:s26+$0xFFFFFFC0] =	vst v14;
	v3 =	vadd.s32 v9, v3  }
0xbb: {  	v9 =	vld [tilespmem:s29+$0xFFFFFF20];
	p1 =	slt.u32 s28, $0x140;
	[tilespmem:s26+$0xFFFFFFD0] =	vst v13;
	v6 =	vadd.s32 v6, v7  }
0xbc: {  	v7 =	vld [tilespmem:s29+$0xFFFFFF30];
	[tilespmem:s26+$0xFFFFFFE0] =	vst v3;
	v3 =	vadd.s32 v10, v5  }
0xbd: {  	v5 =	vld [tilespmem:s29+$0xFFFFFF40];
	[tilespmem:s26+$0xFFFFFFF0] =	vst v6;
	v4 =	vadd.s32 v11, v4  }
0xbe: {  	v6 =	vld [tilespmem:s29+$0xFFFFFF50];
	[tilespmem:s26+$0x0] =	vst v3;
	v3 =	vadd.s32 v12, v8  }
0xbf: {  	v8 =	vld [tilespmem:s29+$0xFFFFFF60];
	[tilespmem:s26+$0x10] =	vst v4  }
0xc0: {  	v4 =	vld [tilespmem:s29+$0xFFFFFF70];
	[tilespmem:s26+$0x20] =	vst v3  }
0xc1: {  	v3 =	vld [tilespmem:s29+$0xFFFFFF10]  }
0xc2: {  	v10 =	vld.idx.msk [tilespmem:v15+s4+$0x0], $0xffff  }
0xc3: {  	v9 =	vld.idx.msk [tilespmem:v9+s4+$0x0], $0xffff  }
0xc4: {  	v7 =	vld.idx.msk [tilespmem:v7+s4+$0x0], $0xffff  }
0xc5: {  	v11 =	vld [tilespmem:s29+$0x0]  }
0xc6: {  	v5 =	vld.idx.msk [tilespmem:v5+s4+$0x0], $0xffff  }
0xc7: {  	v6 =	vld.idx.msk [tilespmem:v6+s4+$0x0], $0xffff  }
0xc8: {  	v10 =	vmul.u32 $0x2710, v10;
	v8 =	vld.idx.msk [tilespmem:v8+s4+$0x0], $0xffff  }
0xc9: {  	v13 =	vmul.u32 $0x2710, v9;
	v12 =	vld.idx.msk [tilespmem:v3+s4+$0x0], $0xffff  }
0xca: {  	s26 =	sadd.s32 $0x80, s26;
	v3 =	vmul.u32 $0x2710, v7;
	v14 =	vld.idx.msk [tilespmem:v4+s4+$0x0], $0xffff;
	v4 =	vadd.s32 v11, v10  }
0xcb: {  	v15 =	vld [tilespmem:s29+$0xFFFFFF90];
	[tilespmem:s26+$0x30] =	vst v4  }
0xcc: {  	v7 =	vmul.u32 $0x2710, v5;
	v16 =	vld [tilespmem:s29+$0xFFFFFFA0]  }
.Ltmp5:
0xcd: {  	v5 =	vmul.u32 $0x2710, v6;
	v9 =	vld [tilespmem:s29+$0xFFFFFFB0];
	(pc) =	sbr.rel @p1 .LBB2_8-.Ltmp5, $4  }
0xce: {  	v4 =	vmul.u32 $0x2710, v8;
	v6 =	vld [tilespmem:s29+$0xFFFFFFC0]  }
0xcf: {  	v12 =	vmul.u32 $0x2710, v12;
	v10 =	vld [tilespmem:s29+$0xFFFFFFD0]  }
0xd0: {  	v8 =	vmul.u32 $0x2710, v14;
	v11 =	vld [tilespmem:s29+$0xFFFFFFE0]  }
0xd1: {  	v14 =	vadd.s32 v15, v12;
	v13 =	vadd.s32 v16, v13;
	v12 =	vld [tilespmem:s29+$0xFFFFFFF0];
	s29 =	sadd.s32 $0x100, s29  }
0xd2: {  	[tilespmem:s26+$0xFFFFFFC0] =	vst v14  }
0xd3: {  	v3 =	vadd.s32 v9, v3;
	[tilespmem:s26+$0xFFFFFFD0] =	vst v13  }
.Ltmp6:
0xd4: {  	v6 =	vadd.s32 v6, v7;
	[tilespmem:s26+$0xFFFFFFE0] =	vst v3;
	(pc) =	sbr.rel @p0 .LBB2_12-.Ltmp6, $4  }
0xd5: {  	v3 =	vadd.s32 v10, v5;
	[tilespmem:s26+$0xFFFFFFF0] =	vst v6  }
0xd6: {  	v4 =	vadd.s32 v11, v4;
	[tilespmem:s26+$0x0] =	vst v3  }
0xd7: {  	v3 =	vadd.s32 v12, v8;
	[tilespmem:s26+$0x10] =	vst v4  }
0xd8: {  	[tilespmem:s26+$0x20] =	vst v3;
	s26 =	simm.s32 $0xA080  }
0xd9: {  	p1 =	sne.s32 s8, $0x1  }
.Ltmp7:
0xda: {  	_ = 	snop;
	(pc) =	sbr.rel @!p1 .LBB2_12-.Ltmp7, $2  }
0xdb: {  	_ =	sdelay $0x2  }
0xdc: {  	s28 =	sadd.s32 $0xFFFFFFFF, s8;
	[tilespmem:s26+$0x0] =	vst v2  }
.LBB2_11:
0xdd: {  	p1 =	sne.s32 s28, $0x1  }
.Ltmp8:
0xde: {  	_ = 	snop;
	(pc) =	sbr.rel @p1 .LBB2_11-.Ltmp8, $3  }
0xdf: {  	_ =	sdelay $0x1  }
0xe0: {  	s28 =	sadd.s32 $0xFFFFFFFF, s28;
	s26 =	sadd.s32 $0x10, s26  }
0xe1: {  	[tilespmem:s26+$0x0] =	vst v2  }
.Ltmp9:
0xe2: {  	_ = 	snop;
	(pc) =	sbr.rel .LBB2_12-.Ltmp9, $1  }
0xe3: {  	_ =	sdelay $0x3  }
.LBB2_13:
0xe4: {  	_ =	sfence.sel $0x180000  }
0xe5: {  	[bflag:$0x0] =	sbarrier.arrive $0xFFFF  }
0xe6: {  	p0 =	sne.s32 s2, $0x0;
	_ =	strace $0x90000047  }
0xe7: {  	s0 =	sadd.s32 @!p0 $0x100000, s0;
	[bflag:$0x2] =	sbarrier.arrive $0xFFFF  }
0xe8: {  	[sflag:s0] =	ssyncadd.tile.s32 @!p0 $0x1;
	_ =	shalt  }
.Lfunc_end2:
_tile_overlayer_lowered:
.L_overlay_start_2:
0xe9: {  	(tag) =	ssettag $0x2  }
0xea: {  	s0 =	rddreg [dreg:$0x0];
	s2 =	stileid.u32  }
0xeb: {  	s1 =	rddreg [dreg:$0x1];
	p0 =	sne.s32 s2, $0x0  }
0xec: {  	s3 =	rddreg [dreg:$0x2];
	[bflag:$0x3] =	sbarrier.arrive $0xFFFF;
	s2 =	simm.s32 @!p0 $0x1C07  }
0xed: {  	[timem:s3], [sflag:s2] =	dma.local @!p0 [hbm:s0], s1  }
0xee: {  	s0 =	simm.s32 @!p0 $0x7  }
0xef: {  	_ =	swait.ge @!p0 [sflag:s0], s1  }
0xf0: {  	s1 =	ssub.s32 @!p0 $0x0, s1;
	[sflag:s0] =	ssyncset.done @!p0 $0x0  }
0xf1: {  	[sflag:s0] =	ssyncadd.s32 @!p0 s1  }
0xf2: {  	[bflag:$0x3] =	sbarrier.arrive $0xFFFF  }
0xf3: {  	_ =	shalt  }

</sc_bundles>
